<compile_context>
chip_gen: v7x
topology: tpu7x:2x2x1
jax: 0.10.2.dev20260603
libtpu: 0.0.44.dev20260713+nightly
codegen_flags: <defaults>
</compile_context>

<pallas_src>
import functools

import jax
import jax.numpy as jnp
import numpy as np
from jax import lax
from jax.experimental import pallas as pl
from jax.experimental.pallas import tpu as pltpu
from jax.experimental.pallas import tpu_sc as plsc

B = 4096
F = 26
V = 1001
D = 29
DP = 32
G = 7
FP = 4 * G
CIN = G * 128

_NW = 32
_NS = 1
_BH = B // _NS
_BPW = _BH // _NW
_NPW = _BPW * FP
_NRW = _BPW * F


def _perm_offs():
    p = np.arange(_NPW)
    t, r = p // 224, p % 224
    g, q = r // 32, r % 32
    sub, fi = q // 4, q % 4
    f = 4 * g + fi
    b_local = 8 * t + sub
    valid = f < F
    perm = np.where(valid, b_local * F + np.minimum(f, F - 1), 0)
    offs = np.where(valid, f * V, (p * 997) % (F * V - V))
    return (jnp.asarray(perm, dtype=jnp.int32), jnp.asarray(offs, dtype=jnp.int32))


_NH = _NPW // 2


def _gather_body(table_hbm, idx_hbm, perm_hbm, offs_hbm, out_hbm,
                 raw_v, perm_v, offs_v, rows_v, sem_g):
    c = lax.axis_index("c")
    s = lax.axis_index("s")
    wid = s * 2 + c

    pltpu.sync_copy(idx_hbm.at[pl.ds(wid * _NRW, _NRW)], raw_v)
    pltpu.sync_copy(perm_hbm, perm_v)
    pltpu.sync_copy(offs_hbm, offs_v)
    for i in range(_NPW // 16):
        sl = pl.ds(i * 16, 16)
        pv = perm_v[sl]
        gathered = plsc.load_gather(raw_v, [pv])
        perm_v[sl] = gathered + offs_v[sl]
    pltpu.async_copy(table_hbm.at[perm_v], rows_v, sem_g).wait()
    pltpu.sync_copy(rows_v, out_hbm.at[pl.ds(wid * _NPW, _NPW), :])


def _sc_gather(table_flat, idx_raw, perm, offs):
    mesh = plsc.VectorSubcoreMesh(core_axis_name="c", subcore_axis_name="s")
    k = functools.partial(
        pl.kernel,
        mesh=mesh,
        out_type=jax.ShapeDtypeStruct((_BH * FP, DP), jnp.float32),
        scratch_types=[
            pltpu.VMEM((_NRW,), jnp.int32),
            pltpu.VMEM((_NPW,), jnp.int32),
            pltpu.VMEM((_NPW,), jnp.int32),
            pltpu.VMEM((_NPW, DP), jnp.float32),
            pltpu.SemaphoreType.DMA,
        ],
        compiler_params=pltpu.CompilerParams(
            use_tc_tiling_on_sc=False, needs_layout_passes=False
        ),
    )(_gather_body)
    return k(table_flat, idx_raw, perm, offs)


def _mlp_body(x_ref, w1, b1, w2, b2, w3, b3, w4, b4, w5, b5, w6, b6, o_ref):
    v = x_ref[...]
    v4 = v.reshape(_BB // 8, G, 8, 128)
    h = b1[...]
    for g in range(G):
        xg = v4[:, g].reshape(_BB, 128)
        h = h + jnp.dot(xg, w1[pl.ds(g * 128, 128), :], preferred_element_type=jnp.float32)
    h = jnp.maximum(h, 0.0)
    h = jnp.maximum(jnp.dot(h, w2[...], preferred_element_type=jnp.float32) + b2[...], 0.0)
    h = jnp.maximum(jnp.dot(h, w3[...], preferred_element_type=jnp.float32) + b3[...], 0.0)
    h = jnp.maximum(jnp.dot(h, w4[...], preferred_element_type=jnp.float32) + b4[...], 0.0)
    h = jnp.maximum(jnp.dot(h, w5[...], preferred_element_type=jnp.float32) + b5[...], 0.0)
    z = jnp.dot(h, w6[...], preferred_element_type=jnp.float32) + b6[...]
    o_ref[...] = jax.nn.sigmoid(z)


_BB = 512


def _tc_mlp(x128, *args):
    full = lambda a: pl.BlockSpec(a.shape, lambda i: (0, 0))
    return pl.pallas_call(
        _mlp_body,
        grid=(_BH // _BB,),
        in_specs=[pl.BlockSpec((_BB * G, 128), lambda i: (i, 0))]
        + [full(a) for a in args],
        out_specs=pl.BlockSpec((_BB, 1), lambda i: (i, 0)),
        out_shape=jax.ShapeDtypeStruct((_BH, 1), jnp.float32),
    )(x128, *args)


def kernel(indices, emb_tables, W1, b1, W2, b2, W3, b3, W4, b4, W5, b5, W6, b6):
    table_flat = jnp.pad(emb_tables, ((0, 0), (0, 0), (0, DP - D))).reshape(F * V, DP)
    perm, offs = _perm_offs()
    w1p = jnp.pad(W1.reshape(F, D, -1), ((0, FP - F), (0, DP - D), (0, 0))).reshape(CIN, -1)
    ws = (w1p, W2, W3, W4, W5, W6)
    bs = (b1, b2, b3, b4, b5, b6)
    args = []
    for w, bias in zip(ws, bs):
        args += [w, bias.reshape(1, -1)]

    idx_all = indices.astype(jnp.int32).reshape(_NS, _BH * F)
    outs = []
    for h in range(_NS):
        x = _sc_gather(table_flat, idx_all[h], perm, offs)
        outs.append(_tc_mlp(x.reshape(_BH * G, 128), *args))
    return jnp.concatenate(outs, axis=0)

# --- scband reference (transcript-rebuilt; emitter-appended) ---
"""Pipeline reference for scband-basic-ranker-68143951119076 (READ-ONLY COPY).

The authoritative reference and input builder live on the scoring server;
editing this copy changes nothing except your own understanding.
"""

import jax, jax.numpy as jnp
import numpy as np

B = 4096
F = 26
V = 1001
D = 29
CONCAT = F * D
HID = [256, 128, 64, 32, 16, 1]


def setup_inputs(seed: int = 0) -> dict:
    key = jax.random.key(seed)
    ks = jax.random.split(key, 16)
    inp = {}
    inp["indices"] = jax.random.randint(ks[0], (B, F), 0, V)
    inp["emb_tables"] = jax.random.normal(ks[1], (F, V, D), dtype=jnp.float32) * 0.05
    dims = [CONCAT] + HID
    for i in range(6):
        fan_in = dims[i]
        fan_out = dims[i + 1]
        scale = (2.0 / (fan_in + fan_out)) ** 0.5
        inp[f"W{i+1}"] = jax.random.normal(ks[2 + 2 * i], (fan_in, fan_out), dtype=jnp.float32) * scale
        inp[f"b{i+1}"] = jnp.zeros((fan_out,), dtype=jnp.float32)
    return inp


def reference(indices, emb_tables, W1, b1, W2, b2, W3, b3, W4, b4, W5, b5, W6, b6):
    # Per-field embedding lookup: each field f has its own table emb_tables[f]
    field_ids = jnp.arange(emb_tables.shape[0])[None, :]  # [1, F]
    emb = emb_tables[field_ids, indices]  # [B, F, D]
    x = emb.reshape(emb.shape[0], -1)  # concat along axis 1 -> [B, F*D]
    x = jax.nn.relu(x @ W1 + b1)
    x = jax.nn.relu(x @ W2 + b2)
    x = jax.nn.relu(x @ W3 + b3)
    x = jax.nn.relu(x @ W4 + b4)
    x = jax.nn.relu(x @ W5 + b5)
    out = jax.nn.sigmoid(x @ W6 + b6)
    return out

if __name__ == "__main__":
    import jax
    _d = setup_inputs()
    print(jax.jit(kernel)(*tuple(_d.values())))

</pallas_src>

<mosaic_0001>
#map = affine_map<(d0, d1) -> (0, 0)>
#map1 = affine_map<(d0, d1) -> (0)>
module attributes {stable_mosaic.version = 14 : i64} {
  func.func @_gather_body(%arg0: i32, %arg1: i32, %arg2: memref<26026x32xf32, #tpu.memory_space<hbm>>, %arg3: memref<106496xi32, #tpu.memory_space<hbm>>, %arg4: memref<3584xi32, #tpu.memory_space<hbm>>, %arg5: memref<3584xi32, #tpu.memory_space<hbm>>, %arg6: memref<114688x32xf32, #tpu.memory_space<hbm>>, %arg7: memref<3328xi32, #tpu.memory_space<vmem>>, %arg8: memref<3584xi32, #tpu.memory_space<vmem>>, %arg9: memref<3584xi32, #tpu.memory_space<vmem>>, %arg10: memref<3584x32xf32, #tpu.memory_space<vmem>>, %arg11: memref<!tpu.dma_semaphore, #tpu.memory_space<semaphore_mem>>) attributes {dimension_semantics = [#tpu.dimension_semantics<core_parallel>, #tpu.dimension_semantics<subcore_parallel>], iteration_bounds = array<i64: 2, 16>, scalar_prefetch = 0 : i64, scratch_operands = 5 : i64, tpu.core_type = #tpu.core_type<sc_vector_subcore>, window_params = [{transform_indices = #map}, {transform_indices = #map1}, {transform_indices = #map1}, {transform_indices = #map1}, {transform_indices = #map}]} {
    %mul3A = arith.constant 2 : i32
    %mul3A_0 = arith.muli %arg1, %mul3A : i32
    %add3A = arith.addi %mul3A_0, %arg0 : i32
    %mul3A_1 = arith.constant 3328 : i32
    %mul3A_2 = arith.muli %add3A, %mul3A_1 : i32
    "tpu.region"() ({
      %run_scoped3A = tpu.sem_alloc : memref<!tpu.dma_semaphore, #tpu.memory_space<semaphore_mem>>
      %dma_start3A_1798 = tpu.memref_slice %arg3[%mul3A_2] : memref<106496xi32, #tpu.memory_space<hbm>> -> memref<3328xi32, #tpu.memory_space<hbm>>
      %dma_start3A_1799 = tpu.memref_slice %arg3[%mul3A_2] : memref<106496xi32, #tpu.memory_space<hbm>> -> memref<3328xi32, #tpu.memory_space<hbm>>
      tpu.enqueue_dma source(%dma_start3A_1799 : memref<3328xi32, #tpu.memory_space<hbm>>) target(%arg7 : memref<3328xi32, #tpu.memory_space<vmem>>) target_semaphore(%run_scoped3A : memref<!tpu.dma_semaphore, #tpu.memory_space<semaphore_mem>>)
      %dma_wait3A_1800 = tpu.memref_slice %arg3[%mul3A_2] : memref<106496xi32, #tpu.memory_space<hbm>> -> memref<3328xi32, #tpu.memory_space<hbm>>
      %dma_wait3A_1801 = tpu.memref_slice %arg3[%mul3A_2] : memref<106496xi32, #tpu.memory_space<hbm>> -> memref<3328xi32, #tpu.memory_space<hbm>>
      tpu.wait_dma2 semaphore(%run_scoped3A : memref<!tpu.dma_semaphore, #tpu.memory_space<semaphore_mem>>) src(%dma_wait3A_1801 : memref<3328xi32, #tpu.memory_space<hbm>>) dst(%arg7 : memref<3328xi32, #tpu.memory_space<vmem>>)
      tpu.yield
    }) : () -> ()
    "tpu.region"() ({
      %run_scoped3A = tpu.sem_alloc : memref<!tpu.dma_semaphore, #tpu.memory_space<semaphore_mem>>
      tpu.enqueue_dma source(%arg4 : memref<3584xi32, #tpu.memory_space<hbm>>) target(%arg8 : memref<3584xi32, #tpu.memory_space<vmem>>) target_semaphore(%run_scoped3A : memref<!tpu.dma_semaphore, #tpu.memory_space<semaphore_mem>>)
      tpu.wait_dma2 semaphore(%run_scoped3A : memref<!tpu.dma_semaphore, #tpu.memory_space<semaphore_mem>>) src(%arg4 : memref<3584xi32, #tpu.memory_space<hbm>>) dst(%arg8 : memref<3584xi32, #tpu.memory_space<vmem>>)
      tpu.yield
    }) : () -> ()
    "tpu.region"() ({
      %run_scoped3A = tpu.sem_alloc : memref<!tpu.dma_semaphore, #tpu.memory_space<semaphore_mem>>
      tpu.enqueue_dma source(%arg5 : memref<3584xi32, #tpu.memory_space<hbm>>) target(%arg9 : memref<3584xi32, #tpu.memory_space<vmem>>) target_semaphore(%run_scoped3A : memref<!tpu.dma_semaphore, #tpu.memory_space<semaphore_mem>>)
      tpu.wait_dma2 semaphore(%run_scoped3A : memref<!tpu.dma_semaphore, #tpu.memory_space<semaphore_mem>>) src(%arg5 : memref<3584xi32, #tpu.memory_space<hbm>>) dst(%arg9 : memref<3584xi32, #tpu.memory_space<vmem>>)
      tpu.yield
    }) : () -> ()
    %get3A = arith.constant 0 : index
    %get3A_3 = tpu.vector_load %arg8[%get3A] {strides = array<i32>} : memref<3584xi32, #tpu.memory_space<vmem>>, vector<16xi32>,
    %gather3A = tpu.vector_load_idx %arg7[%get3A_3] : memref<3328xi32, #tpu.memory_space<vmem>>[vector<16xi32>], vector<16xi32>,
    %get3A_4 = arith.constant 0 : index
    %get3A_5 = tpu.vector_load %arg9[%get3A_4] {strides = array<i32>} : memref<3584xi32, #tpu.memory_space<vmem>>, vector<16xi32>,
    %add3A_6 = arith.addi %gather3A, %get3A_5 : vector<16xi32>
    %swap3A = arith.constant 0 : index
    %swap3A_7 = tpu.vector_load %arg8[%swap3A] {strides = array<i32>} : memref<3584xi32, #tpu.memory_space<vmem>>, vector<16xi32>,
    tpu.vector_store %arg8[%swap3A], %add3A_6 {strides = array<i32>} : memref<3584xi32, #tpu.memory_space<vmem>>, vector<16xi32>,
    %get3A_8 = arith.constant 16 : index
    %get3A_9 = tpu.vector_load %arg8[%get3A_8] {strides = array<i32>} : memref<3584xi32, #tpu.memory_space<vmem>>, vector<16xi32>,
    %gather3A_10 = tpu.vector_load_idx %arg7[%get3A_9] : memref<3328xi32, #tpu.memory_space<vmem>>[vector<16xi32>], vector<16xi32>,
    %get3A_11 = arith.constant 16 : index
    %get3A_12 = tpu.vector_load %arg9[%get3A_11] {strides = array<i32>} : memref<3584xi32, #tpu.memory_space<vmem>>, vector<16xi32>,
    %add3A_13 = arith.addi %gather3A_10, %get3A_12 : vector<16xi32>
    %swap3A_14 = arith.constant 16 : index
    %swap3A_15 = tpu.vector_load %arg8[%swap3A_14] {strides = array<i32>} : memref<3584xi32, #tpu.memory_space<vmem>>, vector<16xi32>,
    tpu.vector_store %arg8[%swap3A_14], %add3A_13 {strides = array<i32>} : memref<3584xi32, #tpu.memory_space<vmem>>, vector<16xi32>,
    %get3A_16 = arith.constant 32 : index
    %get3A_17 = tpu.vector_load %arg8[%get3A_16] {strides = array<i32>} : memref<3584xi32, #tpu.memory_space<vmem>>, vector<16xi32>,
    %gather3A_18 = tpu.vector_load_idx %arg7[%get3A_17] : memref<3328xi32, #tpu.memory_space<vmem>>[vector<16xi32>], vector<16xi32>,
    %get3A_19 = arith.constant 32 : index
    %get3A_20 = tpu.vector_load %arg9[%get3A_19] {strides = array<i32>} : memref<3584xi32, #tpu.memory_space<vmem>>, vector<16xi32>,
    %add3A_21 = arith.addi %gather3A_18, %get3A_20 : vector<16xi32>
    %swap3A_22 = arith.constant 32 : index
    %swap3A_23 = tpu.vector_load %arg8[%swap3A_22] {strides = array<i32>} : memref<3584xi32, #tpu.memory_space<vmem>>, vector<16xi32>,
    tpu.vector_store %arg8[%swap3A_22], %add3A_21 {strides = array<i32>} : memref<3584xi32, #tpu.memory_space<vmem>>, vector<16xi32>,
    %get3A_24 = arith.constant 48 : index
    %get3A_25 = tpu.vector_load %arg8[%get3A_24] {strides = array<i32>} : memref<3584xi32, #tpu.memory_space<vmem>>, vector<16xi32>,
    %gather3A_26 = tpu.vector_load_idx %arg7[%get3A_25] : memref<3328xi32, #tpu.memory_space<vmem>>[vector<16xi32>], vector<16xi32>,
    %get3A_27 = arith.constant 48 : index
    %get3A_28 = tpu.vector_load %arg9[%get3A_27] {strides = array<i32>} : memref<3584xi32, #tpu.memory_space<vmem>>, vector<16xi32>,
    %add3A_29 = arith.addi %gather3A_26, %get3A_28 : vector<16xi32>
    %swap3A_30 = arith.constant 48 : index
    %swap3A_31 = tpu.vector_load %arg8[%swap3A_30] {strides = array<i32>} : memref<3584xi32, #tpu.memory_space<vmem>>, vector<16xi32>,
    tpu.vector_store %arg8[%swap3A_30], %add3A_29 {strides = array<i32>} : memref<3584xi32, #tpu.memory_space<vmem>>, vector<16xi32>,
    %get3A_32 = arith.constant 64 : index
    %get3A_33 = tpu.vector_load %arg8[%get3A_32] {strides = array<i32>} : memref<3584xi32, #tpu.memory_space<vmem>>, vector<16xi32>,
    %gather3A_34 = tpu.vector_load_idx %arg7[%get3A_33] : memref<3328xi32, #tpu.memory_space<vmem>>[vector<16xi32>], vector<16xi32>,
    %get3A_35 = arith.constant 64 : index
    %get3A_36 = tpu.vector_load %arg9[%get3A_35] {strides = array<i32>} : memref<3584xi32, #tpu.memory_space<vmem>>, vector<16xi32>,
    %add3A_37 = arith.addi %gather3A_34, %get3A_36 : vector<16xi32>
    %swap3A_38 = arith.constant 64 : index
    %swap3A_39 = tpu.vector_load %arg8[%swap3A_38] {strides = array<i32>} : memref<3584xi32, #tpu.memory_space<vmem>>, vector<16xi32>,
    tpu.vector_store %arg8[%swap3A_38], %add3A_37 {strides = array<i32>} : memref<3584xi32, #tpu.memory_space<vmem>>, vector<16xi32>,
    %get3A_40 = arith.constant 80 : index
    %get3A_41 = tpu.vector_load %arg8[%get3A_40] {strides = array<i32>} : memref<3584xi32, #tpu.memory_space<vmem>>, vector<16xi32>,
    %gather3A_42 = tpu.vector_load_idx %arg7[%get3A_41] : memref<3328xi32, #tpu.memory_space<vmem>>[vector<16xi32>], vector<16xi32>,
    %get3A_43 = arith.constant 80 : index
    %get3A_44 = tpu.vector_load %arg9[%get3A_43] {strides = array<i32>} : memref<3584xi32, #tpu.memory_space<vmem>>, vector<16xi32>,
    %add3A_45 = arith.addi %gather3A_42, %get3A_44 : vector<16xi32>
    %swap3A_46 = arith.constant 80 : index
    %swap3A_47 = tpu.vector_load %arg8[%swap3A_46] {strides = array<i32>} : memref<3584xi32, #tpu.memory_space<vmem>>, vector<16xi32>,
    tpu.vector_store %arg8[%swap3A_46], %add3A_45 {strides = array<i32>} : memref<3584xi32, #tpu.memory_space<vmem>>, vector<16xi32>,
    %get3A_48 = arith.constant 96 : index
    %get3A_49 = tpu.vector_load %arg8[%get3A_48] {strides = array<i32>} : memref<3584xi32, #tpu.memory_space<vmem>>, vector<16xi32>,
    %gather3A_50 = tpu.vector_load_idx %arg7[%get3A_49] : memref<3328xi32, #tpu.memory_space<vmem>>[vector<16xi32>], vector<16xi32>,
    %get3A_51 = arith.constant 96 : index
    %get3A_52 = tpu.vector_load %arg9[%get3A_51] {strides = array<i32>} : memref<3584xi32, #tpu.memory_space<vmem>>, vector<16xi32>,
    %add3A_53 = arith.addi %gather3A_50, %get3A_52 : vector<16xi32>
    %swap3A_54 = arith.constant 96 : index
    %swap3A_55 = tpu.vector_load %arg8[%swap3A_54] {strides = array<i32>} : memref<3584xi32, #tpu.memory_space<vmem>>, vector<16xi32>,
    tpu.vector_store %arg8[%swap3A_54], %add3A_53 {strides = array<i32>} : memref<3584xi32, #tpu.memory_space<vmem>>, vector<16xi32>,
    %get3A_56 = arith.constant 112 : index
    %get3A_57 = tpu.vector_load %arg8[%get3A_56] {strides = array<i32>} : memref<3584xi32, #tpu.memory_space<vmem>>, vector<16xi32>,
    %gather3A_58 = tpu.vector_load_idx %arg7[%get3A_57] : memref<3328xi32, #tpu.memory_space<vmem>>[vector<16xi32>], vector<16xi32>,
    %get3A_59 = arith.constant 112 : index
    %get3A_60 = tpu.vector_load %arg9[%get3A_59] {strides = array<i32>} : memref<3584xi32, #tpu.memory_space<vmem>>, vector<16xi32>,
    %add3A_61 = arith.addi %gather3A_58, %get3A_60 : vector<16xi32>
    %swap3A_62 = arith.constant 112 : index
    %swap3A_63 = tpu.vector_load %arg8[%swap3A_62] {strides = array<i32>} : memref<3584xi32, #tpu.memory_space<vmem>>, vector<16xi32>,
    tpu.vector_store %arg8[%swap3A_62], %add3A_61 {strides = array<i32>} : memref<3584xi32, #tpu.memory_space<vmem>>, vector<16xi32>,
    %get3A_64 = arith.constant 128 : index
    %get3A_65 = tpu.vector_load %arg8[%get3A_64] {strides = array<i32>} : memref<3584xi32, #tpu.memory_space<vmem>>, vector<16xi32>,
    %gather3A_66 = tpu.vector_load_idx %arg7[%get3A_65] : memref<3328xi32, #tpu.memory_space<vmem>>[vector<16xi32>], vector<16xi32>,
    %get3A_67 = arith.constant 128 : index
    %get3A_68 = tpu.vector_load %arg9[%get3A_67] {strides = array<i32>} : memref<3584xi32, #tpu.memory_space<vmem>>, vector<16xi32>,
    %add3A_69 = arith.addi %gather3A_66, %get3A_68 : vector<16xi32>
    %swap3A_70 = arith.constant 128 : index
    %swap3A_71 = tpu.vector_load %arg8[%swap3A_70] {strides = array<i32>} : memref<3584xi32, #tpu.memory_space<vmem>>, vector<16xi32>,
    tpu.vector_store %arg8[%swap3A_70], %add3A_69 {strides = array<i32>} : memref<3584xi32, #tpu.memory_space<vmem>>, vector<16xi32>,
    %get3A_72 = arith.constant 144 : index
    %get3A_73 = tpu.vector_load %arg8[%get3A_72] {strides = array<i32>} : memref<3584xi32, #tpu.memory_space<vmem>>, vector<16xi32>,
    %gather3A_74 = tpu.vector_load_idx %arg7[%get3A_73] : memref<3328xi32, #tpu.memory_space<vmem>>[vector<16xi32>], vector<16xi32>,
    %get3A_75 = arith.constant 144 : index
    %get3A_76 = tpu.vector_load %arg9[%get3A_75] {strides = array<i32>} : memref<3584xi32, #tpu.memory_space<vmem>>, vector<16xi32>,
    %add3A_77 = arith.addi %gather3A_74, %get3A_76 : vector<16xi32>
    %swap3A_78 = arith.constant 144 : index
    %swap3A_79 = tpu.vector_load %arg8[%swap3A_78] {strides = array<i32>} : memref<3584xi32, #tpu.memory_space<vmem>>, vector<16xi32>,
    tpu.vector_store %arg8[%swap3A_78], %add3A_77 {strides = array<i32>} : memref<3584xi32, #tpu.memory_space<vmem>>, vector<16xi32>,
    %get3A_80 = arith.constant 160 : index
    %get3A_81 = tpu.vector_load %arg8[%get3A_80] {strides = array<i32>} : memref<3584xi32, #tpu.memory_space<vmem>>, vector<16xi32>,
    %gather3A_82 = tpu.vector_load_idx %arg7[%get3A_81] : memref<3328xi32, #tpu.memory_space<vmem>>[vector<16xi32>], vector<16xi32>,
    %get3A_83 = arith.constant 160 : index
    %get3A_84 = tpu.vector_load %arg9[%get3A_83] {strides = array<i32>} : memref<3584xi32, #tpu.memory_space<vmem>>, vector<16xi32>,
    %add3A_85 = arith.addi %gather3A_82, %get3A_84 : vector<16xi32>
    %swap3A_86 = arith.constant 160 : index
    %swap3A_87 = tpu.vector_load %arg8[%swap3A_86] {strides = array<i32>} : memref<3584xi32, #tpu.memory_space<vmem>>, vector<16xi32>,
    tpu.vector_store %arg8[%swap3A_86], %add3A_85 {strides = array<i32>} : memref<3584xi32, #tpu.memory_space<vmem>>, vector<16xi32>,
    %get3A_88 = arith.constant 176 : index
    %get3A_89 = tpu.vector_load %arg8[%get3A_88] {strides = array<i32>} : memref<3584xi32, #tpu.memory_space<vmem>>, vector<16xi32>,
    %gather3A_90 = tpu.vector_load_idx %arg7[%get3A_89] : memref<3328xi32, #tpu.memory_space<vmem>>[vector<16xi32>], vector<16xi32>,
    %get3A_91 = arith.constant 176 : index
    %get3A_92 = tpu.vector_load %arg9[%get3A_91] {strides = array<i32>} : memref<3584xi32, #tpu.memory_space<vmem>>, vector<16xi32>,
    %add3A_93 = arith.addi %gather3A_90, %get3A_92 : vector<16xi32>
    %swap3A_94 = arith.constant 176 : index
    %swap3A_95 = tpu.vector_load %arg8[%swap3A_94] {strides = array<i32>} : memref<3584xi32, #tpu.memory_space<vmem>>, vector<16xi32>,
    tpu.vector_store %arg8[%swap3A_94], %add3A_93 {strides = array<i32>} : memref<3584xi32, #tpu.memory_space<vmem>>, vector<16xi32>,
    %get3A_96 = arith.constant 192 : index
    %get3A_97 = tpu.vector_load %arg8[%get3A_96] {strides = array<i32>} : memref<3584xi32, #tpu.memory_space<vmem>>, vector<16xi32>,
    %gather3A_98 = tpu.vector_load_idx %arg7[%get3A_97] : memref<3328xi32, #tpu.memory_space<vmem>>[vector<16xi32>], vector<16xi32>,
    %get3A_99 = arith.constant 192 : index
    %get3A_100 = tpu.vector_load %arg9[%get3A_99] {strides = array<i32>} : memref<3584xi32, #tpu.memory_space<vmem>>, vector<16xi32>,
    %add3A_101 = arith.addi %gather3A_98, %get3A_100 : vector<16xi32>
    %swap3A_102 = arith.constant 192 : index
    %swap3A_103 = tpu.vector_load %arg8[%swap3A_102] {strides = array<i32>} : memref<3584xi32, #tpu.memory_space<vmem>>, vector<16xi32>,
    tpu.vector_store %arg8[%swap3A_102], %add3A_101 {strides = array<i32>} : memref<3584xi32, #tpu.memory_space<vmem>>, vector<16xi32>,
    %get3A_104 = arith.constant 208 : index
    %get3A_105 = tpu.vector_load %arg8[%get3A_104] {strides = array<i32>} : memref<3584xi32, #tpu.memory_space<vmem>>, vector<16xi32>,
    %gather3A_106 = tpu.vector_load_idx %arg7[%get3A_105] : memref<3328xi32, #tpu.memory_space<vmem>>[vector<16xi32>], vector<16xi32>,
    %get3A_107 = arith.constant 208 : index
    %get3A_108 = tpu.vector_load %arg9[%get3A_107] {strides = array<i32>} : memref<3584xi32, #tpu.memory_space<vmem>>, vector<16xi32>,
    %add3A_109 = arith.addi %gather3A_106, %get3A_108 : vector<16xi32>
    %swap3A_110 = arith.constant 208 : index
    %swap3A_111 = tpu.vector_load %arg8[%swap3A_110] {strides = array<i32>} : memref<3584xi32, #tpu.memory_space<vmem>>, vector<16xi32>,
    tpu.vector_store %arg8[%swap3A_110], %add3A_109 {strides = array<i32>} : memref<3584xi32, #tpu.memory_space<vmem>>, vector<16xi32>,
    %get3A_112 = arith.constant 224 : index
    %get3A_113 = tpu.vector_load %arg8[%get3A_112] {strides = array<i32>} : memref<3584xi32, #tpu.memory_space<vmem>>, vector<16xi32>,
    %gather3A_114 = tpu.vector_load_idx %arg7[%get3A_113] : memref<3328xi32, #tpu.memory_space<vmem>>[vector<16xi32>], vector<16xi32>,
    %get3A_115 = arith.constant 224 : index
    %get3A_116 = tpu.vector_load %arg9[%get3A_115] {strides = array<i32>} : memref<3584xi32, #tpu.memory_space<vmem>>, vector<16xi32>,
    %add3A_117 = arith.addi %gather3A_114, %get3A_116 : vector<16xi32>
    %swap3A_118 = arith.constant 224 : index
    %swap3A_119 = tpu.vector_load %arg8[%swap3A_118] {strides = array<i32>} : memref<3584xi32, #tpu.memory_space<vmem>>, vector<16xi32>,
    tpu.vector_store %arg8[%swap3A_118], %add3A_117 {strides = array<i32>} : memref<3584xi32, #tpu.memory_space<vmem>>, vector<16xi32>,
    %get3A_120 = arith.constant 240 : index
    %get3A_121 = tpu.vector_load %arg8[%get3A_120] {strides = array<i32>} : memref<3584xi32, #tpu.memory_space<vmem>>, vector<16xi32>,
    %gather3A_122 = tpu.vector_load_idx %arg7[%get3A_121] : memref<3328xi32, #tpu.memory_space<vmem>>[vector<16xi32>], vector<16xi32>,
    %get3A_123 = arith.constant 240 : index
    %get3A_124 = tpu.vector_load %arg9[%get3A_123] {strides = array<i32>} : memref<3584xi32, #tpu.memory_space<vmem>>, vector<16xi32>,
    %add3A_125 = arith.addi %gather3A_122, %get3A_124 : vector<16xi32>
    %swap3A_126 = arith.constant 240 : index
    %swap3A_127 = tpu.vector_load %arg8[%swap3A_126] {strides = array<i32>} : memref<3584xi32, #tpu.memory_space<vmem>>, vector<16xi32>,
    tpu.vector_store %arg8[%swap3A_126], %add3A_125 {strides = array<i32>} : memref<3584xi32, #tpu.memory_space<vmem>>, vector<16xi32>,
    %get3A_128 = arith.constant 256 : index
    %get3A_129 = tpu.vector_load %arg8[%get3A_128] {strides = array<i32>} : memref<3584xi32, #tpu.memory_space<vmem>>, vector<16xi32>,
    %gather3A_130 = tpu.vector_load_idx %arg7[%get3A_129] : memref<3328xi32, #tpu.memory_space<vmem>>[vector<16xi32>], vector<16xi32>,
    %get3A_131 = arith.constant 256 : index
    %get3A_132 = tpu.vector_load %arg9[%get3A_131] {strides = array<i32>} : memref<3584xi32, #tpu.memory_space<vmem>>, vector<16xi32>,
    %add3A_133 = arith.addi %gather3A_130, %get3A_132 : vector<16xi32>
    %swap3A_134 = arith.constant 256 : index
    %swap3A_135 = tpu.vector_load %arg8[%swap3A_134] {strides = array<i32>} : memref<3584xi32, #tpu.memory_space<vmem>>, vector<16xi32>,
    tpu.vector_store %arg8[%swap3A_134], %add3A_133 {strides = array<i32>} : memref<3584xi32, #tpu.memory_space<vmem>>, vector<16xi32>,
    %get3A_136 = arith.constant 272 : index
    %get3A_137 = tpu.vector_load %arg8[%get3A_136] {strides = array<i32>} : memref<3584xi32, #tpu.memory_space<vmem>>, vector<16xi32>,
    %gather3A_138 = tpu.vector_load_idx %arg7[%get3A_137] : memref<3328xi32, #tpu.memory_space<vmem>>[vector<16xi32>], vector<16xi32>,
    %get3A_139 = arith.constant 272 : index
    %get3A_140 = tpu.vector_load %arg9[%get3A_139] {strides = array<i32>} : memref<3584xi32, #tpu.memory_space<vmem>>, vector<16xi32>,
    %add3A_141 = arith.addi %gather3A_138, %get3A_140 : vector<16xi32>
    %swap3A_142 = arith.constant 272 : index
    %swap3A_143 = tpu.vector_load %arg8[%swap3A_142] {strides = array<i32>} : memref<3584xi32, #tpu.memory_space<vmem>>, vector<16xi32>,
    tpu.vector_store %arg8[%swap3A_142], %add3A_141 {strides = array<i32>} : memref<3584xi32, #tpu.memory_space<vmem>>, vector<16xi32>,
    %get3A_144 = arith.constant 288 : index
    %get3A_145 = tpu.vector_load %arg8[%get3A_144] {strides = array<i32>} : memref<3584xi32, #tpu.memory_space<vmem>>, vector<16xi32>,
    %gather3A_146 = tpu.vector_load_idx %arg7[%get3A_145] : memref<3328xi32, #tpu.memory_space<vmem>>[vector<16xi32>], vector<16xi32>,
    %get3A_147 = arith.constant 288 : index
    %get3A_148 = tpu.vector_load %arg9[%get3A_147] {strides = array<i32>} : memref<3584xi32, #tpu.memory_space<vmem>>, vector<16xi32>,
    %add3A_149 = arith.addi %gather3A_146, %get3A_148 : vector<16xi32>
    %swap3A_150 = arith.constant 288 : index
    %swap3A_151 = tpu.vector_load %arg8[%swap3A_150] {strides = array<i32>} : memref<3584xi32, #tpu.memory_space<vmem>>, vector<16xi32>,
    tpu.vector_store %arg8[%swap3A_150], %add3A_149 {strides = array<i32>} : memref<3584xi32, #tpu.memory_space<vmem>>, vector<16xi32>,
    %get3A_152 = arith.constant 304 : index
    %get3A_153 = tpu.vector_load %arg8[%get3A_152] {strides = array<i32>} : memref<3584xi32, #tpu.memory_space<vmem>>, vector<16xi32>,
    %gather3A_154 = tpu.vector_load_idx %arg7[%get3A_153] : memref<3328xi32, #tpu.memory_space<vmem>>[vector<16xi32>], vector<16xi32>,
    %get3A_155 = arith.constant 304 : index
    %get3A_156 = tpu.vector_load %arg9[%get3A_155] {strides = array<i32>} : memref<3584xi32, #tpu.memory_space<vmem>>, vector<16xi32>,
    %add3A_157 = arith.addi %gather3A_154, %get3A_156 : vector<16xi32>
    %swap3A_158 = arith.constant 304 : index
    %swap3A_159 = tpu.vector_load %arg8[%swap3A_158] {strides = array<i32>} : memref<3584xi32, #tpu.memory_space<vmem>>, vector<16xi32>,
    tpu.vector_store %arg8[%swap3A_158], %add3A_157 {strides = array<i32>} : memref<3584xi32, #tpu.memory_space<vmem>>, vector<16xi32>,
    %get3A_160 = arith.constant 320 : index
    %get3A_161 = tpu.vector_load %arg8[%get3A_160] {strides = array<i32>} : memref<3584xi32, #tpu.memory_space<vmem>>, vector<16xi32>,
    %gather3A_162 = tpu.vector_load_idx %arg7[%get3A_161] : memref<3328xi32, #tpu.memory_space<vmem>>[vector<16xi32>], vector<16xi32>,
    %get3A_163 = arith.constant 320 : index
    %get3A_164 = tpu.vector_load %arg9[%get3A_163] {strides = array<i32>} : memref<3584xi32, #tpu.memory_space<vmem>>, vector<16xi32>,
    %add3A_165 = arith.addi %gather3A_162, %get3A_164 : vector<16xi32>
    %swap3A_166 = arith.constant 320 : index
    %swap3A_167 = tpu.vector_load %arg8[%swap3A_166] {strides = array<i32>} : memref<3584xi32, #tpu.memory_space<vmem>>, vector<16xi32>,
    tpu.vector_store %arg8[%swap3A_166], %add3A_165 {strides = array<i32>} : memref<3584xi32, #tpu.memory_space<vmem>>, vector<16xi32>,
    %get3A_168 = arith.constant 336 : index
    %get3A_169 = tpu.vector_load %arg8[%get3A_168] {strides = array<i32>} : memref<3584xi32, #tpu.memory_space<vmem>>, vector<16xi32>,
    %gather3A_170 = tpu.vector_load_idx %arg7[%get3A_169] : memref<3328xi32, #tpu.memory_space<vmem>>[vector<16xi32>], vector<16xi32>,
    %get3A_171 = arith.constant 336 : index
    %get3A_172 = tpu.vector_load %arg9[%get3A_171] {strides = array<i32>} : memref<3584xi32, #tpu.memory_space<vmem>>, vector<16xi32>,
    %add3A_173 = arith.addi %gather3A_170, %get3A_172 : vector<16xi32>
    %swap3A_174 = arith.constant 336 : index
    %swap3A_175 = tpu.vector_load %arg8[%swap3A_174] {strides = array<i32>} : memref<3584xi32, #tpu.memory_space<vmem>>, vector<16xi32>,
    tpu.vector_store %arg8[%swap3A_174], %add3A_173 {strides = array<i32>} : memref<3584xi32, #tpu.memory_space<vmem>>, vector<16xi32>,
    %get3A_176 = arith.constant 352 : index
    %get3A_177 = tpu.vector_load %arg8[%get3A_176] {strides = array<i32>} : memref<3584xi32, #tpu.memory_space<vmem>>, vector<16xi32>,
    %gather3A_178 = tpu.vector_load_idx %arg7[%get3A_177] : memref<3328xi32, #tpu.memory_space<vmem>>[vector<16xi32>], vector<16xi32>,
    %get3A_179 = arith.constant 352 : index
    %get3A_180 = tpu.vector_load %arg9[%get3A_179] {strides = array<i32>} : memref<3584xi32, #tpu.memory_space<vmem>>, vector<16xi32>,
    %add3A_181 = arith.addi %gather3A_178, %get3A_180 : vector<16xi32>
    %swap3A_182 = arith.constant 352 : index
    %swap3A_183 = tpu.vector_load %arg8[%swap3A_182] {strides = array<i32>} : memref<3584xi32, #tpu.memory_space<vmem>>, vector<16xi32>,
    tpu.vector_store %arg8[%swap3A_182], %add3A_181 {strides = array<i32>} : memref<3584xi32, #tpu.memory_space<vmem>>, vector<16xi32>,
    %get3A_184 = arith.constant 368 : index
    %get3A_185 = tpu.vector_load %arg8[%get3A_184] {strides = array<i32>} : memref<3584xi32, #tpu.memory_space<vmem>>, vector<16xi32>,
    %gather3A_186 = tpu.vector_load_idx %arg7[%get3A_185] : memref<3328xi32, #tpu.memory_space<vmem>>[vector<16xi32>], vector<16xi32>,
    %get3A_187 = arith.constant 368 : index
    %get3A_188 = tpu.vector_load %arg9[%get3A_187] {strides = array<i32>} : memref<3584xi32, #tpu.memory_space<vmem>>, vector<16xi32>,
    %add3A_189 = arith.addi %gather3A_186, %get3A_188 : vector<16xi32>
    %swap3A_190 = arith.constant 368 : index
    %swap3A_191 = tpu.vector_load %arg8[%swap3A_190] {strides = array<i32>} : memref<3584xi32, #tpu.memory_space<vmem>>, vector<16xi32>,
    tpu.vector_store %arg8[%swap3A_190], %add3A_189 {strides = array<i32>} : memref<3584xi32, #tpu.memory_space<vmem>>, vector<16xi32>,
    %get3A_192 = arith.constant 384 : index
    %get3A_193 = tpu.vector_load %arg8[%get3A_192] {strides = array<i32>} : memref<3584xi32, #tpu.memory_space<vmem>>, vector<16xi32>,
    %gather3A_194 = tpu.vector_load_idx %arg7[%get3A_193] : memref<3328xi32, #tpu.memory_space<vmem>>[vector<16xi32>], vector<16xi32>,
    %get3A_195 = arith.constant 384 : index
    %get3A_196 = tpu.vector_load %arg9[%get3A_195] {strides = array<i32>} : memref<3584xi32, #tpu.memory_space<vmem>>, vector<16xi32>,
    %add3A_197 = arith.addi %gather3A_194, %get3A_196 : vector<16xi32>
    %swap3A_198 = arith.constant 384 : index
    %swap3A_199 = tpu.vector_load %arg8[%swap3A_198] {strides = array<i32>} : memref<3584xi32, #tpu.memory_space<vmem>>, vector<16xi32>,
    tpu.vector_store %arg8[%swap3A_198], %add3A_197 {strides = array<i32>} : memref<3584xi32, #tpu.memory_space<vmem>>, vector<16xi32>,
    %get3A_200 = arith.constant 400 : index
    %get3A_201 = tpu.vector_load %arg8[%get3A_200] {strides = array<i32>} : memref<3584xi32, #tpu.memory_space<vmem>>, vector<16xi32>,
    %gather3A_202 = tpu.vector_load_idx %arg7[%get3A_201] : memref<3328xi32, #tpu.memory_space<vmem>>[vector<16xi32>], vector<16xi32>,
    %get3A_203 = arith.constant 400 : index
    %get3A_204 = tpu.vector_load %arg9[%get3A_203] {strides = array<i32>} : memref<3584xi32, #tpu.memory_space<vmem>>, vector<16xi32>,
    %add3A_205 = arith.addi %gather3A_202, %get3A_204 : vector<16xi32>
    %swap3A_206 = arith.constant 400 : index
    %swap3A_207 = tpu.vector_load %arg8[%swap3A_206] {strides = array<i32>} : memref<3584xi32, #tpu.memory_space<vmem>>, vector<16xi32>,
    tpu.vector_store %arg8[%swap3A_206], %add3A_205 {strides = array<i32>} : memref<3584xi32, #tpu.memory_space<vmem>>, vector<16xi32>,
    %get3A_208 = arith.constant 416 : index
    %get3A_209 = tpu.vector_load %arg8[%get3A_208] {strides = array<i32>} : memref<3584xi32, #tpu.memory_space<vmem>>, vector<16xi32>,
    %gather3A_210 = tpu.vector_load_idx %arg7[%get3A_209] : memref<3328xi32, #tpu.memory_space<vmem>>[vector<16xi32>], vector<16xi32>,
    %get3A_211 = arith.constant 416 : index
    %get3A_212 = tpu.vector_load %arg9[%get3A_211] {strides = array<i32>} : memref<3584xi32, #tpu.memory_space<vmem>>, vector<16xi32>,
    %add3A_213 = arith.addi %gather3A_210, %get3A_212 : vector<16xi32>
    %swap3A_214 = arith.constant 416 : index
    %swap3A_215 = tpu.vector_load %arg8[%swap3A_214] {strides = array<i32>} : memref<3584xi32, #tpu.memory_space<vmem>>, vector<16xi32>,
    tpu.vector_store %arg8[%swap3A_214], %add3A_213 {strides = array<i32>} : memref<3584xi32, #tpu.memory_space<vmem>>, vector<16xi32>,
    %get3A_216 = arith.constant 432 : index
    %get3A_217 = tpu.vector_load %arg8[%get3A_216] {strides = array<i32>} : memref<3584xi32, #tpu.memory_space<vmem>>, vector<16xi32>,
    %gather3A_218 = tpu.vector_load_idx %arg7[%get3A_217] : memref<3328xi32, #tpu.memory_space<vmem>>[vector<16xi32>], vector<16xi32>,
    %get3A_219 = arith.constant 432 : index
    %get3A_220 = tpu.vector_load %arg9[%get3A_219] {strides = array<i32>} : memref<3584xi32, #tpu.memory_space<vmem>>, vector<16xi32>,
    %add3A_221 = arith.addi %gather3A_218, %get3A_220 : vector<16xi32>
    %swap3A_222 = arith.constant 432 : index
    %swap3A_223 = tpu.vector_load %arg8[%swap3A_222] {strides = array<i32>} : memref<3584xi32, #tpu.memory_space<vmem>>, vector<16xi32>,
    tpu.vector_store %arg8[%swap3A_222], %add3A_221 {strides = array<i32>} : memref<3584xi32, #tpu.memory_space<vmem>>, vector<16xi32>,
    %get3A_224 = arith.constant 448 : index
    %get3A_225 = tpu.vector_load %arg8[%get3A_224] {strides = array<i32>} : memref<3584xi32, #tpu.memory_space<vmem>>, vector<16xi32>,
    %gather3A_226 = tpu.vector_load_idx %arg7[%get3A_225] : memref<3328xi32, #tpu.memory_space<vmem>>[vector<16xi32>], vector<16xi32>,
    %get3A_227 = arith.constant 448 : index
    %get3A_228 = tpu.vector_load %arg9[%get3A_227] {strides = array<i32>} : memref<3584xi32, #tpu.memory_space<vmem>>, vector<16xi32>,
    %add3A_229 = arith.addi %gather3A_226, %get3A_228 : vector<16xi32>
    %swap3A_230 = arith.constant 448 : index
    %swap3A_231 = tpu.vector_load %arg8[%swap3A_230] {strides = array<i32>} : memref<3584xi32, #tpu.memory_space<vmem>>, vector<16xi32>,
    tpu.vector_store %arg8[%swap3A_230], %add3A_229 {strides = array<i32>} : memref<3584xi32, #tpu.memory_space<vmem>>, vector<16xi32>,
    %get3A_232 = arith.constant 464 : index
    %get3A_233 = tpu.vector_load %arg8[%get3A_232] {strides = array<i32>} : memref<3584xi32, #tpu.memory_space<vmem>>, vector<16xi32>,
    %gather3A_234 = tpu.vector_load_idx %arg7[%get3A_233] : memref<3328xi32, #tpu.memory_space<vmem>>[vector<16xi32>], vector<16xi32>,
    %get3A_235 = arith.constant 464 : index
    %get3A_236 = tpu.vector_load %arg9[%get3A_235] {strides = array<i32>} : memref<3584xi32, #tpu.memory_space<vmem>>, vector<16xi32>,
    %add3A_237 = arith.addi %gather3A_234, %get3A_236 : vector<16xi32>
    %swap3A_238 = arith.constant 464 : index
    %swap3A_239 = tpu.vector_load %arg8[%swap3A_238] {strides = array<i32>} : memref<3584xi32, #tpu.memory_space<vmem>>, vector<16xi32>,
    tpu.vector_store %arg8[%swap3A_238], %add3A_237 {strides = array<i32>} : memref<3584xi32, #tpu.memory_space<vmem>>, vector<16xi32>,
    %get3A_240 = arith.constant 480 : index
    %get3A_241 = tpu.vector_load %arg8[%get3A_240] {strides = array<i32>} : memref<3584xi32, #tpu.memory_space<vmem>>, vector<16xi32>,
    %gather3A_242 = tpu.vector_load_idx %arg7[%get3A_241] : memref<3328xi32, #tpu.memory_space<vmem>>[vector<16xi32>], vector<16xi32>,
    %get3A_243 = arith.constant 480 : index
    %get3A_244 = tpu.vector_load %arg9[%get3A_243] {strides = array<i32>} : memref<3584xi32, #tpu.memory_space<vmem>>, vector<16xi32>,
    %add3A_245 = arith.addi %gather3A_242, %get3A_244 : vector<16xi32>
    %swap3A_246 = arith.constant 480 : index
    %swap3A_247 = tpu.vector_load %arg8[%swap3A_246] {strides = array<i32>} : memref<3584xi32, #tpu.memory_space<vmem>>, vector<16xi32>,
    tpu.vector_store %arg8[%swap3A_246], %add3A_245 {strides = array<i32>} : memref<3584xi32, #tpu.memory_space<vmem>>, vector<16xi32>,
    %get3A_248 = arith.constant 496 : index
    %get3A_249 = tpu.vector_load %arg8[%get3A_248] {strides = array<i32>} : memref<3584xi32, #tpu.memory_space<vmem>>, vector<16xi32>,
    %gather3A_250 = tpu.vector_load_idx %arg7[%get3A_249] : memref<3328xi32, #tpu.memory_space<vmem>>[vector<16xi32>], vector<16xi32>,
    %get3A_251 = arith.constant 496 : index
    %get3A_252 = tpu.vector_load %arg9[%get3A_251] {strides = array<i32>} : memref<3584xi32, #tpu.memory_space<vmem>>, vector<16xi32>,
    %add3A_253 = arith.addi %gather3A_250, %get3A_252 : vector<16xi32>
    %swap3A_254 = arith.constant 496 : index
    %swap3A_255 = tpu.vector_load %arg8[%swap3A_254] {strides = array<i32>} : memref<3584xi32, #tpu.memory_space<vmem>>, vector<16xi32>,
    tpu.vector_store %arg8[%swap3A_254], %add3A_253 {strides = array<i32>} : memref<3584xi32, #tpu.memory_space<vmem>>, vector<16xi32>,
    %get3A_256 = arith.constant 512 : index
    %get3A_257 = tpu.vector_load %arg8[%get3A_256] {strides = array<i32>} : memref<3584xi32, #tpu.memory_space<vmem>>, vector<16xi32>,
    %gather3A_258 = tpu.vector_load_idx %arg7[%get3A_257] : memref<3328xi32, #tpu.memory_space<vmem>>[vector<16xi32>], vector<16xi32>,
    %get3A_259 = arith.constant 512 : index
    %get3A_260 = tpu.vector_load %arg9[%get3A_259] {strides = array<i32>} : memref<3584xi32, #tpu.memory_space<vmem>>, vector<16xi32>,
    %add3A_261 = arith.addi %gather3A_258, %get3A_260 : vector<16xi32>
    %swap3A_262 = arith.constant 512 : index
    %swap3A_263 = tpu.vector_load %arg8[%swap3A_262] {strides = array<i32>} : memref<3584xi32, #tpu.memory_space<vmem>>, vector<16xi32>,
    tpu.vector_store %arg8[%swap3A_262], %add3A_261 {strides = array<i32>} : memref<3584xi32, #tpu.memory_space<vmem>>, vector<16xi32>,
    %get3A_264 = arith.constant 528 : index
    %get3A_265 = tpu.vector_load %arg8[%get3A_264] {strides = array<i32>} : memref<3584xi32, #tpu.memory_space<vmem>>, vector<16xi32>,
    %gather3A_266 = tpu.vector_load_idx %arg7[%get3A_265] : memref<3328xi32, #tpu.memory_space<vmem>>[vector<16xi32>], vector<16xi32>,
    %get3A_267 = arith.constant 528 : index
    %get3A_268 = tpu.vector_load %arg9[%get3A_267] {strides = array<i32>} : memref<3584xi32, #tpu.memory_space<vmem>>, vector<16xi32>,
    %add3A_269 = arith.addi %gather3A_266, %get3A_268 : vector<16xi32>
    %swap3A_270 = arith.constant 528 : index
    %swap3A_271 = tpu.vector_load %arg8[%swap3A_270] {strides = array<i32>} : memref<3584xi32, #tpu.memory_space<vmem>>, vector<16xi32>,
    tpu.vector_store %arg8[%swap3A_270], %add3A_269 {strides = array<i32>} : memref<3584xi32, #tpu.memory_space<vmem>>, vector<16xi32>,
    %get3A_272 = arith.constant 544 : index
    %get3A_273 = tpu.vector_load %arg8[%get3A_272] {strides = array<i32>} : memref<3584xi32, #tpu.memory_space<vmem>>, vector<16xi32>,
    %gather3A_274 = tpu.vector_load_idx %arg7[%get3A_273] : memref<3328xi32, #tpu.memory_space<vmem>>[vector<16xi32>], vector<16xi32>,
    %get3A_275 = arith.constant 544 : index
    %get3A_276 = tpu.vector_load %arg9[%get3A_275] {strides = array<i32>} : memref<3584xi32, #tpu.memory_space<vmem>>, vector<16xi32>,
    %add3A_277 = arith.addi %gather3A_274, %get3A_276 : vector<16xi32>
    %swap3A_278 = arith.constant 544 : index
    %swap3A_279 = tpu.vector_load %arg8[%swap3A_278] {strides = array<i32>} : memref<3584xi32, #tpu.memory_space<vmem>>, vector<16xi32>,
    tpu.vector_store %arg8[%swap3A_278], %add3A_277 {strides = array<i32>} : memref<3584xi32, #tpu.memory_space<vmem>>, vector<16xi32>,
    %get3A_280 = arith.constant 560 : index
    %get3A_281 = tpu.vector_load %arg8[%get3A_280] {strides = array<i32>} : memref<3584xi32, #tpu.memory_space<vmem>>, vector<16xi32>,
    %gather3A_282 = tpu.vector_load_idx %arg7[%get3A_281] : memref<3328xi32, #tpu.memory_space<vmem>>[vector<16xi32>], vector<16xi32>,
    %get3A_283 = arith.constant 560 : index
    %get3A_284 = tpu.vector_load %arg9[%get3A_283] {strides = array<i32>} : memref<3584xi32, #tpu.memory_space<vmem>>, vector<16xi32>,
    %add3A_285 = arith.addi %gather3A_282, %get3A_284 : vector<16xi32>
    %swap3A_286 = arith.constant 560 : index
    %swap3A_287 = tpu.vector_load %arg8[%swap3A_286] {strides = array<i32>} : memref<3584xi32, #tpu.memory_space<vmem>>, vector<16xi32>,
    tpu.vector_store %arg8[%swap3A_286], %add3A_285 {strides = array<i32>} : memref<3584xi32, #tpu.memory_space<vmem>>, vector<16xi32>,
    %get3A_288 = arith.constant 576 : index
    %get3A_289 = tpu.vector_load %arg8[%get3A_288] {strides = array<i32>} : memref<3584xi32, #tpu.memory_space<vmem>>, vector<16xi32>,
    %gather3A_290 = tpu.vector_load_idx %arg7[%get3A_289] : memref<3328xi32, #tpu.memory_space<vmem>>[vector<16xi32>], vector<16xi32>,
    %get3A_291 = arith.constant 576 : index
    %get3A_292 = tpu.vector_load %arg9[%get3A_291] {strides = array<i32>} : memref<3584xi32, #tpu.memory_space<vmem>>, vector<16xi32>,
    %add3A_293 = arith.addi %gather3A_290, %get3A_292 : vector<16xi32>
    %swap3A_294 = arith.constant 576 : index
    %swap3A_295 = tpu.vector_load %arg8[%swap3A_294] {strides = array<i32>} : memref<3584xi32, #tpu.memory_space<vmem>>, vector<16xi32>,
    tpu.vector_store %arg8[%swap3A_294], %add3A_293 {strides = array<i32>} : memref<3584xi32, #tpu.memory_space<vmem>>, vector<16xi32>,
    %get3A_296 = arith.constant 592 : index
    %get3A_297 = tpu.vector_load %arg8[%get3A_296] {strides = array<i32>} : memref<3584xi32, #tpu.memory_space<vmem>>, vector<16xi32>,
    %gather3A_298 = tpu.vector_load_idx %arg7[%get3A_297] : memref<3328xi32, #tpu.memory_space<vmem>>[vector<16xi32>], vector<16xi32>,
    %get3A_299 = arith.constant 592 : index
    %get3A_300 = tpu.vector_load %arg9[%get3A_299] {strides = array<i32>} : memref<3584xi32, #tpu.memory_space<vmem>>, vector<16xi32>,
    %add3A_301 = arith.addi %gather3A_298, %get3A_300 : vector<16xi32>
    %swap3A_302 = arith.constant 592 : index
    %swap3A_303 = tpu.vector_load %arg8[%swap3A_302] {strides = array<i32>} : memref<3584xi32, #tpu.memory_space<vmem>>, vector<16xi32>,
    tpu.vector_store %arg8[%swap3A_302], %add3A_301 {strides = array<i32>} : memref<3584xi32, #tpu.memory_space<vmem>>, vector<16xi32>,
    %get3A_304 = arith.constant 608 : index
    %get3A_305 = tpu.vector_load %arg8[%get3A_304] {strides = array<i32>} : memref<3584xi32, #tpu.memory_space<vmem>>, vector<16xi32>,
    %gather3A_306 = tpu.vector_load_idx %arg7[%get3A_305] : memref<3328xi32, #tpu.memory_space<vmem>>[vector<16xi32>], vector<16xi32>,
    %get3A_307 = arith.constant 608 : index
    %get3A_308 = tpu.vector_load %arg9[%get3A_307] {strides = array<i32>} : memref<3584xi32, #tpu.memory_space<vmem>>, vector<16xi32>,
    %add3A_309 = arith.addi %gather3A_306, %get3A_308 : vector<16xi32>
    %swap3A_310 = arith.constant 608 : index
    %swap3A_311 = tpu.vector_load %arg8[%swap3A_310] {strides = array<i32>} : memref<3584xi32, #tpu.memory_space<vmem>>, vector<16xi32>,
    tpu.vector_store %arg8[%swap3A_310], %add3A_309 {strides = array<i32>} : memref<3584xi32, #tpu.memory_space<vmem>>, vector<16xi32>,
    %get3A_312 = arith.constant 624 : index
    %get3A_313 = tpu.vector_load %arg8[%get3A_312] {strides = array<i32>} : memref<3584xi32, #tpu.memory_space<vmem>>, vector<16xi32>,
    %gather3A_314 = tpu.vector_load_idx %arg7[%get3A_313] : memref<3328xi32, #tpu.memory_space<vmem>>[vector<16xi32>], vector<16xi32>,
    %get3A_315 = arith.constant 624 : index
    %get3A_316 = tpu.vector_load %arg9[%get3A_315] {strides = array<i32>} : memref<3584xi32, #tpu.memory_space<vmem>>, vector<16xi32>,
    %add3A_317 = arith.addi %gather3A_314, %get3A_316 : vector<16xi32>
    %swap3A_318 = arith.constant 624 : index
    %swap3A_319 = tpu.vector_load %arg8[%swap3A_318] {strides = array<i32>} : memref<3584xi32, #tpu.memory_space<vmem>>, vector<16xi32>,
    tpu.vector_store %arg8[%swap3A_318], %add3A_317 {strides = array<i32>} : memref<3584xi32, #tpu.memory_space<vmem>>, vector<16xi32>,
    %get3A_320 = arith.constant 640 : index
    %get3A_321 = tpu.vector_load %arg8[%get3A_320] {strides = array<i32>} : memref<3584xi32, #tpu.memory_space<vmem>>, vector<16xi32>,
    %gather3A_322 = tpu.vector_load_idx %arg7[%get3A_321] : memref<3328xi32, #tpu.memory_space<vmem>>[vector<16xi32>], vector<16xi32>,
    %get3A_323 = arith.constant 640 : index
    %get3A_324 = tpu.vector_load %arg9[%get3A_323] {strides = array<i32>} : memref<3584xi32, #tpu.memory_space<vmem>>, vector<16xi32>,
    %add3A_325 = arith.addi %gather3A_322, %get3A_324 : vector<16xi32>
    %swap3A_326 = arith.constant 640 : index
    %swap3A_327 = tpu.vector_load %arg8[%swap3A_326] {strides = array<i32>} : memref<3584xi32, #tpu.memory_space<vmem>>, vector<16xi32>,
    tpu.vector_store %arg8[%swap3A_326], %add3A_325 {strides = array<i32>} : memref<3584xi32, #tpu.memory_space<vmem>>, vector<16xi32>,
    %get3A_328 = arith.constant 656 : index
    %get3A_329 = tpu.vector_load %arg8[%get3A_328] {strides = array<i32>} : memref<3584xi32, #tpu.memory_space<vmem>>, vector<16xi32>,
    %gather3A_330 = tpu.vector_load_idx %arg7[%get3A_329] : memref<3328xi32, #tpu.memory_space<vmem>>[vector<16xi32>], vector<16xi32>,
    %get3A_331 = arith.constant 656 : index
    %get3A_332 = tpu.vector_load %arg9[%get3A_331] {strides = array<i32>} : memref<3584xi32, #tpu.memory_space<vmem>>, vector<16xi32>,
    %add3A_333 = arith.addi %gather3A_330, %get3A_332 : vector<16xi32>
    %swap3A_334 = arith.constant 656 : index
    %swap3A_335 = tpu.vector_load %arg8[%swap3A_334] {strides = array<i32>} : memref<3584xi32, #tpu.memory_space<vmem>>, vector<16xi32>,
    tpu.vector_store %arg8[%swap3A_334], %add3A_333 {strides = array<i32>} : memref<3584xi32, #tpu.memory_space<vmem>>, vector<16xi32>,
    %get3A_336 = arith.constant 672 : index
    %get3A_337 = tpu.vector_load %arg8[%get3A_336] {strides = array<i32>} : memref<3584xi32, #tpu.memory_space<vmem>>, vector<16xi32>,
    %gather3A_338 = tpu.vector_load_idx %arg7[%get3A_337] : memref<3328xi32, #tpu.memory_space<vmem>>[vector<16xi32>], vector<16xi32>,
    %get3A_339 = arith.constant 672 : index
    %get3A_340 = tpu.vector_load %arg9[%get3A_339] {strides = array<i32>} : memref<3584xi32, #tpu.memory_space<vmem>>, vector<16xi32>,
    %add3A_341 = arith.addi %gather3A_338, %get3A_340 : vector<16xi32>
    %swap3A_342 = arith.constant 672 : index
    %swap3A_343 = tpu.vector_load %arg8[%swap3A_342] {strides = array<i32>} : memref<3584xi32, #tpu.memory_space<vmem>>, vector<16xi32>,
    tpu.vector_store %arg8[%swap3A_342], %add3A_341 {strides = array<i32>} : memref<3584xi32, #tpu.memory_space<vmem>>, vector<16xi32>,
    %get3A_344 = arith.constant 688 : index
    %get3A_345 = tpu.vector_load %arg8[%get3A_344] {strides = array<i32>} : memref<3584xi32, #tpu.memory_space<vmem>>, vector<16xi32>,
    %gather3A_346 = tpu.vector_load_idx %arg7[%get3A_345] : memref<3328xi32, #tpu.memory_space<vmem>>[vector<16xi32>], vector<16xi32>,
    %get3A_347 = arith.constant 688 : index
    %get3A_348 = tpu.vector_load %arg9[%get3A_347] {strides = array<i32>} : memref<3584xi32, #tpu.memory_space<vmem>>, vector<16xi32>,
    %add3A_349 = arith.addi %gather3A_346, %get3A_348 : vector<16xi32>
    %swap3A_350 = arith.constant 688 : index
    %swap3A_351 = tpu.vector_load %arg8[%swap3A_350] {strides = array<i32>} : memref<3584xi32, #tpu.memory_space<vmem>>, vector<16xi32>,
    tpu.vector_store %arg8[%swap3A_350], %add3A_349 {strides = array<i32>} : memref<3584xi32, #tpu.memory_space<vmem>>, vector<16xi32>,
    %get3A_352 = arith.constant 704 : index
    %get3A_353 = tpu.vector_load %arg8[%get3A_352] {strides = array<i32>} : memref<3584xi32, #tpu.memory_space<vmem>>, vector<16xi32>,
    %gather3A_354 = tpu.vector_load_idx %arg7[%get3A_353] : memref<3328xi32, #tpu.memory_space<vmem>>[vector<16xi32>], vector<16xi32>,
    %get3A_355 = arith.constant 704 : index
    %get3A_356 = tpu.vector_load %arg9[%get3A_355] {strides = array<i32>} : memref<3584xi32, #tpu.memory_space<vmem>>, vector<16xi32>,
    %add3A_357 = arith.addi %gather3A_354, %get3A_356 : vector<16xi32>
    %swap3A_358 = arith.constant 704 : index
    %swap3A_359 = tpu.vector_load %arg8[%swap3A_358] {strides = array<i32>} : memref<3584xi32, #tpu.memory_space<vmem>>, vector<16xi32>,
    tpu.vector_store %arg8[%swap3A_358], %add3A_357 {strides = array<i32>} : memref<3584xi32, #tpu.memory_space<vmem>>, vector<16xi32>,
    %get3A_360 = arith.constant 720 : index
    %get3A_361 = tpu.vector_load %arg8[%get3A_360] {strides = array<i32>} : memref<3584xi32, #tpu.memory_space<vmem>>, vector<16xi32>,
    %gather3A_362 = tpu.vector_load_idx %arg7[%get3A_361] : memref<3328xi32, #tpu.memory_space<vmem>>[vector<16xi32>], vector<16xi32>,
    %get3A_363 = arith.constant 720 : index
    %get3A_364 = tpu.vector_load %arg9[%get3A_363] {strides = array<i32>} : memref<3584xi32, #tpu.memory_space<vmem>>, vector<16xi32>,
    %add3A_365 = arith.addi %gather3A_362, %get3A_364 : vector<16xi32>
    %swap3A_366 = arith.constant 720 : index
    %swap3A_367 = tpu.vector_load %arg8[%swap3A_366] {strides = array<i32>} : memref<3584xi32, #tpu.memory_space<vmem>>, vector<16xi32>,
    tpu.vector_store %arg8[%swap3A_366], %add3A_365 {strides = array<i32>} : memref<3584xi32, #tpu.memory_space<vmem>>, vector<16xi32>,
    %get3A_368 = arith.constant 736 : index
    %get3A_369 = tpu.vector_load %arg8[%get3A_368] {strides = array<i32>} : memref<3584xi32, #tpu.memory_space<vmem>>, vector<16xi32>,
    %gather3A_370 = tpu.vector_load_idx %arg7[%get3A_369] : memref<3328xi32, #tpu.memory_space<vmem>>[vector<16xi32>], vector<16xi32>,
    %get3A_371 = arith.constant 736 : index
    %get3A_372 = tpu.vector_load %arg9[%get3A_371] {strides = array<i32>} : memref<3584xi32, #tpu.memory_space<vmem>>, vector<16xi32>,
    %add3A_373 = arith.addi %gather3A_370, %get3A_372 : vector<16xi32>
    %swap3A_374 = arith.constant 736 : index
    %swap3A_375 = tpu.vector_load %arg8[%swap3A_374] {strides = array<i32>} : memref<3584xi32, #tpu.memory_space<vmem>>, vector<16xi32>,
    tpu.vector_store %arg8[%swap3A_374], %add3A_373 {strides = array<i32>} : memref<3584xi32, #tpu.memory_space<vmem>>, vector<16xi32>,
    %get3A_376 = arith.constant 752 : index
    %get3A_377 = tpu.vector_load %arg8[%get3A_376] {strides = array<i32>} : memref<3584xi32, #tpu.memory_space<vmem>>, vector<16xi32>,
    %gather3A_378 = tpu.vector_load_idx %arg7[%get3A_377] : memref<3328xi32, #tpu.memory_space<vmem>>[vector<16xi32>], vector<16xi32>,
    %get3A_379 = arith.constant 752 : index
    %get3A_380 = tpu.vector_load %arg9[%get3A_379] {strides = array<i32>} : memref<3584xi32, #tpu.memory_space<vmem>>, vector<16xi32>,
    %add3A_381 = arith.addi %gather3A_378, %get3A_380 : vector<16xi32>
    %swap3A_382 = arith.constant 752 : index
    %swap3A_383 = tpu.vector_load %arg8[%swap3A_382] {strides = array<i32>} : memref<3584xi32, #tpu.memory_space<vmem>>, vector<16xi32>,
    tpu.vector_store %arg8[%swap3A_382], %add3A_381 {strides = array<i32>} : memref<3584xi32, #tpu.memory_space<vmem>>, vector<16xi32>,
    %get3A_384 = arith.constant 768 : index
    %get3A_385 = tpu.vector_load %arg8[%get3A_384] {strides = array<i32>} : memref<3584xi32, #tpu.memory_space<vmem>>, vector<16xi32>,
    %gather3A_386 = tpu.vector_load_idx %arg7[%get3A_385] : memref<3328xi32, #tpu.memory_space<vmem>>[vector<16xi32>], vector<16xi32>,
    %get3A_387 = arith.constant 768 : index
    %get3A_388 = tpu.vector_load %arg9[%get3A_387] {strides = array<i32>} : memref<3584xi32, #tpu.memory_space<vmem>>, vector<16xi32>,
    %add3A_389 = arith.addi %gather3A_386, %get3A_388 : vector<16xi32>
    %swap3A_390 = arith.constant 768 : index
    %swap3A_391 = tpu.vector_load %arg8[%swap3A_390] {strides = array<i32>} : memref<3584xi32, #tpu.memory_space<vmem>>, vector<16xi32>,
    tpu.vector_store %arg8[%swap3A_390], %add3A_389 {strides = array<i32>} : memref<3584xi32, #tpu.memory_space<vmem>>, vector<16xi32>,
    %get3A_392 = arith.constant 784 : index
    %get3A_393 = tpu.vector_load %arg8[%get3A_392] {strides = array<i32>} : memref<3584xi32, #tpu.memory_space<vmem>>, vector<16xi32>,
    %gather3A_394 = tpu.vector_load_idx %arg7[%get3A_393] : memref<3328xi32, #tpu.memory_space<vmem>>[vector<16xi32>], vector<16xi32>,
    %get3A_395 = arith.constant 784 : index
    %get3A_396 = tpu.vector_load %arg9[%get3A_395] {strides = array<i32>} : memref<3584xi32, #tpu.memory_space<vmem>>, vector<16xi32>,
    %add3A_397 = arith.addi %gather3A_394, %get3A_396 : vector<16xi32>
    %swap3A_398 = arith.constant 784 : index
    %swap3A_399 = tpu.vector_load %arg8[%swap3A_398] {strides = array<i32>} : memref<3584xi32, #tpu.memory_space<vmem>>, vector<16xi32>,
    tpu.vector_store %arg8[%swap3A_398], %add3A_397 {strides = array<i32>} : memref<3584xi32, #tpu.memory_space<vmem>>, vector<16xi32>,
    %get3A_400 = arith.constant 800 : index
    %get3A_401 = tpu.vector_load %arg8[%get3A_400] {strides = array<i32>} : memref<3584xi32, #tpu.memory_space<vmem>>, vector<16xi32>,
    %gather3A_402 = tpu.vector_load_idx %arg7[%get3A_401] : memref<3328xi32, #tpu.memory_space<vmem>>[vector<16xi32>], vector<16xi32>,
    %get3A_403 = arith.constant 800 : index
    %get3A_404 = tpu.vector_load %arg9[%get3A_403] {strides = array<i32>} : memref<3584xi32, #tpu.memory_space<vmem>>, vector<16xi32>,
    %add3A_405 = arith.addi %gather3A_402, %get3A_404 : vector<16xi32>
    %swap3A_406 = arith.constant 800 : index
    %swap3A_407 = tpu.vector_load %arg8[%swap3A_406] {strides = array<i32>} : memref<3584xi32, #tpu.memory_space<vmem>>, vector<16xi32>,
    tpu.vector_store %arg8[%swap3A_406], %add3A_405 {strides = array<i32>} : memref<3584xi32, #tpu.memory_space<vmem>>, vector<16xi32>,
    %get3A_408 = arith.constant 816 : index
    %get3A_409 = tpu.vector_load %arg8[%get3A_408] {strides = array<i32>} : memref<3584xi32, #tpu.memory_space<vmem>>, vector<16xi32>,
    %gather3A_410 = tpu.vector_load_idx %arg7[%get3A_409] : memref<3328xi32, #tpu.memory_space<vmem>>[vector<16xi32>], vector<16xi32>,
    %get3A_411 = arith.constant 816 : index
    %get3A_412 = tpu.vector_load %arg9[%get3A_411] {strides = array<i32>} : memref<3584xi32, #tpu.memory_space<vmem>>, vector<16xi32>,
    %add3A_413 = arith.addi %gather3A_410, %get3A_412 : vector<16xi32>
    %swap3A_414 = arith.constant 816 : index
    %swap3A_415 = tpu.vector_load %arg8[%swap3A_414] {strides = array<i32>} : memref<3584xi32, #tpu.memory_space<vmem>>, vector<16xi32>,
    tpu.vector_store %arg8[%swap3A_414], %add3A_413 {strides = array<i32>} : memref<3584xi32, #tpu.memory_space<vmem>>, vector<16xi32>,
    %get3A_416 = arith.constant 832 : index
    %get3A_417 = tpu.vector_load %arg8[%get3A_416] {strides = array<i32>} : memref<3584xi32, #tpu.memory_space<vmem>>, vector<16xi32>,
    %gather3A_418 = tpu.vector_load_idx %arg7[%get3A_417] : memref<3328xi32, #tpu.memory_space<vmem>>[vector<16xi32>], vector<16xi32>,
    %get3A_419 = arith.constant 832 : index
    %get3A_420 = tpu.vector_load %arg9[%get3A_419] {strides = array<i32>} : memref<3584xi32, #tpu.memory_space<vmem>>, vector<16xi32>,
    %add3A_421 = arith.addi %gather3A_418, %get3A_420 : vector<16xi32>
    %swap3A_422 = arith.constant 832 : index
    %swap3A_423 = tpu.vector_load %arg8[%swap3A_422] {strides = array<i32>} : memref<3584xi32, #tpu.memory_space<vmem>>, vector<16xi32>,
    tpu.vector_store %arg8[%swap3A_422], %add3A_421 {strides = array<i32>} : memref<3584xi32, #tpu.memory_space<vmem>>, vector<16xi32>,
    %get3A_424 = arith.constant 848 : index
    %get3A_425 = tpu.vector_load %arg8[%get3A_424] {strides = array<i32>} : memref<3584xi32, #tpu.memory_space<vmem>>, vector<16xi32>,
    %gather3A_426 = tpu.vector_load_idx %arg7[%get3A_425] : memref<3328xi32, #tpu.memory_space<vmem>>[vector<16xi32>], vector<16xi32>,
    %get3A_427 = arith.constant 848 : index
    %get3A_428 = tpu.vector_load %arg9[%get3A_427] {strides = array<i32>} : memref<3584xi32, #tpu.memory_space<vmem>>, vector<16xi32>,
    %add3A_429 = arith.addi %gather3A_426, %get3A_428 : vector<16xi32>
    %swap3A_430 = arith.constant 848 : index
    %swap3A_431 = tpu.vector_load %arg8[%swap3A_430] {strides = array<i32>} : memref<3584xi32, #tpu.memory_space<vmem>>, vector<16xi32>,
    tpu.vector_store %arg8[%swap3A_430], %add3A_429 {strides = array<i32>} : memref<3584xi32, #tpu.memory_space<vmem>>, vector<16xi32>,
    %get3A_432 = arith.constant 864 : index
    %get3A_433 = tpu.vector_load %arg8[%get3A_432] {strides = array<i32>} : memref<3584xi32, #tpu.memory_space<vmem>>, vector<16xi32>,
    %gather3A_434 = tpu.vector_load_idx %arg7[%get3A_433] : memref<3328xi32, #tpu.memory_space<vmem>>[vector<16xi32>], vector<16xi32>,
    %get3A_435 = arith.constant 864 : index
    %get3A_436 = tpu.vector_load %arg9[%get3A_435] {strides = array<i32>} : memref<3584xi32, #tpu.memory_space<vmem>>, vector<16xi32>,
    %add3A_437 = arith.addi %gather3A_434, %get3A_436 : vector<16xi32>
    %swap3A_438 = arith.constant 864 : index
    %swap3A_439 = tpu.vector_load %arg8[%swap3A_438] {strides = array<i32>} : memref<3584xi32, #tpu.memory_space<vmem>>, vector<16xi32>,
    tpu.vector_store %arg8[%swap3A_438], %add3A_437 {strides = array<i32>} : memref<3584xi32, #tpu.memory_space<vmem>>, vector<16xi32>,
    %get3A_440 = arith.constant 880 : index
    %get3A_441 = tpu.vector_load %arg8[%get3A_440] {strides = array<i32>} : memref<3584xi32, #tpu.memory_space<vmem>>, vector<16xi32>,
    %gather3A_442 = tpu.vector_load_idx %arg7[%get3A_441] : memref<3328xi32, #tpu.memory_space<vmem>>[vector<16xi32>], vector<16xi32>,
    %get3A_443 = arith.constant 880 : index
    %get3A_444 = tpu.vector_load %arg9[%get3A_443] {strides = array<i32>} : memref<3584xi32, #tpu.memory_space<vmem>>, vector<16xi32>,
    %add3A_445 = arith.addi %gather3A_442, %get3A_444 : vector<16xi32>
    %swap3A_446 = arith.constant 880 : index
    %swap3A_447 = tpu.vector_load %arg8[%swap3A_446] {strides = array<i32>} : memref<3584xi32, #tpu.memory_space<vmem>>, vector<16xi32>,
    tpu.vector_store %arg8[%swap3A_446], %add3A_445 {strides = array<i32>} : memref<3584xi32, #tpu.memory_space<vmem>>, vector<16xi32>,
    %get3A_448 = arith.constant 896 : index
    %get3A_449 = tpu.vector_load %arg8[%get3A_448] {strides = array<i32>} : memref<3584xi32, #tpu.memory_space<vmem>>, vector<16xi32>,
    %gather3A_450 = tpu.vector_load_idx %arg7[%get3A_449] : memref<3328xi32, #tpu.memory_space<vmem>>[vector<16xi32>], vector<16xi32>,
    %get3A_451 = arith.constant 896 : index
    %get3A_452 = tpu.vector_load %arg9[%get3A_451] {strides = array<i32>} : memref<3584xi32, #tpu.memory_space<vmem>>, vector<16xi32>,
    %add3A_453 = arith.addi %gather3A_450, %get3A_452 : vector<16xi32>
    %swap3A_454 = arith.constant 896 : index
    %swap3A_455 = tpu.vector_load %arg8[%swap3A_454] {strides = array<i32>} : memref<3584xi32, #tpu.memory_space<vmem>>, vector<16xi32>,
    tpu.vector_store %arg8[%swap3A_454], %add3A_453 {strides = array<i32>} : memref<3584xi32, #tpu.memory_space<vmem>>, vector<16xi32>,
    %get3A_456 = arith.constant 912 : index
    %get3A_457 = tpu.vector_load %arg8[%get3A_456] {strides = array<i32>} : memref<3584xi32, #tpu.memory_space<vmem>>, vector<16xi32>,
    %gather3A_458 = tpu.vector_load_idx %arg7[%get3A_457] : memref<3328xi32, #tpu.memory_space<vmem>>[vector<16xi32>], vector<16xi32>,
    %get3A_459 = arith.constant 912 : index
    %get3A_460 = tpu.vector_load %arg9[%get3A_459] {strides = array<i32>} : memref<3584xi32, #tpu.memory_space<vmem>>, vector<16xi32>,
    %add3A_461 = arith.addi %gather3A_458, %get3A_460 : vector<16xi32>
    %swap3A_462 = arith.constant 912 : index
    %swap3A_463 = tpu.vector_load %arg8[%swap3A_462] {strides = array<i32>} : memref<3584xi32, #tpu.memory_space<vmem>>, vector<16xi32>,
    tpu.vector_store %arg8[%swap3A_462], %add3A_461 {strides = array<i32>} : memref<3584xi32, #tpu.memory_space<vmem>>, vector<16xi32>,
    %get3A_464 = arith.constant 928 : index
    %get3A_465 = tpu.vector_load %arg8[%get3A_464] {strides = array<i32>} : memref<3584xi32, #tpu.memory_space<vmem>>, vector<16xi32>,
    %gather3A_466 = tpu.vector_load_idx %arg7[%get3A_465] : memref<3328xi32, #tpu.memory_space<vmem>>[vector<16xi32>], vector<16xi32>,
    %get3A_467 = arith.constant 928 : index
    %get3A_468 = tpu.vector_load %arg9[%get3A_467] {strides = array<i32>} : memref<3584xi32, #tpu.memory_space<vmem>>, vector<16xi32>,
    %add3A_469 = arith.addi %gather3A_466, %get3A_468 : vector<16xi32>
    %swap3A_470 = arith.constant 928 : index
    %swap3A_471 = tpu.vector_load %arg8[%swap3A_470] {strides = array<i32>} : memref<3584xi32, #tpu.memory_space<vmem>>, vector<16xi32>,
    tpu.vector_store %arg8[%swap3A_470], %add3A_469 {strides = array<i32>} : memref<3584xi32, #tpu.memory_space<vmem>>, vector<16xi32>,
    %get3A_472 = arith.constant 944 : index
    %get3A_473 = tpu.vector_load %arg8[%get3A_472] {strides = array<i32>} : memref<3584xi32, #tpu.memory_space<vmem>>, vector<16xi32>,
    %gather3A_474 = tpu.vector_load_idx %arg7[%get3A_473] : memref<3328xi32, #tpu.memory_space<vmem>>[vector<16xi32>], vector<16xi32>,
    %get3A_475 = arith.constant 944 : index
    %get3A_476 = tpu.vector_load %arg9[%get3A_475] {strides = array<i32>} : memref<3584xi32, #tpu.memory_space<vmem>>, vector<16xi32>,
    %add3A_477 = arith.addi %gather3A_474, %get3A_476 : vector<16xi32>
    %swap3A_478 = arith.constant 944 : index
    %swap3A_479 = tpu.vector_load %arg8[%swap3A_478] {strides = array<i32>} : memref<3584xi32, #tpu.memory_space<vmem>>, vector<16xi32>,
    tpu.vector_store %arg8[%swap3A_478], %add3A_477 {strides = array<i32>} : memref<3584xi32, #tpu.memory_space<vmem>>, vector<16xi32>,
    %get3A_480 = arith.constant 960 : index
    %get3A_481 = tpu.vector_load %arg8[%get3A_480] {strides = array<i32>} : memref<3584xi32, #tpu.memory_space<vmem>>, vector<16xi32>,
    %gather3A_482 = tpu.vector_load_idx %arg7[%get3A_481] : memref<3328xi32, #tpu.memory_space<vmem>>[vector<16xi32>], vector<16xi32>,
    %get3A_483 = arith.constant 960 : index
    %get3A_484 = tpu.vector_load %arg9[%get3A_483] {strides = array<i32>} : memref<3584xi32, #tpu.memory_space<vmem>>, vector<16xi32>,
    %add3A_485 = arith.addi %gather3A_482, %get3A_484 : vector<16xi32>
    %swap3A_486 = arith.constant 960 : index
    %swap3A_487 = tpu.vector_load %arg8[%swap3A_486] {strides = array<i32>} : memref<3584xi32, #tpu.memory_space<vmem>>, vector<16xi32>,
    tpu.vector_store %arg8[%swap3A_486], %add3A_485 {strides = array<i32>} : memref<3584xi32, #tpu.memory_space<vmem>>, vector<16xi32>,
    %get3A_488 = arith.constant 976 : index
    %get3A_489 = tpu.vector_load %arg8[%get3A_488] {strides = array<i32>} : memref<3584xi32, #tpu.memory_space<vmem>>, vector<16xi32>,
    %gather3A_490 = tpu.vector_load_idx %arg7[%get3A_489] : memref<3328xi32, #tpu.memory_space<vmem>>[vector<16xi32>], vector<16xi32>,
    %get3A_491 = arith.constant 976 : index
    %get3A_492 = tpu.vector_load %arg9[%get3A_491] {strides = array<i32>} : memref<3584xi32, #tpu.memory_space<vmem>>, vector<16xi32>,
    %add3A_493 = arith.addi %gather3A_490, %get3A_492 : vector<16xi32>
    %swap3A_494 = arith.constant 976 : index
    %swap3A_495 = tpu.vector_load %arg8[%swap3A_494] {strides = array<i32>} : memref<3584xi32, #tpu.memory_space<vmem>>, vector<16xi32>,
    tpu.vector_store %arg8[%swap3A_494], %add3A_493 {strides = array<i32>} : memref<3584xi32, #tpu.memory_space<vmem>>, vector<16xi32>,
    %get3A_496 = arith.constant 992 : index
    %get3A_497 = tpu.vector_load %arg8[%get3A_496] {strides = array<i32>} : memref<3584xi32, #tpu.memory_space<vmem>>, vector<16xi32>,
    %gather3A_498 = tpu.vector_load_idx %arg7[%get3A_497] : memref<3328xi32, #tpu.memory_space<vmem>>[vector<16xi32>], vector<16xi32>,
    %get3A_499 = arith.constant 992 : index
    %get3A_500 = tpu.vector_load %arg9[%get3A_499] {strides = array<i32>} : memref<3584xi32, #tpu.memory_space<vmem>>, vector<16xi32>,
    %add3A_501 = arith.addi %gather3A_498, %get3A_500 : vector<16xi32>
    %swap3A_502 = arith.constant 992 : index
    %swap3A_503 = tpu.vector_load %arg8[%swap3A_502] {strides = array<i32>} : memref<3584xi32, #tpu.memory_space<vmem>>, vector<16xi32>,
    tpu.vector_store %arg8[%swap3A_502], %add3A_501 {strides = array<i32>} : memref<3584xi32, #tpu.memory_space<vmem>>, vector<16xi32>,
    %get3A_504 = arith.constant 1008 : index
    %get3A_505 = tpu.vector_load %arg8[%get3A_504] {strides = array<i32>} : memref<3584xi32, #tpu.memory_space<vmem>>, vector<16xi32>,
    %gather3A_506 = tpu.vector_load_idx %arg7[%get3A_505] : memref<3328xi32, #tpu.memory_space<vmem>>[vector<16xi32>], vector<16xi32>,
    %get3A_507 = arith.constant 1008 : index
    %get3A_508 = tpu.vector_load %arg9[%get3A_507] {strides = array<i32>} : memref<3584xi32, #tpu.memory_space<vmem>>, vector<16xi32>,
    %add3A_509 = arith.addi %gather3A_506, %get3A_508 : vector<16xi32>
    %swap3A_510 = arith.constant 1008 : index
    %swap3A_511 = tpu.vector_load %arg8[%swap3A_510] {strides = array<i32>} : memref<3584xi32, #tpu.memory_space<vmem>>, vector<16xi32>,
    tpu.vector_store %arg8[%swap3A_510], %add3A_509 {strides = array<i32>} : memref<3584xi32, #tpu.memory_space<vmem>>, vector<16xi32>,
    %get3A_512 = arith.constant 1024 : index
    %get3A_513 = tpu.vector_load %arg8[%get3A_512] {strides = array<i32>} : memref<3584xi32, #tpu.memory_space<vmem>>, vector<16xi32>,
    %gather3A_514 = tpu.vector_load_idx %arg7[%get3A_513] : memref<3328xi32, #tpu.memory_space<vmem>>[vector<16xi32>], vector<16xi32>,
    %get3A_515 = arith.constant 1024 : index
    %get3A_516 = tpu.vector_load %arg9[%get3A_515] {strides = array<i32>} : memref<3584xi32, #tpu.memory_space<vmem>>, vector<16xi32>,
    %add3A_517 = arith.addi %gather3A_514, %get3A_516 : vector<16xi32>
    %swap3A_518 = arith.constant 1024 : index
    %swap3A_519 = tpu.vector_load %arg8[%swap3A_518] {strides = array<i32>} : memref<3584xi32, #tpu.memory_space<vmem>>, vector<16xi32>,
    tpu.vector_store %arg8[%swap3A_518], %add3A_517 {strides = array<i32>} : memref<3584xi32, #tpu.memory_space<vmem>>, vector<16xi32>,
    %get3A_520 = arith.constant 1040 : index
    %get3A_521 = tpu.vector_load %arg8[%get3A_520] {strides = array<i32>} : memref<3584xi32, #tpu.memory_space<vmem>>, vector<16xi32>,
    %gather3A_522 = tpu.vector_load_idx %arg7[%get3A_521] : memref<3328xi32, #tpu.memory_space<vmem>>[vector<16xi32>], vector<16xi32>,
    %get3A_523 = arith.constant 1040 : index
    %get3A_524 = tpu.vector_load %arg9[%get3A_523] {strides = array<i32>} : memref<3584xi32, #tpu.memory_space<vmem>>, vector<16xi32>,
    %add3A_525 = arith.addi %gather3A_522, %get3A_524 : vector<16xi32>
    %swap3A_526 = arith.constant 1040 : index
    %swap3A_527 = tpu.vector_load %arg8[%swap3A_526] {strides = array<i32>} : memref<3584xi32, #tpu.memory_space<vmem>>, vector<16xi32>,
    tpu.vector_store %arg8[%swap3A_526], %add3A_525 {strides = array<i32>} : memref<3584xi32, #tpu.memory_space<vmem>>, vector<16xi32>,
    %get3A_528 = arith.constant 1056 : index
    %get3A_529 = tpu.vector_load %arg8[%get3A_528] {strides = array<i32>} : memref<3584xi32, #tpu.memory_space<vmem>>, vector<16xi32>,
    %gather3A_530 = tpu.vector_load_idx %arg7[%get3A_529] : memref<3328xi32, #tpu.memory_space<vmem>>[vector<16xi32>], vector<16xi32>,
    %get3A_531 = arith.constant 1056 : index
    %get3A_532 = tpu.vector_load %arg9[%get3A_531] {strides = array<i32>} : memref<3584xi32, #tpu.memory_space<vmem>>, vector<16xi32>,
    %add3A_533 = arith.addi %gather3A_530, %get3A_532 : vector<16xi32>
    %swap3A_534 = arith.constant 1056 : index
    %swap3A_535 = tpu.vector_load %arg8[%swap3A_534] {strides = array<i32>} : memref<3584xi32, #tpu.memory_space<vmem>>, vector<16xi32>,
    tpu.vector_store %arg8[%swap3A_534], %add3A_533 {strides = array<i32>} : memref<3584xi32, #tpu.memory_space<vmem>>, vector<16xi32>,
    %get3A_536 = arith.constant 1072 : index
    %get3A_537 = tpu.vector_load %arg8[%get3A_536] {strides = array<i32>} : memref<3584xi32, #tpu.memory_space<vmem>>, vector<16xi32>,
    %gather3A_538 = tpu.vector_load_idx %arg7[%get3A_537] : memref<3328xi32, #tpu.memory_space<vmem>>[vector<16xi32>], vector<16xi32>,
    %get3A_539 = arith.constant 1072 : index
    %get3A_540 = tpu.vector_load %arg9[%get3A_539] {strides = array<i32>} : memref<3584xi32, #tpu.memory_space<vmem>>, vector<16xi32>,
    %add3A_541 = arith.addi %gather3A_538, %get3A_540 : vector<16xi32>
    %swap3A_542 = arith.constant 1072 : index
    %swap3A_543 = tpu.vector_load %arg8[%swap3A_542] {strides = array<i32>} : memref<3584xi32, #tpu.memory_space<vmem>>, vector<16xi32>,
    tpu.vector_store %arg8[%swap3A_542], %add3A_541 {strides = array<i32>} : memref<3584xi32, #tpu.memory_space<vmem>>, vector<16xi32>,
    %get3A_544 = arith.constant 1088 : index
    %get3A_545 = tpu.vector_load %arg8[%get3A_544] {strides = array<i32>} : memref<3584xi32, #tpu.memory_space<vmem>>, vector<16xi32>,
    %gather3A_546 = tpu.vector_load_idx %arg7[%get3A_545] : memref<3328xi32, #tpu.memory_space<vmem>>[vector<16xi32>], vector<16xi32>,
    %get3A_547 = arith.constant 1088 : index
    %get3A_548 = tpu.vector_load %arg9[%get3A_547] {strides = array<i32>} : memref<3584xi32, #tpu.memory_space<vmem>>, vector<16xi32>,
    %add3A_549 = arith.addi %gather3A_546, %get3A_548 : vector<16xi32>
    %swap3A_550 = arith.constant 1088 : index
    %swap3A_551 = tpu.vector_load %arg8[%swap3A_550] {strides = array<i32>} : memref<3584xi32, #tpu.memory_space<vmem>>, vector<16xi32>,
    tpu.vector_store %arg8[%swap3A_550], %add3A_549 {strides = array<i32>} : memref<3584xi32, #tpu.memory_space<vmem>>, vector<16xi32>,
    %get3A_552 = arith.constant 1104 : index
    %get3A_553 = tpu.vector_load %arg8[%get3A_552] {strides = array<i32>} : memref<3584xi32, #tpu.memory_space<vmem>>, vector<16xi32>,
    %gather3A_554 = tpu.vector_load_idx %arg7[%get3A_553] : memref<3328xi32, #tpu.memory_space<vmem>>[vector<16xi32>], vector<16xi32>,
    %get3A_555 = arith.constant 1104 : index
    %get3A_556 = tpu.vector_load %arg9[%get3A_555] {strides = array<i32>} : memref<3584xi32, #tpu.memory_space<vmem>>, vector<16xi32>,
    %add3A_557 = arith.addi %gather3A_554, %get3A_556 : vector<16xi32>
    %swap3A_558 = arith.constant 1104 : index
    %swap3A_559 = tpu.vector_load %arg8[%swap3A_558] {strides = array<i32>} : memref<3584xi32, #tpu.memory_space<vmem>>, vector<16xi32>,
    tpu.vector_store %arg8[%swap3A_558], %add3A_557 {strides = array<i32>} : memref<3584xi32, #tpu.memory_space<vmem>>, vector<16xi32>,
    %get3A_560 = arith.constant 1120 : index
    %get3A_561 = tpu.vector_load %arg8[%get3A_560] {strides = array<i32>} : memref<3584xi32, #tpu.memory_space<vmem>>, vector<16xi32>,
    %gather3A_562 = tpu.vector_load_idx %arg7[%get3A_561] : memref<3328xi32, #tpu.memory_space<vmem>>[vector<16xi32>], vector<16xi32>,
    %get3A_563 = arith.constant 1120 : index
    %get3A_564 = tpu.vector_load %arg9[%get3A_563] {strides = array<i32>} : memref<3584xi32, #tpu.memory_space<vmem>>, vector<16xi32>,
    %add3A_565 = arith.addi %gather3A_562, %get3A_564 : vector<16xi32>
    %swap3A_566 = arith.constant 1120 : index
    %swap3A_567 = tpu.vector_load %arg8[%swap3A_566] {strides = array<i32>} : memref<3584xi32, #tpu.memory_space<vmem>>, vector<16xi32>,
    tpu.vector_store %arg8[%swap3A_566], %add3A_565 {strides = array<i32>} : memref<3584xi32, #tpu.memory_space<vmem>>, vector<16xi32>,
    %get3A_568 = arith.constant 1136 : index
    %get3A_569 = tpu.vector_load %arg8[%get3A_568] {strides = array<i32>} : memref<3584xi32, #tpu.memory_space<vmem>>, vector<16xi32>,
    %gather3A_570 = tpu.vector_load_idx %arg7[%get3A_569] : memref<3328xi32, #tpu.memory_space<vmem>>[vector<16xi32>], vector<16xi32>,
    %get3A_571 = arith.constant 1136 : index
    %get3A_572 = tpu.vector_load %arg9[%get3A_571] {strides = array<i32>} : memref<3584xi32, #tpu.memory_space<vmem>>, vector<16xi32>,
    %add3A_573 = arith.addi %gather3A_570, %get3A_572 : vector<16xi32>
    %swap3A_574 = arith.constant 1136 : index
    %swap3A_575 = tpu.vector_load %arg8[%swap3A_574] {strides = array<i32>} : memref<3584xi32, #tpu.memory_space<vmem>>, vector<16xi32>,
    tpu.vector_store %arg8[%swap3A_574], %add3A_573 {strides = array<i32>} : memref<3584xi32, #tpu.memory_space<vmem>>, vector<16xi32>,
    %get3A_576 = arith.constant 1152 : index
    %get3A_577 = tpu.vector_load %arg8[%get3A_576] {strides = array<i32>} : memref<3584xi32, #tpu.memory_space<vmem>>, vector<16xi32>,
    %gather3A_578 = tpu.vector_load_idx %arg7[%get3A_577] : memref<3328xi32, #tpu.memory_space<vmem>>[vector<16xi32>], vector<16xi32>,
    %get3A_579 = arith.constant 1152 : index
    %get3A_580 = tpu.vector_load %arg9[%get3A_579] {strides = array<i32>} : memref<3584xi32, #tpu.memory_space<vmem>>, vector<16xi32>,
    %add3A_581 = arith.addi %gather3A_578, %get3A_580 : vector<16xi32>
    %swap3A_582 = arith.constant 1152 : index
    %swap3A_583 = tpu.vector_load %arg8[%swap3A_582] {strides = array<i32>} : memref<3584xi32, #tpu.memory_space<vmem>>, vector<16xi32>,
    tpu.vector_store %arg8[%swap3A_582], %add3A_581 {strides = array<i32>} : memref<3584xi32, #tpu.memory_space<vmem>>, vector<16xi32>,
    %get3A_584 = arith.constant 1168 : index
    %get3A_585 = tpu.vector_load %arg8[%get3A_584] {strides = array<i32>} : memref<3584xi32, #tpu.memory_space<vmem>>, vector<16xi32>,
    %gather3A_586 = tpu.vector_load_idx %arg7[%get3A_585] : memref<3328xi32, #tpu.memory_space<vmem>>[vector<16xi32>], vector<16xi32>,
    %get3A_587 = arith.constant 1168 : index
    %get3A_588 = tpu.vector_load %arg9[%get3A_587] {strides = array<i32>} : memref<3584xi32, #tpu.memory_space<vmem>>, vector<16xi32>,
    %add3A_589 = arith.addi %gather3A_586, %get3A_588 : vector<16xi32>
    %swap3A_590 = arith.constant 1168 : index
    %swap3A_591 = tpu.vector_load %arg8[%swap3A_590] {strides = array<i32>} : memref<3584xi32, #tpu.memory_space<vmem>>, vector<16xi32>,
    tpu.vector_store %arg8[%swap3A_590], %add3A_589 {strides = array<i32>} : memref<3584xi32, #tpu.memory_space<vmem>>, vector<16xi32>,
    %get3A_592 = arith.constant 1184 : index
    %get3A_593 = tpu.vector_load %arg8[%get3A_592] {strides = array<i32>} : memref<3584xi32, #tpu.memory_space<vmem>>, vector<16xi32>,
    %gather3A_594 = tpu.vector_load_idx %arg7[%get3A_593] : memref<3328xi32, #tpu.memory_space<vmem>>[vector<16xi32>], vector<16xi32>,
    %get3A_595 = arith.constant 1184 : index
    %get3A_596 = tpu.vector_load %arg9[%get3A_595] {strides = array<i32>} : memref<3584xi32, #tpu.memory_space<vmem>>, vector<16xi32>,
    %add3A_597 = arith.addi %gather3A_594, %get3A_596 : vector<16xi32>
    %swap3A_598 = arith.constant 1184 : index
    %swap3A_599 = tpu.vector_load %arg8[%swap3A_598] {strides = array<i32>} : memref<3584xi32, #tpu.memory_space<vmem>>, vector<16xi32>,
    tpu.vector_store %arg8[%swap3A_598], %add3A_597 {strides = array<i32>} : memref<3584xi32, #tpu.memory_space<vmem>>, vector<16xi32>,
    %get3A_600 = arith.constant 1200 : index
    %get3A_601 = tpu.vector_load %arg8[%get3A_600] {strides = array<i32>} : memref<3584xi32, #tpu.memory_space<vmem>>, vector<16xi32>,
    %gather3A_602 = tpu.vector_load_idx %arg7[%get3A_601] : memref<3328xi32, #tpu.memory_space<vmem>>[vector<16xi32>], vector<16xi32>,
    %get3A_603 = arith.constant 1200 : index
    %get3A_604 = tpu.vector_load %arg9[%get3A_603] {strides = array<i32>} : memref<3584xi32, #tpu.memory_space<vmem>>, vector<16xi32>,
    %add3A_605 = arith.addi %gather3A_602, %get3A_604 : vector<16xi32>
    %swap3A_606 = arith.constant 1200 : index
    %swap3A_607 = tpu.vector_load %arg8[%swap3A_606] {strides = array<i32>} : memref<3584xi32, #tpu.memory_space<vmem>>, vector<16xi32>,
    tpu.vector_store %arg8[%swap3A_606], %add3A_605 {strides = array<i32>} : memref<3584xi32, #tpu.memory_space<vmem>>, vector<16xi32>,
    %get3A_608 = arith.constant 1216 : index
    %get3A_609 = tpu.vector_load %arg8[%get3A_608] {strides = array<i32>} : memref<3584xi32, #tpu.memory_space<vmem>>, vector<16xi32>,
    %gather3A_610 = tpu.vector_load_idx %arg7[%get3A_609] : memref<3328xi32, #tpu.memory_space<vmem>>[vector<16xi32>], vector<16xi32>,
    %get3A_611 = arith.constant 1216 : index
    %get3A_612 = tpu.vector_load %arg9[%get3A_611] {strides = array<i32>} : memref<3584xi32, #tpu.memory_space<vmem>>, vector<16xi32>,
    %add3A_613 = arith.addi %gather3A_610, %get3A_612 : vector<16xi32>
    %swap3A_614 = arith.constant 1216 : index
    %swap3A_615 = tpu.vector_load %arg8[%swap3A_614] {strides = array<i32>} : memref<3584xi32, #tpu.memory_space<vmem>>, vector<16xi32>,
    tpu.vector_store %arg8[%swap3A_614], %add3A_613 {strides = array<i32>} : memref<3584xi32, #tpu.memory_space<vmem>>, vector<16xi32>,
    %get3A_616 = arith.constant 1232 : index
    %get3A_617 = tpu.vector_load %arg8[%get3A_616] {strides = array<i32>} : memref<3584xi32, #tpu.memory_space<vmem>>, vector<16xi32>,
    %gather3A_618 = tpu.vector_load_idx %arg7[%get3A_617] : memref<3328xi32, #tpu.memory_space<vmem>>[vector<16xi32>], vector<16xi32>,
    %get3A_619 = arith.constant 1232 : index
    %get3A_620 = tpu.vector_load %arg9[%get3A_619] {strides = array<i32>} : memref<3584xi32, #tpu.memory_space<vmem>>, vector<16xi32>,
    %add3A_621 = arith.addi %gather3A_618, %get3A_620 : vector<16xi32>
    %swap3A_622 = arith.constant 1232 : index
    %swap3A_623 = tpu.vector_load %arg8[%swap3A_622] {strides = array<i32>} : memref<3584xi32, #tpu.memory_space<vmem>>, vector<16xi32>,
    tpu.vector_store %arg8[%swap3A_622], %add3A_621 {strides = array<i32>} : memref<3584xi32, #tpu.memory_space<vmem>>, vector<16xi32>,
    %get3A_624 = arith.constant 1248 : index
    %get3A_625 = tpu.vector_load %arg8[%get3A_624] {strides = array<i32>} : memref<3584xi32, #tpu.memory_space<vmem>>, vector<16xi32>,
    %gather3A_626 = tpu.vector_load_idx %arg7[%get3A_625] : memref<3328xi32, #tpu.memory_space<vmem>>[vector<16xi32>], vector<16xi32>,
    %get3A_627 = arith.constant 1248 : index
    %get3A_628 = tpu.vector_load %arg9[%get3A_627] {strides = array<i32>} : memref<3584xi32, #tpu.memory_space<vmem>>, vector<16xi32>,
    %add3A_629 = arith.addi %gather3A_626, %get3A_628 : vector<16xi32>
    %swap3A_630 = arith.constant 1248 : index
    %swap3A_631 = tpu.vector_load %arg8[%swap3A_630] {strides = array<i32>} : memref<3584xi32, #tpu.memory_space<vmem>>, vector<16xi32>,
    tpu.vector_store %arg8[%swap3A_630], %add3A_629 {strides = array<i32>} : memref<3584xi32, #tpu.memory_space<vmem>>, vector<16xi32>,
    %get3A_632 = arith.constant 1264 : index
    %get3A_633 = tpu.vector_load %arg8[%get3A_632] {strides = array<i32>} : memref<3584xi32, #tpu.memory_space<vmem>>, vector<16xi32>,
    %gather3A_634 = tpu.vector_load_idx %arg7[%get3A_633] : memref<3328xi32, #tpu.memory_space<vmem>>[vector<16xi32>], vector<16xi32>,
    %get3A_635 = arith.constant 1264 : index
    %get3A_636 = tpu.vector_load %arg9[%get3A_635] {strides = array<i32>} : memref<3584xi32, #tpu.memory_space<vmem>>, vector<16xi32>,
    %add3A_637 = arith.addi %gather3A_634, %get3A_636 : vector<16xi32>
    %swap3A_638 = arith.constant 1264 : index
    %swap3A_639 = tpu.vector_load %arg8[%swap3A_638] {strides = array<i32>} : memref<3584xi32, #tpu.memory_space<vmem>>, vector<16xi32>,
    tpu.vector_store %arg8[%swap3A_638], %add3A_637 {strides = array<i32>} : memref<3584xi32, #tpu.memory_space<vmem>>, vector<16xi32>,
    %get3A_640 = arith.constant 1280 : index
    %get3A_641 = tpu.vector_load %arg8[%get3A_640] {strides = array<i32>} : memref<3584xi32, #tpu.memory_space<vmem>>, vector<16xi32>,
    %gather3A_642 = tpu.vector_load_idx %arg7[%get3A_641] : memref<3328xi32, #tpu.memory_space<vmem>>[vector<16xi32>], vector<16xi32>,
    %get3A_643 = arith.constant 1280 : index
    %get3A_644 = tpu.vector_load %arg9[%get3A_643] {strides = array<i32>} : memref<3584xi32, #tpu.memory_space<vmem>>, vector<16xi32>,
    %add3A_645 = arith.addi %gather3A_642, %get3A_644 : vector<16xi32>
    %swap3A_646 = arith.constant 1280 : index
    %swap3A_647 = tpu.vector_load %arg8[%swap3A_646] {strides = array<i32>} : memref<3584xi32, #tpu.memory_space<vmem>>, vector<16xi32>,
    tpu.vector_store %arg8[%swap3A_646], %add3A_645 {strides = array<i32>} : memref<3584xi32, #tpu.memory_space<vmem>>, vector<16xi32>,
    %get3A_648 = arith.constant 1296 : index
    %get3A_649 = tpu.vector_load %arg8[%get3A_648] {strides = array<i32>} : memref<3584xi32, #tpu.memory_space<vmem>>, vector<16xi32>,
    %gather3A_650 = tpu.vector_load_idx %arg7[%get3A_649] : memref<3328xi32, #tpu.memory_space<vmem>>[vector<16xi32>], vector<16xi32>,
    %get3A_651 = arith.constant 1296 : index
    %get3A_652 = tpu.vector_load %arg9[%get3A_651] {strides = array<i32>} : memref<3584xi32, #tpu.memory_space<vmem>>, vector<16xi32>,
    %add3A_653 = arith.addi %gather3A_650, %get3A_652 : vector<16xi32>
    %swap3A_654 = arith.constant 1296 : index
    %swap3A_655 = tpu.vector_load %arg8[%swap3A_654] {strides = array<i32>} : memref<3584xi32, #tpu.memory_space<vmem>>, vector<16xi32>,
    tpu.vector_store %arg8[%swap3A_654], %add3A_653 {strides = array<i32>} : memref<3584xi32, #tpu.memory_space<vmem>>, vector<16xi32>,
    %get3A_656 = arith.constant 1312 : index
    %get3A_657 = tpu.vector_load %arg8[%get3A_656] {strides = array<i32>} : memref<3584xi32, #tpu.memory_space<vmem>>, vector<16xi32>,
    %gather3A_658 = tpu.vector_load_idx %arg7[%get3A_657] : memref<3328xi32, #tpu.memory_space<vmem>>[vector<16xi32>], vector<16xi32>,
    %get3A_659 = arith.constant 1312 : index
    %get3A_660 = tpu.vector_load %arg9[%get3A_659] {strides = array<i32>} : memref<3584xi32, #tpu.memory_space<vmem>>, vector<16xi32>,
    %add3A_661 = arith.addi %gather3A_658, %get3A_660 : vector<16xi32>
    %swap3A_662 = arith.constant 1312 : index
    %swap3A_663 = tpu.vector_load %arg8[%swap3A_662] {strides = array<i32>} : memref<3584xi32, #tpu.memory_space<vmem>>, vector<16xi32>,
    tpu.vector_store %arg8[%swap3A_662], %add3A_661 {strides = array<i32>} : memref<3584xi32, #tpu.memory_space<vmem>>, vector<16xi32>,
    %get3A_664 = arith.constant 1328 : index
    %get3A_665 = tpu.vector_load %arg8[%get3A_664] {strides = array<i32>} : memref<3584xi32, #tpu.memory_space<vmem>>, vector<16xi32>,
    %gather3A_666 = tpu.vector_load_idx %arg7[%get3A_665] : memref<3328xi32, #tpu.memory_space<vmem>>[vector<16xi32>], vector<16xi32>,
    %get3A_667 = arith.constant 1328 : index
    %get3A_668 = tpu.vector_load %arg9[%get3A_667] {strides = array<i32>} : memref<3584xi32, #tpu.memory_space<vmem>>, vector<16xi32>,
    %add3A_669 = arith.addi %gather3A_666, %get3A_668 : vector<16xi32>
    %swap3A_670 = arith.constant 1328 : index
    %swap3A_671 = tpu.vector_load %arg8[%swap3A_670] {strides = array<i32>} : memref<3584xi32, #tpu.memory_space<vmem>>, vector<16xi32>,
    tpu.vector_store %arg8[%swap3A_670], %add3A_669 {strides = array<i32>} : memref<3584xi32, #tpu.memory_space<vmem>>, vector<16xi32>,
    %get3A_672 = arith.constant 1344 : index
    %get3A_673 = tpu.vector_load %arg8[%get3A_672] {strides = array<i32>} : memref<3584xi32, #tpu.memory_space<vmem>>, vector<16xi32>,
    %gather3A_674 = tpu.vector_load_idx %arg7[%get3A_673] : memref<3328xi32, #tpu.memory_space<vmem>>[vector<16xi32>], vector<16xi32>,
    %get3A_675 = arith.constant 1344 : index
    %get3A_676 = tpu.vector_load %arg9[%get3A_675] {strides = array<i32>} : memref<3584xi32, #tpu.memory_space<vmem>>, vector<16xi32>,
    %add3A_677 = arith.addi %gather3A_674, %get3A_676 : vector<16xi32>
    %swap3A_678 = arith.constant 1344 : index
    %swap3A_679 = tpu.vector_load %arg8[%swap3A_678] {strides = array<i32>} : memref<3584xi32, #tpu.memory_space<vmem>>, vector<16xi32>,
    tpu.vector_store %arg8[%swap3A_678], %add3A_677 {strides = array<i32>} : memref<3584xi32, #tpu.memory_space<vmem>>, vector<16xi32>,
    %get3A_680 = arith.constant 1360 : index
    %get3A_681 = tpu.vector_load %arg8[%get3A_680] {strides = array<i32>} : memref<3584xi32, #tpu.memory_space<vmem>>, vector<16xi32>,
    %gather3A_682 = tpu.vector_load_idx %arg7[%get3A_681] : memref<3328xi32, #tpu.memory_space<vmem>>[vector<16xi32>], vector<16xi32>,
    %get3A_683 = arith.constant 1360 : index
    %get3A_684 = tpu.vector_load %arg9[%get3A_683] {strides = array<i32>} : memref<3584xi32, #tpu.memory_space<vmem>>, vector<16xi32>,
    %add3A_685 = arith.addi %gather3A_682, %get3A_684 : vector<16xi32>
    %swap3A_686 = arith.constant 1360 : index
    %swap3A_687 = tpu.vector_load %arg8[%swap3A_686] {strides = array<i32>} : memref<3584xi32, #tpu.memory_space<vmem>>, vector<16xi32>,
    tpu.vector_store %arg8[%swap3A_686], %add3A_685 {strides = array<i32>} : memref<3584xi32, #tpu.memory_space<vmem>>, vector<16xi32>,
    %get3A_688 = arith.constant 1376 : index
    %get3A_689 = tpu.vector_load %arg8[%get3A_688] {strides = array<i32>} : memref<3584xi32, #tpu.memory_space<vmem>>, vector<16xi32>,
    %gather3A_690 = tpu.vector_load_idx %arg7[%get3A_689] : memref<3328xi32, #tpu.memory_space<vmem>>[vector<16xi32>], vector<16xi32>,
    %get3A_691 = arith.constant 1376 : index
    %get3A_692 = tpu.vector_load %arg9[%get3A_691] {strides = array<i32>} : memref<3584xi32, #tpu.memory_space<vmem>>, vector<16xi32>,
    %add3A_693 = arith.addi %gather3A_690, %get3A_692 : vector<16xi32>
    %swap3A_694 = arith.constant 1376 : index
    %swap3A_695 = tpu.vector_load %arg8[%swap3A_694] {strides = array<i32>} : memref<3584xi32, #tpu.memory_space<vmem>>, vector<16xi32>,
    tpu.vector_store %arg8[%swap3A_694], %add3A_693 {strides = array<i32>} : memref<3584xi32, #tpu.memory_space<vmem>>, vector<16xi32>,
    %get3A_696 = arith.constant 1392 : index
    %get3A_697 = tpu.vector_load %arg8[%get3A_696] {strides = array<i32>} : memref<3584xi32, #tpu.memory_space<vmem>>, vector<16xi32>,
    %gather3A_698 = tpu.vector_load_idx %arg7[%get3A_697] : memref<3328xi32, #tpu.memory_space<vmem>>[vector<16xi32>], vector<16xi32>,
    %get3A_699 = arith.constant 1392 : index
    %get3A_700 = tpu.vector_load %arg9[%get3A_699] {strides = array<i32>} : memref<3584xi32, #tpu.memory_space<vmem>>, vector<16xi32>,
    %add3A_701 = arith.addi %gather3A_698, %get3A_700 : vector<16xi32>
    %swap3A_702 = arith.constant 1392 : index
    %swap3A_703 = tpu.vector_load %arg8[%swap3A_702] {strides = array<i32>} : memref<3584xi32, #tpu.memory_space<vmem>>, vector<16xi32>,
    tpu.vector_store %arg8[%swap3A_702], %add3A_701 {strides = array<i32>} : memref<3584xi32, #tpu.memory_space<vmem>>, vector<16xi32>,
    %get3A_704 = arith.constant 1408 : index
    %get3A_705 = tpu.vector_load %arg8[%get3A_704] {strides = array<i32>} : memref<3584xi32, #tpu.memory_space<vmem>>, vector<16xi32>,
    %gather3A_706 = tpu.vector_load_idx %arg7[%get3A_705] : memref<3328xi32, #tpu.memory_space<vmem>>[vector<16xi32>], vector<16xi32>,
    %get3A_707 = arith.constant 1408 : index
    %get3A_708 = tpu.vector_load %arg9[%get3A_707] {strides = array<i32>} : memref<3584xi32, #tpu.memory_space<vmem>>, vector<16xi32>,
    %add3A_709 = arith.addi %gather3A_706, %get3A_708 : vector<16xi32>
    %swap3A_710 = arith.constant 1408 : index
    %swap3A_711 = tpu.vector_load %arg8[%swap3A_710] {strides = array<i32>} : memref<3584xi32, #tpu.memory_space<vmem>>, vector<16xi32>,
    tpu.vector_store %arg8[%swap3A_710], %add3A_709 {strides = array<i32>} : memref<3584xi32, #tpu.memory_space<vmem>>, vector<16xi32>,
    %get3A_712 = arith.constant 1424 : index
    %get3A_713 = tpu.vector_load %arg8[%get3A_712] {strides = array<i32>} : memref<3584xi32, #tpu.memory_space<vmem>>, vector<16xi32>,
    %gather3A_714 = tpu.vector_load_idx %arg7[%get3A_713] : memref<3328xi32, #tpu.memory_space<vmem>>[vector<16xi32>], vector<16xi32>,
    %get3A_715 = arith.constant 1424 : index
    %get3A_716 = tpu.vector_load %arg9[%get3A_715] {strides = array<i32>} : memref<3584xi32, #tpu.memory_space<vmem>>, vector<16xi32>,
    %add3A_717 = arith.addi %gather3A_714, %get3A_716 : vector<16xi32>
    %swap3A_718 = arith.constant 1424 : index
    %swap3A_719 = tpu.vector_load %arg8[%swap3A_718] {strides = array<i32>} : memref<3584xi32, #tpu.memory_space<vmem>>, vector<16xi32>,
    tpu.vector_store %arg8[%swap3A_718], %add3A_717 {strides = array<i32>} : memref<3584xi32, #tpu.memory_space<vmem>>, vector<16xi32>,
    %get3A_720 = arith.constant 1440 : index
    %get3A_721 = tpu.vector_load %arg8[%get3A_720] {strides = array<i32>} : memref<3584xi32, #tpu.memory_space<vmem>>, vector<16xi32>,
    %gather3A_722 = tpu.vector_load_idx %arg7[%get3A_721] : memref<3328xi32, #tpu.memory_space<vmem>>[vector<16xi32>], vector<16xi32>,
    %get3A_723 = arith.constant 1440 : index
    %get3A_724 = tpu.vector_load %arg9[%get3A_723] {strides = array<i32>} : memref<3584xi32, #tpu.memory_space<vmem>>, vector<16xi32>,
    %add3A_725 = arith.addi %gather3A_722, %get3A_724 : vector<16xi32>
    %swap3A_726 = arith.constant 1440 : index
    %swap3A_727 = tpu.vector_load %arg8[%swap3A_726] {strides = array<i32>} : memref<3584xi32, #tpu.memory_space<vmem>>, vector<16xi32>,
    tpu.vector_store %arg8[%swap3A_726], %add3A_725 {strides = array<i32>} : memref<3584xi32, #tpu.memory_space<vmem>>, vector<16xi32>,
    %get3A_728 = arith.constant 1456 : index
    %get3A_729 = tpu.vector_load %arg8[%get3A_728] {strides = array<i32>} : memref<3584xi32, #tpu.memory_space<vmem>>, vector<16xi32>,
    %gather3A_730 = tpu.vector_load_idx %arg7[%get3A_729] : memref<3328xi32, #tpu.memory_space<vmem>>[vector<16xi32>], vector<16xi32>,
    %get3A_731 = arith.constant 1456 : index
    %get3A_732 = tpu.vector_load %arg9[%get3A_731] {strides = array<i32>} : memref<3584xi32, #tpu.memory_space<vmem>>, vector<16xi32>,
    %add3A_733 = arith.addi %gather3A_730, %get3A_732 : vector<16xi32>
    %swap3A_734 = arith.constant 1456 : index
    %swap3A_735 = tpu.vector_load %arg8[%swap3A_734] {strides = array<i32>} : memref<3584xi32, #tpu.memory_space<vmem>>, vector<16xi32>,
    tpu.vector_store %arg8[%swap3A_734], %add3A_733 {strides = array<i32>} : memref<3584xi32, #tpu.memory_space<vmem>>, vector<16xi32>,
    %get3A_736 = arith.constant 1472 : index
    %get3A_737 = tpu.vector_load %arg8[%get3A_736] {strides = array<i32>} : memref<3584xi32, #tpu.memory_space<vmem>>, vector<16xi32>,
    %gather3A_738 = tpu.vector_load_idx %arg7[%get3A_737] : memref<3328xi32, #tpu.memory_space<vmem>>[vector<16xi32>], vector<16xi32>,
    %get3A_739 = arith.constant 1472 : index
    %get3A_740 = tpu.vector_load %arg9[%get3A_739] {strides = array<i32>} : memref<3584xi32, #tpu.memory_space<vmem>>, vector<16xi32>,
    %add3A_741 = arith.addi %gather3A_738, %get3A_740 : vector<16xi32>
    %swap3A_742 = arith.constant 1472 : index
    %swap3A_743 = tpu.vector_load %arg8[%swap3A_742] {strides = array<i32>} : memref<3584xi32, #tpu.memory_space<vmem>>, vector<16xi32>,
    tpu.vector_store %arg8[%swap3A_742], %add3A_741 {strides = array<i32>} : memref<3584xi32, #tpu.memory_space<vmem>>, vector<16xi32>,
    %get3A_744 = arith.constant 1488 : index
    %get3A_745 = tpu.vector_load %arg8[%get3A_744] {strides = array<i32>} : memref<3584xi32, #tpu.memory_space<vmem>>, vector<16xi32>,
    %gather3A_746 = tpu.vector_load_idx %arg7[%get3A_745] : memref<3328xi32, #tpu.memory_space<vmem>>[vector<16xi32>], vector<16xi32>,
    %get3A_747 = arith.constant 1488 : index
    %get3A_748 = tpu.vector_load %arg9[%get3A_747] {strides = array<i32>} : memref<3584xi32, #tpu.memory_space<vmem>>, vector<16xi32>,
    %add3A_749 = arith.addi %gather3A_746, %get3A_748 : vector<16xi32>
    %swap3A_750 = arith.constant 1488 : index
    %swap3A_751 = tpu.vector_load %arg8[%swap3A_750] {strides = array<i32>} : memref<3584xi32, #tpu.memory_space<vmem>>, vector<16xi32>,
    tpu.vector_store %arg8[%swap3A_750], %add3A_749 {strides = array<i32>} : memref<3584xi32, #tpu.memory_space<vmem>>, vector<16xi32>,
    %get3A_752 = arith.constant 1504 : index
    %get3A_753 = tpu.vector_load %arg8[%get3A_752] {strides = array<i32>} : memref<3584xi32, #tpu.memory_space<vmem>>, vector<16xi32>,
    %gather3A_754 = tpu.vector_load_idx %arg7[%get3A_753] : memref<3328xi32, #tpu.memory_space<vmem>>[vector<16xi32>], vector<16xi32>,
    %get3A_755 = arith.constant 1504 : index
    %get3A_756 = tpu.vector_load %arg9[%get3A_755] {strides = array<i32>} : memref<3584xi32, #tpu.memory_space<vmem>>, vector<16xi32>,
    %add3A_757 = arith.addi %gather3A_754, %get3A_756 : vector<16xi32>
    %swap3A_758 = arith.constant 1504 : index
    %swap3A_759 = tpu.vector_load %arg8[%swap3A_758] {strides = array<i32>} : memref<3584xi32, #tpu.memory_space<vmem>>, vector<16xi32>,
    tpu.vector_store %arg8[%swap3A_758], %add3A_757 {strides = array<i32>} : memref<3584xi32, #tpu.memory_space<vmem>>, vector<16xi32>,
    %get3A_760 = arith.constant 1520 : index
    %get3A_761 = tpu.vector_load %arg8[%get3A_760] {strides = array<i32>} : memref<3584xi32, #tpu.memory_space<vmem>>, vector<16xi32>,
    %gather3A_762 = tpu.vector_load_idx %arg7[%get3A_761] : memref<3328xi32, #tpu.memory_space<vmem>>[vector<16xi32>], vector<16xi32>,
    %get3A_763 = arith.constant 1520 : index
    %get3A_764 = tpu.vector_load %arg9[%get3A_763] {strides = array<i32>} : memref<3584xi32, #tpu.memory_space<vmem>>, vector<16xi32>,
    %add3A_765 = arith.addi %gather3A_762, %get3A_764 : vector<16xi32>
    %swap3A_766 = arith.constant 1520 : index
    %swap3A_767 = tpu.vector_load %arg8[%swap3A_766] {strides = array<i32>} : memref<3584xi32, #tpu.memory_space<vmem>>, vector<16xi32>,
    tpu.vector_store %arg8[%swap3A_766], %add3A_765 {strides = array<i32>} : memref<3584xi32, #tpu.memory_space<vmem>>, vector<16xi32>,
    %get3A_768 = arith.constant 1536 : index
    %get3A_769 = tpu.vector_load %arg8[%get3A_768] {strides = array<i32>} : memref<3584xi32, #tpu.memory_space<vmem>>, vector<16xi32>,
    %gather3A_770 = tpu.vector_load_idx %arg7[%get3A_769] : memref<3328xi32, #tpu.memory_space<vmem>>[vector<16xi32>], vector<16xi32>,
    %get3A_771 = arith.constant 1536 : index
    %get3A_772 = tpu.vector_load %arg9[%get3A_771] {strides = array<i32>} : memref<3584xi32, #tpu.memory_space<vmem>>, vector<16xi32>,
    %add3A_773 = arith.addi %gather3A_770, %get3A_772 : vector<16xi32>
    %swap3A_774 = arith.constant 1536 : index
    %swap3A_775 = tpu.vector_load %arg8[%swap3A_774] {strides = array<i32>} : memref<3584xi32, #tpu.memory_space<vmem>>, vector<16xi32>,
    tpu.vector_store %arg8[%swap3A_774], %add3A_773 {strides = array<i32>} : memref<3584xi32, #tpu.memory_space<vmem>>, vector<16xi32>,
    %get3A_776 = arith.constant 1552 : index
    %get3A_777 = tpu.vector_load %arg8[%get3A_776] {strides = array<i32>} : memref<3584xi32, #tpu.memory_space<vmem>>, vector<16xi32>,
    %gather3A_778 = tpu.vector_load_idx %arg7[%get3A_777] : memref<3328xi32, #tpu.memory_space<vmem>>[vector<16xi32>], vector<16xi32>,
    %get3A_779 = arith.constant 1552 : index
    %get3A_780 = tpu.vector_load %arg9[%get3A_779] {strides = array<i32>} : memref<3584xi32, #tpu.memory_space<vmem>>, vector<16xi32>,
    %add3A_781 = arith.addi %gather3A_778, %get3A_780 : vector<16xi32>
    %swap3A_782 = arith.constant 1552 : index
    %swap3A_783 = tpu.vector_load %arg8[%swap3A_782] {strides = array<i32>} : memref<3584xi32, #tpu.memory_space<vmem>>, vector<16xi32>,
    tpu.vector_store %arg8[%swap3A_782], %add3A_781 {strides = array<i32>} : memref<3584xi32, #tpu.memory_space<vmem>>, vector<16xi32>,
    %get3A_784 = arith.constant 1568 : index
    %get3A_785 = tpu.vector_load %arg8[%get3A_784] {strides = array<i32>} : memref<3584xi32, #tpu.memory_space<vmem>>, vector<16xi32>,
    %gather3A_786 = tpu.vector_load_idx %arg7[%get3A_785] : memref<3328xi32, #tpu.memory_space<vmem>>[vector<16xi32>], vector<16xi32>,
    %get3A_787 = arith.constant 1568 : index
    %get3A_788 = tpu.vector_load %arg9[%get3A_787] {strides = array<i32>} : memref<3584xi32, #tpu.memory_space<vmem>>, vector<16xi32>,
    %add3A_789 = arith.addi %gather3A_786, %get3A_788 : vector<16xi32>
    %swap3A_790 = arith.constant 1568 : index
    %swap3A_791 = tpu.vector_load %arg8[%swap3A_790] {strides = array<i32>} : memref<3584xi32, #tpu.memory_space<vmem>>, vector<16xi32>,
    tpu.vector_store %arg8[%swap3A_790], %add3A_789 {strides = array<i32>} : memref<3584xi32, #tpu.memory_space<vmem>>, vector<16xi32>,
    %get3A_792 = arith.constant 1584 : index
    %get3A_793 = tpu.vector_load %arg8[%get3A_792] {strides = array<i32>} : memref<3584xi32, #tpu.memory_space<vmem>>, vector<16xi32>,
    %gather3A_794 = tpu.vector_load_idx %arg7[%get3A_793] : memref<3328xi32, #tpu.memory_space<vmem>>[vector<16xi32>], vector<16xi32>,
    %get3A_795 = arith.constant 1584 : index
    %get3A_796 = tpu.vector_load %arg9[%get3A_795] {strides = array<i32>} : memref<3584xi32, #tpu.memory_space<vmem>>, vector<16xi32>,
    %add3A_797 = arith.addi %gather3A_794, %get3A_796 : vector<16xi32>
    %swap3A_798 = arith.constant 1584 : index
    %swap3A_799 = tpu.vector_load %arg8[%swap3A_798] {strides = array<i32>} : memref<3584xi32, #tpu.memory_space<vmem>>, vector<16xi32>,
    tpu.vector_store %arg8[%swap3A_798], %add3A_797 {strides = array<i32>} : memref<3584xi32, #tpu.memory_space<vmem>>, vector<16xi32>,
    %get3A_800 = arith.constant 1600 : index
    %get3A_801 = tpu.vector_load %arg8[%get3A_800] {strides = array<i32>} : memref<3584xi32, #tpu.memory_space<vmem>>, vector<16xi32>,
    %gather3A_802 = tpu.vector_load_idx %arg7[%get3A_801] : memref<3328xi32, #tpu.memory_space<vmem>>[vector<16xi32>], vector<16xi32>,
    %get3A_803 = arith.constant 1600 : index
    %get3A_804 = tpu.vector_load %arg9[%get3A_803] {strides = array<i32>} : memref<3584xi32, #tpu.memory_space<vmem>>, vector<16xi32>,
    %add3A_805 = arith.addi %gather3A_802, %get3A_804 : vector<16xi32>
    %swap3A_806 = arith.constant 1600 : index
    %swap3A_807 = tpu.vector_load %arg8[%swap3A_806] {strides = array<i32>} : memref<3584xi32, #tpu.memory_space<vmem>>, vector<16xi32>,
    tpu.vector_store %arg8[%swap3A_806], %add3A_805 {strides = array<i32>} : memref<3584xi32, #tpu.memory_space<vmem>>, vector<16xi32>,
    %get3A_808 = arith.constant 1616 : index
    %get3A_809 = tpu.vector_load %arg8[%get3A_808] {strides = array<i32>} : memref<3584xi32, #tpu.memory_space<vmem>>, vector<16xi32>,
    %gather3A_810 = tpu.vector_load_idx %arg7[%get3A_809] : memref<3328xi32, #tpu.memory_space<vmem>>[vector<16xi32>], vector<16xi32>,
    %get3A_811 = arith.constant 1616 : index
    %get3A_812 = tpu.vector_load %arg9[%get3A_811] {strides = array<i32>} : memref<3584xi32, #tpu.memory_space<vmem>>, vector<16xi32>,
    %add3A_813 = arith.addi %gather3A_810, %get3A_812 : vector<16xi32>
    %swap3A_814 = arith.constant 1616 : index
    %swap3A_815 = tpu.vector_load %arg8[%swap3A_814] {strides = array<i32>} : memref<3584xi32, #tpu.memory_space<vmem>>, vector<16xi32>,
    tpu.vector_store %arg8[%swap3A_814], %add3A_813 {strides = array<i32>} : memref<3584xi32, #tpu.memory_space<vmem>>, vector<16xi32>,
    %get3A_816 = arith.constant 1632 : index
    %get3A_817 = tpu.vector_load %arg8[%get3A_816] {strides = array<i32>} : memref<3584xi32, #tpu.memory_space<vmem>>, vector<16xi32>,
    %gather3A_818 = tpu.vector_load_idx %arg7[%get3A_817] : memref<3328xi32, #tpu.memory_space<vmem>>[vector<16xi32>], vector<16xi32>,
    %get3A_819 = arith.constant 1632 : index
    %get3A_820 = tpu.vector_load %arg9[%get3A_819] {strides = array<i32>} : memref<3584xi32, #tpu.memory_space<vmem>>, vector<16xi32>,
    %add3A_821 = arith.addi %gather3A_818, %get3A_820 : vector<16xi32>
    %swap3A_822 = arith.constant 1632 : index
    %swap3A_823 = tpu.vector_load %arg8[%swap3A_822] {strides = array<i32>} : memref<3584xi32, #tpu.memory_space<vmem>>, vector<16xi32>,
    tpu.vector_store %arg8[%swap3A_822], %add3A_821 {strides = array<i32>} : memref<3584xi32, #tpu.memory_space<vmem>>, vector<16xi32>,
    %get3A_824 = arith.constant 1648 : index
    %get3A_825 = tpu.vector_load %arg8[%get3A_824] {strides = array<i32>} : memref<3584xi32, #tpu.memory_space<vmem>>, vector<16xi32>,
    %gather3A_826 = tpu.vector_load_idx %arg7[%get3A_825] : memref<3328xi32, #tpu.memory_space<vmem>>[vector<16xi32>], vector<16xi32>,
    %get3A_827 = arith.constant 1648 : index
    %get3A_828 = tpu.vector_load %arg9[%get3A_827] {strides = array<i32>} : memref<3584xi32, #tpu.memory_space<vmem>>, vector<16xi32>,
    %add3A_829 = arith.addi %gather3A_826, %get3A_828 : vector<16xi32>
    %swap3A_830 = arith.constant 1648 : index
    %swap3A_831 = tpu.vector_load %arg8[%swap3A_830] {strides = array<i32>} : memref<3584xi32, #tpu.memory_space<vmem>>, vector<16xi32>,
    tpu.vector_store %arg8[%swap3A_830], %add3A_829 {strides = array<i32>} : memref<3584xi32, #tpu.memory_space<vmem>>, vector<16xi32>,
    %get3A_832 = arith.constant 1664 : index
    %get3A_833 = tpu.vector_load %arg8[%get3A_832] {strides = array<i32>} : memref<3584xi32, #tpu.memory_space<vmem>>, vector<16xi32>,
    %gather3A_834 = tpu.vector_load_idx %arg7[%get3A_833] : memref<3328xi32, #tpu.memory_space<vmem>>[vector<16xi32>], vector<16xi32>,
    %get3A_835 = arith.constant 1664 : index
    %get3A_836 = tpu.vector_load %arg9[%get3A_835] {strides = array<i32>} : memref<3584xi32, #tpu.memory_space<vmem>>, vector<16xi32>,
    %add3A_837 = arith.addi %gather3A_834, %get3A_836 : vector<16xi32>
    %swap3A_838 = arith.constant 1664 : index
    %swap3A_839 = tpu.vector_load %arg8[%swap3A_838] {strides = array<i32>} : memref<3584xi32, #tpu.memory_space<vmem>>, vector<16xi32>,
    tpu.vector_store %arg8[%swap3A_838], %add3A_837 {strides = array<i32>} : memref<3584xi32, #tpu.memory_space<vmem>>, vector<16xi32>,
    %get3A_840 = arith.constant 1680 : index
    %get3A_841 = tpu.vector_load %arg8[%get3A_840] {strides = array<i32>} : memref<3584xi32, #tpu.memory_space<vmem>>, vector<16xi32>,
    %gather3A_842 = tpu.vector_load_idx %arg7[%get3A_841] : memref<3328xi32, #tpu.memory_space<vmem>>[vector<16xi32>], vector<16xi32>,
    %get3A_843 = arith.constant 1680 : index
    %get3A_844 = tpu.vector_load %arg9[%get3A_843] {strides = array<i32>} : memref<3584xi32, #tpu.memory_space<vmem>>, vector<16xi32>,
    %add3A_845 = arith.addi %gather3A_842, %get3A_844 : vector<16xi32>
    %swap3A_846 = arith.constant 1680 : index
    %swap3A_847 = tpu.vector_load %arg8[%swap3A_846] {strides = array<i32>} : memref<3584xi32, #tpu.memory_space<vmem>>, vector<16xi32>,
    tpu.vector_store %arg8[%swap3A_846], %add3A_845 {strides = array<i32>} : memref<3584xi32, #tpu.memory_space<vmem>>, vector<16xi32>,
    %get3A_848 = arith.constant 1696 : index
    %get3A_849 = tpu.vector_load %arg8[%get3A_848] {strides = array<i32>} : memref<3584xi32, #tpu.memory_space<vmem>>, vector<16xi32>,
    %gather3A_850 = tpu.vector_load_idx %arg7[%get3A_849] : memref<3328xi32, #tpu.memory_space<vmem>>[vector<16xi32>], vector<16xi32>,
    %get3A_851 = arith.constant 1696 : index
    %get3A_852 = tpu.vector_load %arg9[%get3A_851] {strides = array<i32>} : memref<3584xi32, #tpu.memory_space<vmem>>, vector<16xi32>,
    %add3A_853 = arith.addi %gather3A_850, %get3A_852 : vector<16xi32>
    %swap3A_854 = arith.constant 1696 : index
    %swap3A_855 = tpu.vector_load %arg8[%swap3A_854] {strides = array<i32>} : memref<3584xi32, #tpu.memory_space<vmem>>, vector<16xi32>,
    tpu.vector_store %arg8[%swap3A_854], %add3A_853 {strides = array<i32>} : memref<3584xi32, #tpu.memory_space<vmem>>, vector<16xi32>,
    %get3A_856 = arith.constant 1712 : index
    %get3A_857 = tpu.vector_load %arg8[%get3A_856] {strides = array<i32>} : memref<3584xi32, #tpu.memory_space<vmem>>, vector<16xi32>,
    %gather3A_858 = tpu.vector_load_idx %arg7[%get3A_857] : memref<3328xi32, #tpu.memory_space<vmem>>[vector<16xi32>], vector<16xi32>,
    %get3A_859 = arith.constant 1712 : index
    %get3A_860 = tpu.vector_load %arg9[%get3A_859] {strides = array<i32>} : memref<3584xi32, #tpu.memory_space<vmem>>, vector<16xi32>,
    %add3A_861 = arith.addi %gather3A_858, %get3A_860 : vector<16xi32>
    %swap3A_862 = arith.constant 1712 : index
    %swap3A_863 = tpu.vector_load %arg8[%swap3A_862] {strides = array<i32>} : memref<3584xi32, #tpu.memory_space<vmem>>, vector<16xi32>,
    tpu.vector_store %arg8[%swap3A_862], %add3A_861 {strides = array<i32>} : memref<3584xi32, #tpu.memory_space<vmem>>, vector<16xi32>,
    %get3A_864 = arith.constant 1728 : index
    %get3A_865 = tpu.vector_load %arg8[%get3A_864] {strides = array<i32>} : memref<3584xi32, #tpu.memory_space<vmem>>, vector<16xi32>,
    %gather3A_866 = tpu.vector_load_idx %arg7[%get3A_865] : memref<3328xi32, #tpu.memory_space<vmem>>[vector<16xi32>], vector<16xi32>,
    %get3A_867 = arith.constant 1728 : index
    %get3A_868 = tpu.vector_load %arg9[%get3A_867] {strides = array<i32>} : memref<3584xi32, #tpu.memory_space<vmem>>, vector<16xi32>,
    %add3A_869 = arith.addi %gather3A_866, %get3A_868 : vector<16xi32>
    %swap3A_870 = arith.constant 1728 : index
    %swap3A_871 = tpu.vector_load %arg8[%swap3A_870] {strides = array<i32>} : memref<3584xi32, #tpu.memory_space<vmem>>, vector<16xi32>,
    tpu.vector_store %arg8[%swap3A_870], %add3A_869 {strides = array<i32>} : memref<3584xi32, #tpu.memory_space<vmem>>, vector<16xi32>,
    %get3A_872 = arith.constant 1744 : index
    %get3A_873 = tpu.vector_load %arg8[%get3A_872] {strides = array<i32>} : memref<3584xi32, #tpu.memory_space<vmem>>, vector<16xi32>,
    %gather3A_874 = tpu.vector_load_idx %arg7[%get3A_873] : memref<3328xi32, #tpu.memory_space<vmem>>[vector<16xi32>], vector<16xi32>,
    %get3A_875 = arith.constant 1744 : index
    %get3A_876 = tpu.vector_load %arg9[%get3A_875] {strides = array<i32>} : memref<3584xi32, #tpu.memory_space<vmem>>, vector<16xi32>,
    %add3A_877 = arith.addi %gather3A_874, %get3A_876 : vector<16xi32>
    %swap3A_878 = arith.constant 1744 : index
    %swap3A_879 = tpu.vector_load %arg8[%swap3A_878] {strides = array<i32>} : memref<3584xi32, #tpu.memory_space<vmem>>, vector<16xi32>,
    tpu.vector_store %arg8[%swap3A_878], %add3A_877 {strides = array<i32>} : memref<3584xi32, #tpu.memory_space<vmem>>, vector<16xi32>,
    %get3A_880 = arith.constant 1760 : index
    %get3A_881 = tpu.vector_load %arg8[%get3A_880] {strides = array<i32>} : memref<3584xi32, #tpu.memory_space<vmem>>, vector<16xi32>,
    %gather3A_882 = tpu.vector_load_idx %arg7[%get3A_881] : memref<3328xi32, #tpu.memory_space<vmem>>[vector<16xi32>], vector<16xi32>,
    %get3A_883 = arith.constant 1760 : index
    %get3A_884 = tpu.vector_load %arg9[%get3A_883] {strides = array<i32>} : memref<3584xi32, #tpu.memory_space<vmem>>, vector<16xi32>,
    %add3A_885 = arith.addi %gather3A_882, %get3A_884 : vector<16xi32>
    %swap3A_886 = arith.constant 1760 : index
    %swap3A_887 = tpu.vector_load %arg8[%swap3A_886] {strides = array<i32>} : memref<3584xi32, #tpu.memory_space<vmem>>, vector<16xi32>,
    tpu.vector_store %arg8[%swap3A_886], %add3A_885 {strides = array<i32>} : memref<3584xi32, #tpu.memory_space<vmem>>, vector<16xi32>,
    %get3A_888 = arith.constant 1776 : index
    %get3A_889 = tpu.vector_load %arg8[%get3A_888] {strides = array<i32>} : memref<3584xi32, #tpu.memory_space<vmem>>, vector<16xi32>,
    %gather3A_890 = tpu.vector_load_idx %arg7[%get3A_889] : memref<3328xi32, #tpu.memory_space<vmem>>[vector<16xi32>], vector<16xi32>,
    %get3A_891 = arith.constant 1776 : index
    %get3A_892 = tpu.vector_load %arg9[%get3A_891] {strides = array<i32>} : memref<3584xi32, #tpu.memory_space<vmem>>, vector<16xi32>,
    %add3A_893 = arith.addi %gather3A_890, %get3A_892 : vector<16xi32>
    %swap3A_894 = arith.constant 1776 : index
    %swap3A_895 = tpu.vector_load %arg8[%swap3A_894] {strides = array<i32>} : memref<3584xi32, #tpu.memory_space<vmem>>, vector<16xi32>,
    tpu.vector_store %arg8[%swap3A_894], %add3A_893 {strides = array<i32>} : memref<3584xi32, #tpu.memory_space<vmem>>, vector<16xi32>,
    %get3A_896 = arith.constant 1792 : index
    %get3A_897 = tpu.vector_load %arg8[%get3A_896] {strides = array<i32>} : memref<3584xi32, #tpu.memory_space<vmem>>, vector<16xi32>,
    %gather3A_898 = tpu.vector_load_idx %arg7[%get3A_897] : memref<3328xi32, #tpu.memory_space<vmem>>[vector<16xi32>], vector<16xi32>,
    %get3A_899 = arith.constant 1792 : index
    %get3A_900 = tpu.vector_load %arg9[%get3A_899] {strides = array<i32>} : memref<3584xi32, #tpu.memory_space<vmem>>, vector<16xi32>,
    %add3A_901 = arith.addi %gather3A_898, %get3A_900 : vector<16xi32>
    %swap3A_902 = arith.constant 1792 : index
    %swap3A_903 = tpu.vector_load %arg8[%swap3A_902] {strides = array<i32>} : memref<3584xi32, #tpu.memory_space<vmem>>, vector<16xi32>,
    tpu.vector_store %arg8[%swap3A_902], %add3A_901 {strides = array<i32>} : memref<3584xi32, #tpu.memory_space<vmem>>, vector<16xi32>,
    %get3A_904 = arith.constant 1808 : index
    %get3A_905 = tpu.vector_load %arg8[%get3A_904] {strides = array<i32>} : memref<3584xi32, #tpu.memory_space<vmem>>, vector<16xi32>,
    %gather3A_906 = tpu.vector_load_idx %arg7[%get3A_905] : memref<3328xi32, #tpu.memory_space<vmem>>[vector<16xi32>], vector<16xi32>,
    %get3A_907 = arith.constant 1808 : index
    %get3A_908 = tpu.vector_load %arg9[%get3A_907] {strides = array<i32>} : memref<3584xi32, #tpu.memory_space<vmem>>, vector<16xi32>,
    %add3A_909 = arith.addi %gather3A_906, %get3A_908 : vector<16xi32>
    %swap3A_910 = arith.constant 1808 : index
    %swap3A_911 = tpu.vector_load %arg8[%swap3A_910] {strides = array<i32>} : memref<3584xi32, #tpu.memory_space<vmem>>, vector<16xi32>,
    tpu.vector_store %arg8[%swap3A_910], %add3A_909 {strides = array<i32>} : memref<3584xi32, #tpu.memory_space<vmem>>, vector<16xi32>,
    %get3A_912 = arith.constant 1824 : index
    %get3A_913 = tpu.vector_load %arg8[%get3A_912] {strides = array<i32>} : memref<3584xi32, #tpu.memory_space<vmem>>, vector<16xi32>,
    %gather3A_914 = tpu.vector_load_idx %arg7[%get3A_913] : memref<3328xi32, #tpu.memory_space<vmem>>[vector<16xi32>], vector<16xi32>,
    %get3A_915 = arith.constant 1824 : index
    %get3A_916 = tpu.vector_load %arg9[%get3A_915] {strides = array<i32>} : memref<3584xi32, #tpu.memory_space<vmem>>, vector<16xi32>,
    %add3A_917 = arith.addi %gather3A_914, %get3A_916 : vector<16xi32>
    %swap3A_918 = arith.constant 1824 : index
    %swap3A_919 = tpu.vector_load %arg8[%swap3A_918] {strides = array<i32>} : memref<3584xi32, #tpu.memory_space<vmem>>, vector<16xi32>,
    tpu.vector_store %arg8[%swap3A_918], %add3A_917 {strides = array<i32>} : memref<3584xi32, #tpu.memory_space<vmem>>, vector<16xi32>,
    %get3A_920 = arith.constant 1840 : index
    %get3A_921 = tpu.vector_load %arg8[%get3A_920] {strides = array<i32>} : memref<3584xi32, #tpu.memory_space<vmem>>, vector<16xi32>,
    %gather3A_922 = tpu.vector_load_idx %arg7[%get3A_921] : memref<3328xi32, #tpu.memory_space<vmem>>[vector<16xi32>], vector<16xi32>,
    %get3A_923 = arith.constant 1840 : index
    %get3A_924 = tpu.vector_load %arg9[%get3A_923] {strides = array<i32>} : memref<3584xi32, #tpu.memory_space<vmem>>, vector<16xi32>,
    %add3A_925 = arith.addi %gather3A_922, %get3A_924 : vector<16xi32>
    %swap3A_926 = arith.constant 1840 : index
    %swap3A_927 = tpu.vector_load %arg8[%swap3A_926] {strides = array<i32>} : memref<3584xi32, #tpu.memory_space<vmem>>, vector<16xi32>,
    tpu.vector_store %arg8[%swap3A_926], %add3A_925 {strides = array<i32>} : memref<3584xi32, #tpu.memory_space<vmem>>, vector<16xi32>,
    %get3A_928 = arith.constant 1856 : index
    %get3A_929 = tpu.vector_load %arg8[%get3A_928] {strides = array<i32>} : memref<3584xi32, #tpu.memory_space<vmem>>, vector<16xi32>,
    %gather3A_930 = tpu.vector_load_idx %arg7[%get3A_929] : memref<3328xi32, #tpu.memory_space<vmem>>[vector<16xi32>], vector<16xi32>,
    %get3A_931 = arith.constant 1856 : index
    %get3A_932 = tpu.vector_load %arg9[%get3A_931] {strides = array<i32>} : memref<3584xi32, #tpu.memory_space<vmem>>, vector<16xi32>,
    %add3A_933 = arith.addi %gather3A_930, %get3A_932 : vector<16xi32>
    %swap3A_934 = arith.constant 1856 : index
    %swap3A_935 = tpu.vector_load %arg8[%swap3A_934] {strides = array<i32>} : memref<3584xi32, #tpu.memory_space<vmem>>, vector<16xi32>,
    tpu.vector_store %arg8[%swap3A_934], %add3A_933 {strides = array<i32>} : memref<3584xi32, #tpu.memory_space<vmem>>, vector<16xi32>,
    %get3A_936 = arith.constant 1872 : index
    %get3A_937 = tpu.vector_load %arg8[%get3A_936] {strides = array<i32>} : memref<3584xi32, #tpu.memory_space<vmem>>, vector<16xi32>,
    %gather3A_938 = tpu.vector_load_idx %arg7[%get3A_937] : memref<3328xi32, #tpu.memory_space<vmem>>[vector<16xi32>], vector<16xi32>,
    %get3A_939 = arith.constant 1872 : index
    %get3A_940 = tpu.vector_load %arg9[%get3A_939] {strides = array<i32>} : memref<3584xi32, #tpu.memory_space<vmem>>, vector<16xi32>,
    %add3A_941 = arith.addi %gather3A_938, %get3A_940 : vector<16xi32>
    %swap3A_942 = arith.constant 1872 : index
    %swap3A_943 = tpu.vector_load %arg8[%swap3A_942] {strides = array<i32>} : memref<3584xi32, #tpu.memory_space<vmem>>, vector<16xi32>,
    tpu.vector_store %arg8[%swap3A_942], %add3A_941 {strides = array<i32>} : memref<3584xi32, #tpu.memory_space<vmem>>, vector<16xi32>,
    %get3A_944 = arith.constant 1888 : index
    %get3A_945 = tpu.vector_load %arg8[%get3A_944] {strides = array<i32>} : memref<3584xi32, #tpu.memory_space<vmem>>, vector<16xi32>,
    %gather3A_946 = tpu.vector_load_idx %arg7[%get3A_945] : memref<3328xi32, #tpu.memory_space<vmem>>[vector<16xi32>], vector<16xi32>,
    %get3A_947 = arith.constant 1888 : index
    %get3A_948 = tpu.vector_load %arg9[%get3A_947] {strides = array<i32>} : memref<3584xi32, #tpu.memory_space<vmem>>, vector<16xi32>,
    %add3A_949 = arith.addi %gather3A_946, %get3A_948 : vector<16xi32>
    %swap3A_950 = arith.constant 1888 : index
    %swap3A_951 = tpu.vector_load %arg8[%swap3A_950] {strides = array<i32>} : memref<3584xi32, #tpu.memory_space<vmem>>, vector<16xi32>,
    tpu.vector_store %arg8[%swap3A_950], %add3A_949 {strides = array<i32>} : memref<3584xi32, #tpu.memory_space<vmem>>, vector<16xi32>,
    %get3A_952 = arith.constant 1904 : index
    %get3A_953 = tpu.vector_load %arg8[%get3A_952] {strides = array<i32>} : memref<3584xi32, #tpu.memory_space<vmem>>, vector<16xi32>,
    %gather3A_954 = tpu.vector_load_idx %arg7[%get3A_953] : memref<3328xi32, #tpu.memory_space<vmem>>[vector<16xi32>], vector<16xi32>,
    %get3A_955 = arith.constant 1904 : index
    %get3A_956 = tpu.vector_load %arg9[%get3A_955] {strides = array<i32>} : memref<3584xi32, #tpu.memory_space<vmem>>, vector<16xi32>,
    %add3A_957 = arith.addi %gather3A_954, %get3A_956 : vector<16xi32>
    %swap3A_958 = arith.constant 1904 : index
    %swap3A_959 = tpu.vector_load %arg8[%swap3A_958] {strides = array<i32>} : memref<3584xi32, #tpu.memory_space<vmem>>, vector<16xi32>,
    tpu.vector_store %arg8[%swap3A_958], %add3A_957 {strides = array<i32>} : memref<3584xi32, #tpu.memory_space<vmem>>, vector<16xi32>,
    %get3A_960 = arith.constant 1920 : index
    %get3A_961 = tpu.vector_load %arg8[%get3A_960] {strides = array<i32>} : memref<3584xi32, #tpu.memory_space<vmem>>, vector<16xi32>,
    %gather3A_962 = tpu.vector_load_idx %arg7[%get3A_961] : memref<3328xi32, #tpu.memory_space<vmem>>[vector<16xi32>], vector<16xi32>,
    %get3A_963 = arith.constant 1920 : index
    %get3A_964 = tpu.vector_load %arg9[%get3A_963] {strides = array<i32>} : memref<3584xi32, #tpu.memory_space<vmem>>, vector<16xi32>,
    %add3A_965 = arith.addi %gather3A_962, %get3A_964 : vector<16xi32>
    %swap3A_966 = arith.constant 1920 : index
    %swap3A_967 = tpu.vector_load %arg8[%swap3A_966] {strides = array<i32>} : memref<3584xi32, #tpu.memory_space<vmem>>, vector<16xi32>,
    tpu.vector_store %arg8[%swap3A_966], %add3A_965 {strides = array<i32>} : memref<3584xi32, #tpu.memory_space<vmem>>, vector<16xi32>,
    %get3A_968 = arith.constant 1936 : index
    %get3A_969 = tpu.vector_load %arg8[%get3A_968] {strides = array<i32>} : memref<3584xi32, #tpu.memory_space<vmem>>, vector<16xi32>,
    %gather3A_970 = tpu.vector_load_idx %arg7[%get3A_969] : memref<3328xi32, #tpu.memory_space<vmem>>[vector<16xi32>], vector<16xi32>,
    %get3A_971 = arith.constant 1936 : index
    %get3A_972 = tpu.vector_load %arg9[%get3A_971] {strides = array<i32>} : memref<3584xi32, #tpu.memory_space<vmem>>, vector<16xi32>,
    %add3A_973 = arith.addi %gather3A_970, %get3A_972 : vector<16xi32>
    %swap3A_974 = arith.constant 1936 : index
    %swap3A_975 = tpu.vector_load %arg8[%swap3A_974] {strides = array<i32>} : memref<3584xi32, #tpu.memory_space<vmem>>, vector<16xi32>,
    tpu.vector_store %arg8[%swap3A_974], %add3A_973 {strides = array<i32>} : memref<3584xi32, #tpu.memory_space<vmem>>, vector<16xi32>,
    %get3A_976 = arith.constant 1952 : index
    %get3A_977 = tpu.vector_load %arg8[%get3A_976] {strides = array<i32>} : memref<3584xi32, #tpu.memory_space<vmem>>, vector<16xi32>,
    %gather3A_978 = tpu.vector_load_idx %arg7[%get3A_977] : memref<3328xi32, #tpu.memory_space<vmem>>[vector<16xi32>], vector<16xi32>,
    %get3A_979 = arith.constant 1952 : index
    %get3A_980 = tpu.vector_load %arg9[%get3A_979] {strides = array<i32>} : memref<3584xi32, #tpu.memory_space<vmem>>, vector<16xi32>,
    %add3A_981 = arith.addi %gather3A_978, %get3A_980 : vector<16xi32>
    %swap3A_982 = arith.constant 1952 : index
    %swap3A_983 = tpu.vector_load %arg8[%swap3A_982] {strides = array<i32>} : memref<3584xi32, #tpu.memory_space<vmem>>, vector<16xi32>,
    tpu.vector_store %arg8[%swap3A_982], %add3A_981 {strides = array<i32>} : memref<3584xi32, #tpu.memory_space<vmem>>, vector<16xi32>,
    %get3A_984 = arith.constant 1968 : index
    %get3A_985 = tpu.vector_load %arg8[%get3A_984] {strides = array<i32>} : memref<3584xi32, #tpu.memory_space<vmem>>, vector<16xi32>,
    %gather3A_986 = tpu.vector_load_idx %arg7[%get3A_985] : memref<3328xi32, #tpu.memory_space<vmem>>[vector<16xi32>], vector<16xi32>,
    %get3A_987 = arith.constant 1968 : index
    %get3A_988 = tpu.vector_load %arg9[%get3A_987] {strides = array<i32>} : memref<3584xi32, #tpu.memory_space<vmem>>, vector<16xi32>,
    %add3A_989 = arith.addi %gather3A_986, %get3A_988 : vector<16xi32>
    %swap3A_990 = arith.constant 1968 : index
    %swap3A_991 = tpu.vector_load %arg8[%swap3A_990] {strides = array<i32>} : memref<3584xi32, #tpu.memory_space<vmem>>, vector<16xi32>,
    tpu.vector_store %arg8[%swap3A_990], %add3A_989 {strides = array<i32>} : memref<3584xi32, #tpu.memory_space<vmem>>, vector<16xi32>,
    %get3A_992 = arith.constant 1984 : index
    %get3A_993 = tpu.vector_load %arg8[%get3A_992] {strides = array<i32>} : memref<3584xi32, #tpu.memory_space<vmem>>, vector<16xi32>,
    %gather3A_994 = tpu.vector_load_idx %arg7[%get3A_993] : memref<3328xi32, #tpu.memory_space<vmem>>[vector<16xi32>], vector<16xi32>,
    %get3A_995 = arith.constant 1984 : index
    %get3A_996 = tpu.vector_load %arg9[%get3A_995] {strides = array<i32>} : memref<3584xi32, #tpu.memory_space<vmem>>, vector<16xi32>,
    %add3A_997 = arith.addi %gather3A_994, %get3A_996 : vector<16xi32>
    %swap3A_998 = arith.constant 1984 : index
    %swap3A_999 = tpu.vector_load %arg8[%swap3A_998] {strides = array<i32>} : memref<3584xi32, #tpu.memory_space<vmem>>, vector<16xi32>,
    tpu.vector_store %arg8[%swap3A_998], %add3A_997 {strides = array<i32>} : memref<3584xi32, #tpu.memory_space<vmem>>, vector<16xi32>,
    %get3A_1000 = arith.constant 2000 : index
    %get3A_1001 = tpu.vector_load %arg8[%get3A_1000] {strides = array<i32>} : memref<3584xi32, #tpu.memory_space<vmem>>, vector<16xi32>,
    %gather3A_1002 = tpu.vector_load_idx %arg7[%get3A_1001] : memref<3328xi32, #tpu.memory_space<vmem>>[vector<16xi32>], vector<16xi32>,
    %get3A_1003 = arith.constant 2000 : index
    %get3A_1004 = tpu.vector_load %arg9[%get3A_1003] {strides = array<i32>} : memref<3584xi32, #tpu.memory_space<vmem>>, vector<16xi32>,
    %add3A_1005 = arith.addi %gather3A_1002, %get3A_1004 : vector<16xi32>
    %swap3A_1006 = arith.constant 2000 : index
    %swap3A_1007 = tpu.vector_load %arg8[%swap3A_1006] {strides = array<i32>} : memref<3584xi32, #tpu.memory_space<vmem>>, vector<16xi32>,
    tpu.vector_store %arg8[%swap3A_1006], %add3A_1005 {strides = array<i32>} : memref<3584xi32, #tpu.memory_space<vmem>>, vector<16xi32>,
    %get3A_1008 = arith.constant 2016 : index
    %get3A_1009 = tpu.vector_load %arg8[%get3A_1008] {strides = array<i32>} : memref<3584xi32, #tpu.memory_space<vmem>>, vector<16xi32>,
    %gather3A_1010 = tpu.vector_load_idx %arg7[%get3A_1009] : memref<3328xi32, #tpu.memory_space<vmem>>[vector<16xi32>], vector<16xi32>,
    %get3A_1011 = arith.constant 2016 : index
    %get3A_1012 = tpu.vector_load %arg9[%get3A_1011] {strides = array<i32>} : memref<3584xi32, #tpu.memory_space<vmem>>, vector<16xi32>,
    %add3A_1013 = arith.addi %gather3A_1010, %get3A_1012 : vector<16xi32>
    %swap3A_1014 = arith.constant 2016 : index
    %swap3A_1015 = tpu.vector_load %arg8[%swap3A_1014] {strides = array<i32>} : memref<3584xi32, #tpu.memory_space<vmem>>, vector<16xi32>,
    tpu.vector_store %arg8[%swap3A_1014], %add3A_1013 {strides = array<i32>} : memref<3584xi32, #tpu.memory_space<vmem>>, vector<16xi32>,
    %get3A_1016 = arith.constant 2032 : index
    %get3A_1017 = tpu.vector_load %arg8[%get3A_1016] {strides = array<i32>} : memref<3584xi32, #tpu.memory_space<vmem>>, vector<16xi32>,
    %gather3A_1018 = tpu.vector_load_idx %arg7[%get3A_1017] : memref<3328xi32, #tpu.memory_space<vmem>>[vector<16xi32>], vector<16xi32>,
    %get3A_1019 = arith.constant 2032 : index
    %get3A_1020 = tpu.vector_load %arg9[%get3A_1019] {strides = array<i32>} : memref<3584xi32, #tpu.memory_space<vmem>>, vector<16xi32>,
    %add3A_1021 = arith.addi %gather3A_1018, %get3A_1020 : vector<16xi32>
    %swap3A_1022 = arith.constant 2032 : index
    %swap3A_1023 = tpu.vector_load %arg8[%swap3A_1022] {strides = array<i32>} : memref<3584xi32, #tpu.memory_space<vmem>>, vector<16xi32>,
    tpu.vector_store %arg8[%swap3A_1022], %add3A_1021 {strides = array<i32>} : memref<3584xi32, #tpu.memory_space<vmem>>, vector<16xi32>,
    %get3A_1024 = arith.constant 2048 : index
    %get3A_1025 = tpu.vector_load %arg8[%get3A_1024] {strides = array<i32>} : memref<3584xi32, #tpu.memory_space<vmem>>, vector<16xi32>,
    %gather3A_1026 = tpu.vector_load_idx %arg7[%get3A_1025] : memref<3328xi32, #tpu.memory_space<vmem>>[vector<16xi32>], vector<16xi32>,
    %get3A_1027 = arith.constant 2048 : index
    %get3A_1028 = tpu.vector_load %arg9[%get3A_1027] {strides = array<i32>} : memref<3584xi32, #tpu.memory_space<vmem>>, vector<16xi32>,
    %add3A_1029 = arith.addi %gather3A_1026, %get3A_1028 : vector<16xi32>
    %swap3A_1030 = arith.constant 2048 : index
    %swap3A_1031 = tpu.vector_load %arg8[%swap3A_1030] {strides = array<i32>} : memref<3584xi32, #tpu.memory_space<vmem>>, vector<16xi32>,
    tpu.vector_store %arg8[%swap3A_1030], %add3A_1029 {strides = array<i32>} : memref<3584xi32, #tpu.memory_space<vmem>>, vector<16xi32>,
    %get3A_1032 = arith.constant 2064 : index
    %get3A_1033 = tpu.vector_load %arg8[%get3A_1032] {strides = array<i32>} : memref<3584xi32, #tpu.memory_space<vmem>>, vector<16xi32>,
    %gather3A_1034 = tpu.vector_load_idx %arg7[%get3A_1033] : memref<3328xi32, #tpu.memory_space<vmem>>[vector<16xi32>], vector<16xi32>,
    %get3A_1035 = arith.constant 2064 : index
    %get3A_1036 = tpu.vector_load %arg9[%get3A_1035] {strides = array<i32>} : memref<3584xi32, #tpu.memory_space<vmem>>, vector<16xi32>,
    %add3A_1037 = arith.addi %gather3A_1034, %get3A_1036 : vector<16xi32>
    %swap3A_1038 = arith.constant 2064 : index
    %swap3A_1039 = tpu.vector_load %arg8[%swap3A_1038] {strides = array<i32>} : memref<3584xi32, #tpu.memory_space<vmem>>, vector<16xi32>,
    tpu.vector_store %arg8[%swap3A_1038], %add3A_1037 {strides = array<i32>} : memref<3584xi32, #tpu.memory_space<vmem>>, vector<16xi32>,
    %get3A_1040 = arith.constant 2080 : index
    %get3A_1041 = tpu.vector_load %arg8[%get3A_1040] {strides = array<i32>} : memref<3584xi32, #tpu.memory_space<vmem>>, vector<16xi32>,
    %gather3A_1042 = tpu.vector_load_idx %arg7[%get3A_1041] : memref<3328xi32, #tpu.memory_space<vmem>>[vector<16xi32>], vector<16xi32>,
    %get3A_1043 = arith.constant 2080 : index
    %get3A_1044 = tpu.vector_load %arg9[%get3A_1043] {strides = array<i32>} : memref<3584xi32, #tpu.memory_space<vmem>>, vector<16xi32>,
    %add3A_1045 = arith.addi %gather3A_1042, %get3A_1044 : vector<16xi32>
    %swap3A_1046 = arith.constant 2080 : index
    %swap3A_1047 = tpu.vector_load %arg8[%swap3A_1046] {strides = array<i32>} : memref<3584xi32, #tpu.memory_space<vmem>>, vector<16xi32>,
    tpu.vector_store %arg8[%swap3A_1046], %add3A_1045 {strides = array<i32>} : memref<3584xi32, #tpu.memory_space<vmem>>, vector<16xi32>,
    %get3A_1048 = arith.constant 2096 : index
    %get3A_1049 = tpu.vector_load %arg8[%get3A_1048] {strides = array<i32>} : memref<3584xi32, #tpu.memory_space<vmem>>, vector<16xi32>,
    %gather3A_1050 = tpu.vector_load_idx %arg7[%get3A_1049] : memref<3328xi32, #tpu.memory_space<vmem>>[vector<16xi32>], vector<16xi32>,
    %get3A_1051 = arith.constant 2096 : index
    %get3A_1052 = tpu.vector_load %arg9[%get3A_1051] {strides = array<i32>} : memref<3584xi32, #tpu.memory_space<vmem>>, vector<16xi32>,
    %add3A_1053 = arith.addi %gather3A_1050, %get3A_1052 : vector<16xi32>
    %swap3A_1054 = arith.constant 2096 : index
    %swap3A_1055 = tpu.vector_load %arg8[%swap3A_1054] {strides = array<i32>} : memref<3584xi32, #tpu.memory_space<vmem>>, vector<16xi32>,
    tpu.vector_store %arg8[%swap3A_1054], %add3A_1053 {strides = array<i32>} : memref<3584xi32, #tpu.memory_space<vmem>>, vector<16xi32>,
    %get3A_1056 = arith.constant 2112 : index
    %get3A_1057 = tpu.vector_load %arg8[%get3A_1056] {strides = array<i32>} : memref<3584xi32, #tpu.memory_space<vmem>>, vector<16xi32>,
    %gather3A_1058 = tpu.vector_load_idx %arg7[%get3A_1057] : memref<3328xi32, #tpu.memory_space<vmem>>[vector<16xi32>], vector<16xi32>,
    %get3A_1059 = arith.constant 2112 : index
    %get3A_1060 = tpu.vector_load %arg9[%get3A_1059] {strides = array<i32>} : memref<3584xi32, #tpu.memory_space<vmem>>, vector<16xi32>,
    %add3A_1061 = arith.addi %gather3A_1058, %get3A_1060 : vector<16xi32>
    %swap3A_1062 = arith.constant 2112 : index
    %swap3A_1063 = tpu.vector_load %arg8[%swap3A_1062] {strides = array<i32>} : memref<3584xi32, #tpu.memory_space<vmem>>, vector<16xi32>,
    tpu.vector_store %arg8[%swap3A_1062], %add3A_1061 {strides = array<i32>} : memref<3584xi32, #tpu.memory_space<vmem>>, vector<16xi32>,
    %get3A_1064 = arith.constant 2128 : index
    %get3A_1065 = tpu.vector_load %arg8[%get3A_1064] {strides = array<i32>} : memref<3584xi32, #tpu.memory_space<vmem>>, vector<16xi32>,
    %gather3A_1066 = tpu.vector_load_idx %arg7[%get3A_1065] : memref<3328xi32, #tpu.memory_space<vmem>>[vector<16xi32>], vector<16xi32>,
    %get3A_1067 = arith.constant 2128 : index
    %get3A_1068 = tpu.vector_load %arg9[%get3A_1067] {strides = array<i32>} : memref<3584xi32, #tpu.memory_space<vmem>>, vector<16xi32>,
    %add3A_1069 = arith.addi %gather3A_1066, %get3A_1068 : vector<16xi32>
    %swap3A_1070 = arith.constant 2128 : index
    %swap3A_1071 = tpu.vector_load %arg8[%swap3A_1070] {strides = array<i32>} : memref<3584xi32, #tpu.memory_space<vmem>>, vector<16xi32>,
    tpu.vector_store %arg8[%swap3A_1070], %add3A_1069 {strides = array<i32>} : memref<3584xi32, #tpu.memory_space<vmem>>, vector<16xi32>,
    %get3A_1072 = arith.constant 2144 : index
    %get3A_1073 = tpu.vector_load %arg8[%get3A_1072] {strides = array<i32>} : memref<3584xi32, #tpu.memory_space<vmem>>, vector<16xi32>,
    %gather3A_1074 = tpu.vector_load_idx %arg7[%get3A_1073] : memref<3328xi32, #tpu.memory_space<vmem>>[vector<16xi32>], vector<16xi32>,
    %get3A_1075 = arith.constant 2144 : index
    %get3A_1076 = tpu.vector_load %arg9[%get3A_1075] {strides = array<i32>} : memref<3584xi32, #tpu.memory_space<vmem>>, vector<16xi32>,
    %add3A_1077 = arith.addi %gather3A_1074, %get3A_1076 : vector<16xi32>
    %swap3A_1078 = arith.constant 2144 : index
    %swap3A_1079 = tpu.vector_load %arg8[%swap3A_1078] {strides = array<i32>} : memref<3584xi32, #tpu.memory_space<vmem>>, vector<16xi32>,
    tpu.vector_store %arg8[%swap3A_1078], %add3A_1077 {strides = array<i32>} : memref<3584xi32, #tpu.memory_space<vmem>>, vector<16xi32>,
    %get3A_1080 = arith.constant 2160 : index
    %get3A_1081 = tpu.vector_load %arg8[%get3A_1080] {strides = array<i32>} : memref<3584xi32, #tpu.memory_space<vmem>>, vector<16xi32>,
    %gather3A_1082 = tpu.vector_load_idx %arg7[%get3A_1081] : memref<3328xi32, #tpu.memory_space<vmem>>[vector<16xi32>], vector<16xi32>,
    %get3A_1083 = arith.constant 2160 : index
    %get3A_1084 = tpu.vector_load %arg9[%get3A_1083] {strides = array<i32>} : memref<3584xi32, #tpu.memory_space<vmem>>, vector<16xi32>,
    %add3A_1085 = arith.addi %gather3A_1082, %get3A_1084 : vector<16xi32>
    %swap3A_1086 = arith.constant 2160 : index
    %swap3A_1087 = tpu.vector_load %arg8[%swap3A_1086] {strides = array<i32>} : memref<3584xi32, #tpu.memory_space<vmem>>, vector<16xi32>,
    tpu.vector_store %arg8[%swap3A_1086], %add3A_1085 {strides = array<i32>} : memref<3584xi32, #tpu.memory_space<vmem>>, vector<16xi32>,
    %get3A_1088 = arith.constant 2176 : index
    %get3A_1089 = tpu.vector_load %arg8[%get3A_1088] {strides = array<i32>} : memref<3584xi32, #tpu.memory_space<vmem>>, vector<16xi32>,
    %gather3A_1090 = tpu.vector_load_idx %arg7[%get3A_1089] : memref<3328xi32, #tpu.memory_space<vmem>>[vector<16xi32>], vector<16xi32>,
    %get3A_1091 = arith.constant 2176 : index
    %get3A_1092 = tpu.vector_load %arg9[%get3A_1091] {strides = array<i32>} : memref<3584xi32, #tpu.memory_space<vmem>>, vector<16xi32>,
    %add3A_1093 = arith.addi %gather3A_1090, %get3A_1092 : vector<16xi32>
    %swap3A_1094 = arith.constant 2176 : index
    %swap3A_1095 = tpu.vector_load %arg8[%swap3A_1094] {strides = array<i32>} : memref<3584xi32, #tpu.memory_space<vmem>>, vector<16xi32>,
    tpu.vector_store %arg8[%swap3A_1094], %add3A_1093 {strides = array<i32>} : memref<3584xi32, #tpu.memory_space<vmem>>, vector<16xi32>,
    %get3A_1096 = arith.constant 2192 : index
    %get3A_1097 = tpu.vector_load %arg8[%get3A_1096] {strides = array<i32>} : memref<3584xi32, #tpu.memory_space<vmem>>, vector<16xi32>,
    %gather3A_1098 = tpu.vector_load_idx %arg7[%get3A_1097] : memref<3328xi32, #tpu.memory_space<vmem>>[vector<16xi32>], vector<16xi32>,
    %get3A_1099 = arith.constant 2192 : index
    %get3A_1100 = tpu.vector_load %arg9[%get3A_1099] {strides = array<i32>} : memref<3584xi32, #tpu.memory_space<vmem>>, vector<16xi32>,
    %add3A_1101 = arith.addi %gather3A_1098, %get3A_1100 : vector<16xi32>
    %swap3A_1102 = arith.constant 2192 : index
    %swap3A_1103 = tpu.vector_load %arg8[%swap3A_1102] {strides = array<i32>} : memref<3584xi32, #tpu.memory_space<vmem>>, vector<16xi32>,
    tpu.vector_store %arg8[%swap3A_1102], %add3A_1101 {strides = array<i32>} : memref<3584xi32, #tpu.memory_space<vmem>>, vector<16xi32>,
    %get3A_1104 = arith.constant 2208 : index
    %get3A_1105 = tpu.vector_load %arg8[%get3A_1104] {strides = array<i32>} : memref<3584xi32, #tpu.memory_space<vmem>>, vector<16xi32>,
    %gather3A_1106 = tpu.vector_load_idx %arg7[%get3A_1105] : memref<3328xi32, #tpu.memory_space<vmem>>[vector<16xi32>], vector<16xi32>,
    %get3A_1107 = arith.constant 2208 : index
    %get3A_1108 = tpu.vector_load %arg9[%get3A_1107] {strides = array<i32>} : memref<3584xi32, #tpu.memory_space<vmem>>, vector<16xi32>,
    %add3A_1109 = arith.addi %gather3A_1106, %get3A_1108 : vector<16xi32>
    %swap3A_1110 = arith.constant 2208 : index
    %swap3A_1111 = tpu.vector_load %arg8[%swap3A_1110] {strides = array<i32>} : memref<3584xi32, #tpu.memory_space<vmem>>, vector<16xi32>,
    tpu.vector_store %arg8[%swap3A_1110], %add3A_1109 {strides = array<i32>} : memref<3584xi32, #tpu.memory_space<vmem>>, vector<16xi32>,
    %get3A_1112 = arith.constant 2224 : index
    %get3A_1113 = tpu.vector_load %arg8[%get3A_1112] {strides = array<i32>} : memref<3584xi32, #tpu.memory_space<vmem>>, vector<16xi32>,
    %gather3A_1114 = tpu.vector_load_idx %arg7[%get3A_1113] : memref<3328xi32, #tpu.memory_space<vmem>>[vector<16xi32>], vector<16xi32>,
    %get3A_1115 = arith.constant 2224 : index
    %get3A_1116 = tpu.vector_load %arg9[%get3A_1115] {strides = array<i32>} : memref<3584xi32, #tpu.memory_space<vmem>>, vector<16xi32>,
    %add3A_1117 = arith.addi %gather3A_1114, %get3A_1116 : vector<16xi32>
    %swap3A_1118 = arith.constant 2224 : index
    %swap3A_1119 = tpu.vector_load %arg8[%swap3A_1118] {strides = array<i32>} : memref<3584xi32, #tpu.memory_space<vmem>>, vector<16xi32>,
    tpu.vector_store %arg8[%swap3A_1118], %add3A_1117 {strides = array<i32>} : memref<3584xi32, #tpu.memory_space<vmem>>, vector<16xi32>,
    %get3A_1120 = arith.constant 2240 : index
    %get3A_1121 = tpu.vector_load %arg8[%get3A_1120] {strides = array<i32>} : memref<3584xi32, #tpu.memory_space<vmem>>, vector<16xi32>,
    %gather3A_1122 = tpu.vector_load_idx %arg7[%get3A_1121] : memref<3328xi32, #tpu.memory_space<vmem>>[vector<16xi32>], vector<16xi32>,
    %get3A_1123 = arith.constant 2240 : index
    %get3A_1124 = tpu.vector_load %arg9[%get3A_1123] {strides = array<i32>} : memref<3584xi32, #tpu.memory_space<vmem>>, vector<16xi32>,
    %add3A_1125 = arith.addi %gather3A_1122, %get3A_1124 : vector<16xi32>
    %swap3A_1126 = arith.constant 2240 : index
    %swap3A_1127 = tpu.vector_load %arg8[%swap3A_1126] {strides = array<i32>} : memref<3584xi32, #tpu.memory_space<vmem>>, vector<16xi32>,
    tpu.vector_store %arg8[%swap3A_1126], %add3A_1125 {strides = array<i32>} : memref<3584xi32, #tpu.memory_space<vmem>>, vector<16xi32>,
    %get3A_1128 = arith.constant 2256 : index
    %get3A_1129 = tpu.vector_load %arg8[%get3A_1128] {strides = array<i32>} : memref<3584xi32, #tpu.memory_space<vmem>>, vector<16xi32>,
    %gather3A_1130 = tpu.vector_load_idx %arg7[%get3A_1129] : memref<3328xi32, #tpu.memory_space<vmem>>[vector<16xi32>], vector<16xi32>,
    %get3A_1131 = arith.constant 2256 : index
    %get3A_1132 = tpu.vector_load %arg9[%get3A_1131] {strides = array<i32>} : memref<3584xi32, #tpu.memory_space<vmem>>, vector<16xi32>,
    %add3A_1133 = arith.addi %gather3A_1130, %get3A_1132 : vector<16xi32>
    %swap3A_1134 = arith.constant 2256 : index
    %swap3A_1135 = tpu.vector_load %arg8[%swap3A_1134] {strides = array<i32>} : memref<3584xi32, #tpu.memory_space<vmem>>, vector<16xi32>,
    tpu.vector_store %arg8[%swap3A_1134], %add3A_1133 {strides = array<i32>} : memref<3584xi32, #tpu.memory_space<vmem>>, vector<16xi32>,
    %get3A_1136 = arith.constant 2272 : index
    %get3A_1137 = tpu.vector_load %arg8[%get3A_1136] {strides = array<i32>} : memref<3584xi32, #tpu.memory_space<vmem>>, vector<16xi32>,
    %gather3A_1138 = tpu.vector_load_idx %arg7[%get3A_1137] : memref<3328xi32, #tpu.memory_space<vmem>>[vector<16xi32>], vector<16xi32>,
    %get3A_1139 = arith.constant 2272 : index
    %get3A_1140 = tpu.vector_load %arg9[%get3A_1139] {strides = array<i32>} : memref<3584xi32, #tpu.memory_space<vmem>>, vector<16xi32>,
    %add3A_1141 = arith.addi %gather3A_1138, %get3A_1140 : vector<16xi32>
    %swap3A_1142 = arith.constant 2272 : index
    %swap3A_1143 = tpu.vector_load %arg8[%swap3A_1142] {strides = array<i32>} : memref<3584xi32, #tpu.memory_space<vmem>>, vector<16xi32>,
    tpu.vector_store %arg8[%swap3A_1142], %add3A_1141 {strides = array<i32>} : memref<3584xi32, #tpu.memory_space<vmem>>, vector<16xi32>,
    %get3A_1144 = arith.constant 2288 : index
    %get3A_1145 = tpu.vector_load %arg8[%get3A_1144] {strides = array<i32>} : memref<3584xi32, #tpu.memory_space<vmem>>, vector<16xi32>,
    %gather3A_1146 = tpu.vector_load_idx %arg7[%get3A_1145] : memref<3328xi32, #tpu.memory_space<vmem>>[vector<16xi32>], vector<16xi32>,
    %get3A_1147 = arith.constant 2288 : index
    %get3A_1148 = tpu.vector_load %arg9[%get3A_1147] {strides = array<i32>} : memref<3584xi32, #tpu.memory_space<vmem>>, vector<16xi32>,
    %add3A_1149 = arith.addi %gather3A_1146, %get3A_1148 : vector<16xi32>
    %swap3A_1150 = arith.constant 2288 : index
    %swap3A_1151 = tpu.vector_load %arg8[%swap3A_1150] {strides = array<i32>} : memref<3584xi32, #tpu.memory_space<vmem>>, vector<16xi32>,
    tpu.vector_store %arg8[%swap3A_1150], %add3A_1149 {strides = array<i32>} : memref<3584xi32, #tpu.memory_space<vmem>>, vector<16xi32>,
    %get3A_1152 = arith.constant 2304 : index
    %get3A_1153 = tpu.vector_load %arg8[%get3A_1152] {strides = array<i32>} : memref<3584xi32, #tpu.memory_space<vmem>>, vector<16xi32>,
    %gather3A_1154 = tpu.vector_load_idx %arg7[%get3A_1153] : memref<3328xi32, #tpu.memory_space<vmem>>[vector<16xi32>], vector<16xi32>,
    %get3A_1155 = arith.constant 2304 : index
    %get3A_1156 = tpu.vector_load %arg9[%get3A_1155] {strides = array<i32>} : memref<3584xi32, #tpu.memory_space<vmem>>, vector<16xi32>,
    %add3A_1157 = arith.addi %gather3A_1154, %get3A_1156 : vector<16xi32>
    %swap3A_1158 = arith.constant 2304 : index
    %swap3A_1159 = tpu.vector_load %arg8[%swap3A_1158] {strides = array<i32>} : memref<3584xi32, #tpu.memory_space<vmem>>, vector<16xi32>,
    tpu.vector_store %arg8[%swap3A_1158], %add3A_1157 {strides = array<i32>} : memref<3584xi32, #tpu.memory_space<vmem>>, vector<16xi32>,
    %get3A_1160 = arith.constant 2320 : index
    %get3A_1161 = tpu.vector_load %arg8[%get3A_1160] {strides = array<i32>} : memref<3584xi32, #tpu.memory_space<vmem>>, vector<16xi32>,
    %gather3A_1162 = tpu.vector_load_idx %arg7[%get3A_1161] : memref<3328xi32, #tpu.memory_space<vmem>>[vector<16xi32>], vector<16xi32>,
    %get3A_1163 = arith.constant 2320 : index
    %get3A_1164 = tpu.vector_load %arg9[%get3A_1163] {strides = array<i32>} : memref<3584xi32, #tpu.memory_space<vmem>>, vector<16xi32>,
    %add3A_1165 = arith.addi %gather3A_1162, %get3A_1164 : vector<16xi32>
    %swap3A_1166 = arith.constant 2320 : index
    %swap3A_1167 = tpu.vector_load %arg8[%swap3A_1166] {strides = array<i32>} : memref<3584xi32, #tpu.memory_space<vmem>>, vector<16xi32>,
    tpu.vector_store %arg8[%swap3A_1166], %add3A_1165 {strides = array<i32>} : memref<3584xi32, #tpu.memory_space<vmem>>, vector<16xi32>,
    %get3A_1168 = arith.constant 2336 : index
    %get3A_1169 = tpu.vector_load %arg8[%get3A_1168] {strides = array<i32>} : memref<3584xi32, #tpu.memory_space<vmem>>, vector<16xi32>,
    %gather3A_1170 = tpu.vector_load_idx %arg7[%get3A_1169] : memref<3328xi32, #tpu.memory_space<vmem>>[vector<16xi32>], vector<16xi32>,
    %get3A_1171 = arith.constant 2336 : index
    %get3A_1172 = tpu.vector_load %arg9[%get3A_1171] {strides = array<i32>} : memref<3584xi32, #tpu.memory_space<vmem>>, vector<16xi32>,
    %add3A_1173 = arith.addi %gather3A_1170, %get3A_1172 : vector<16xi32>
    %swap3A_1174 = arith.constant 2336 : index
    %swap3A_1175 = tpu.vector_load %arg8[%swap3A_1174] {strides = array<i32>} : memref<3584xi32, #tpu.memory_space<vmem>>, vector<16xi32>,
    tpu.vector_store %arg8[%swap3A_1174], %add3A_1173 {strides = array<i32>} : memref<3584xi32, #tpu.memory_space<vmem>>, vector<16xi32>,
    %get3A_1176 = arith.constant 2352 : index
    %get3A_1177 = tpu.vector_load %arg8[%get3A_1176] {strides = array<i32>} : memref<3584xi32, #tpu.memory_space<vmem>>, vector<16xi32>,
    %gather3A_1178 = tpu.vector_load_idx %arg7[%get3A_1177] : memref<3328xi32, #tpu.memory_space<vmem>>[vector<16xi32>], vector<16xi32>,
    %get3A_1179 = arith.constant 2352 : index
    %get3A_1180 = tpu.vector_load %arg9[%get3A_1179] {strides = array<i32>} : memref<3584xi32, #tpu.memory_space<vmem>>, vector<16xi32>,
    %add3A_1181 = arith.addi %gather3A_1178, %get3A_1180 : vector<16xi32>
    %swap3A_1182 = arith.constant 2352 : index
    %swap3A_1183 = tpu.vector_load %arg8[%swap3A_1182] {strides = array<i32>} : memref<3584xi32, #tpu.memory_space<vmem>>, vector<16xi32>,
    tpu.vector_store %arg8[%swap3A_1182], %add3A_1181 {strides = array<i32>} : memref<3584xi32, #tpu.memory_space<vmem>>, vector<16xi32>,
    %get3A_1184 = arith.constant 2368 : index
    %get3A_1185 = tpu.vector_load %arg8[%get3A_1184] {strides = array<i32>} : memref<3584xi32, #tpu.memory_space<vmem>>, vector<16xi32>,
    %gather3A_1186 = tpu.vector_load_idx %arg7[%get3A_1185] : memref<3328xi32, #tpu.memory_space<vmem>>[vector<16xi32>], vector<16xi32>,
    %get3A_1187 = arith.constant 2368 : index
    %get3A_1188 = tpu.vector_load %arg9[%get3A_1187] {strides = array<i32>} : memref<3584xi32, #tpu.memory_space<vmem>>, vector<16xi32>,
    %add3A_1189 = arith.addi %gather3A_1186, %get3A_1188 : vector<16xi32>
    %swap3A_1190 = arith.constant 2368 : index
    %swap3A_1191 = tpu.vector_load %arg8[%swap3A_1190] {strides = array<i32>} : memref<3584xi32, #tpu.memory_space<vmem>>, vector<16xi32>,
    tpu.vector_store %arg8[%swap3A_1190], %add3A_1189 {strides = array<i32>} : memref<3584xi32, #tpu.memory_space<vmem>>, vector<16xi32>,
    %get3A_1192 = arith.constant 2384 : index
    %get3A_1193 = tpu.vector_load %arg8[%get3A_1192] {strides = array<i32>} : memref<3584xi32, #tpu.memory_space<vmem>>, vector<16xi32>,
    %gather3A_1194 = tpu.vector_load_idx %arg7[%get3A_1193] : memref<3328xi32, #tpu.memory_space<vmem>>[vector<16xi32>], vector<16xi32>,
    %get3A_1195 = arith.constant 2384 : index
    %get3A_1196 = tpu.vector_load %arg9[%get3A_1195] {strides = array<i32>} : memref<3584xi32, #tpu.memory_space<vmem>>, vector<16xi32>,
    %add3A_1197 = arith.addi %gather3A_1194, %get3A_1196 : vector<16xi32>
    %swap3A_1198 = arith.constant 2384 : index
    %swap3A_1199 = tpu.vector_load %arg8[%swap3A_1198] {strides = array<i32>} : memref<3584xi32, #tpu.memory_space<vmem>>, vector<16xi32>,
    tpu.vector_store %arg8[%swap3A_1198], %add3A_1197 {strides = array<i32>} : memref<3584xi32, #tpu.memory_space<vmem>>, vector<16xi32>,
    %get3A_1200 = arith.constant 2400 : index
    %get3A_1201 = tpu.vector_load %arg8[%get3A_1200] {strides = array<i32>} : memref<3584xi32, #tpu.memory_space<vmem>>, vector<16xi32>,
    %gather3A_1202 = tpu.vector_load_idx %arg7[%get3A_1201] : memref<3328xi32, #tpu.memory_space<vmem>>[vector<16xi32>], vector<16xi32>,
    %get3A_1203 = arith.constant 2400 : index
    %get3A_1204 = tpu.vector_load %arg9[%get3A_1203] {strides = array<i32>} : memref<3584xi32, #tpu.memory_space<vmem>>, vector<16xi32>,
    %add3A_1205 = arith.addi %gather3A_1202, %get3A_1204 : vector<16xi32>
    %swap3A_1206 = arith.constant 2400 : index
    %swap3A_1207 = tpu.vector_load %arg8[%swap3A_1206] {strides = array<i32>} : memref<3584xi32, #tpu.memory_space<vmem>>, vector<16xi32>,
    tpu.vector_store %arg8[%swap3A_1206], %add3A_1205 {strides = array<i32>} : memref<3584xi32, #tpu.memory_space<vmem>>, vector<16xi32>,
    %get3A_1208 = arith.constant 2416 : index
    %get3A_1209 = tpu.vector_load %arg8[%get3A_1208] {strides = array<i32>} : memref<3584xi32, #tpu.memory_space<vmem>>, vector<16xi32>,
    %gather3A_1210 = tpu.vector_load_idx %arg7[%get3A_1209] : memref<3328xi32, #tpu.memory_space<vmem>>[vector<16xi32>], vector<16xi32>,
    %get3A_1211 = arith.constant 2416 : index
    %get3A_1212 = tpu.vector_load %arg9[%get3A_1211] {strides = array<i32>} : memref<3584xi32, #tpu.memory_space<vmem>>, vector<16xi32>,
    %add3A_1213 = arith.addi %gather3A_1210, %get3A_1212 : vector<16xi32>
    %swap3A_1214 = arith.constant 2416 : index
    %swap3A_1215 = tpu.vector_load %arg8[%swap3A_1214] {strides = array<i32>} : memref<3584xi32, #tpu.memory_space<vmem>>, vector<16xi32>,
    tpu.vector_store %arg8[%swap3A_1214], %add3A_1213 {strides = array<i32>} : memref<3584xi32, #tpu.memory_space<vmem>>, vector<16xi32>,
    %get3A_1216 = arith.constant 2432 : index
    %get3A_1217 = tpu.vector_load %arg8[%get3A_1216] {strides = array<i32>} : memref<3584xi32, #tpu.memory_space<vmem>>, vector<16xi32>,
    %gather3A_1218 = tpu.vector_load_idx %arg7[%get3A_1217] : memref<3328xi32, #tpu.memory_space<vmem>>[vector<16xi32>], vector<16xi32>,
    %get3A_1219 = arith.constant 2432 : index
    %get3A_1220 = tpu.vector_load %arg9[%get3A_1219] {strides = array<i32>} : memref<3584xi32, #tpu.memory_space<vmem>>, vector<16xi32>,
    %add3A_1221 = arith.addi %gather3A_1218, %get3A_1220 : vector<16xi32>
    %swap3A_1222 = arith.constant 2432 : index
    %swap3A_1223 = tpu.vector_load %arg8[%swap3A_1222] {strides = array<i32>} : memref<3584xi32, #tpu.memory_space<vmem>>, vector<16xi32>,
    tpu.vector_store %arg8[%swap3A_1222], %add3A_1221 {strides = array<i32>} : memref<3584xi32, #tpu.memory_space<vmem>>, vector<16xi32>,
    %get3A_1224 = arith.constant 2448 : index
    %get3A_1225 = tpu.vector_load %arg8[%get3A_1224] {strides = array<i32>} : memref<3584xi32, #tpu.memory_space<vmem>>, vector<16xi32>,
    %gather3A_1226 = tpu.vector_load_idx %arg7[%get3A_1225] : memref<3328xi32, #tpu.memory_space<vmem>>[vector<16xi32>], vector<16xi32>,
    %get3A_1227 = arith.constant 2448 : index
    %get3A_1228 = tpu.vector_load %arg9[%get3A_1227] {strides = array<i32>} : memref<3584xi32, #tpu.memory_space<vmem>>, vector<16xi32>,
    %add3A_1229 = arith.addi %gather3A_1226, %get3A_1228 : vector<16xi32>
    %swap3A_1230 = arith.constant 2448 : index
    %swap3A_1231 = tpu.vector_load %arg8[%swap3A_1230] {strides = array<i32>} : memref<3584xi32, #tpu.memory_space<vmem>>, vector<16xi32>,
    tpu.vector_store %arg8[%swap3A_1230], %add3A_1229 {strides = array<i32>} : memref<3584xi32, #tpu.memory_space<vmem>>, vector<16xi32>,
    %get3A_1232 = arith.constant 2464 : index
    %get3A_1233 = tpu.vector_load %arg8[%get3A_1232] {strides = array<i32>} : memref<3584xi32, #tpu.memory_space<vmem>>, vector<16xi32>,
    %gather3A_1234 = tpu.vector_load_idx %arg7[%get3A_1233] : memref<3328xi32, #tpu.memory_space<vmem>>[vector<16xi32>], vector<16xi32>,
    %get3A_1235 = arith.constant 2464 : index
    %get3A_1236 = tpu.vector_load %arg9[%get3A_1235] {strides = array<i32>} : memref<3584xi32, #tpu.memory_space<vmem>>, vector<16xi32>,
    %add3A_1237 = arith.addi %gather3A_1234, %get3A_1236 : vector<16xi32>
    %swap3A_1238 = arith.constant 2464 : index
    %swap3A_1239 = tpu.vector_load %arg8[%swap3A_1238] {strides = array<i32>} : memref<3584xi32, #tpu.memory_space<vmem>>, vector<16xi32>,
    tpu.vector_store %arg8[%swap3A_1238], %add3A_1237 {strides = array<i32>} : memref<3584xi32, #tpu.memory_space<vmem>>, vector<16xi32>,
    %get3A_1240 = arith.constant 2480 : index
    %get3A_1241 = tpu.vector_load %arg8[%get3A_1240] {strides = array<i32>} : memref<3584xi32, #tpu.memory_space<vmem>>, vector<16xi32>,
    %gather3A_1242 = tpu.vector_load_idx %arg7[%get3A_1241] : memref<3328xi32, #tpu.memory_space<vmem>>[vector<16xi32>], vector<16xi32>,
    %get3A_1243 = arith.constant 2480 : index
    %get3A_1244 = tpu.vector_load %arg9[%get3A_1243] {strides = array<i32>} : memref<3584xi32, #tpu.memory_space<vmem>>, vector<16xi32>,
    %add3A_1245 = arith.addi %gather3A_1242, %get3A_1244 : vector<16xi32>
    %swap3A_1246 = arith.constant 2480 : index
    %swap3A_1247 = tpu.vector_load %arg8[%swap3A_1246] {strides = array<i32>} : memref<3584xi32, #tpu.memory_space<vmem>>, vector<16xi32>,
    tpu.vector_store %arg8[%swap3A_1246], %add3A_1245 {strides = array<i32>} : memref<3584xi32, #tpu.memory_space<vmem>>, vector<16xi32>,
    %get3A_1248 = arith.constant 2496 : index
    %get3A_1249 = tpu.vector_load %arg8[%get3A_1248] {strides = array<i32>} : memref<3584xi32, #tpu.memory_space<vmem>>, vector<16xi32>,
    %gather3A_1250 = tpu.vector_load_idx %arg7[%get3A_1249] : memref<3328xi32, #tpu.memory_space<vmem>>[vector<16xi32>], vector<16xi32>,
    %get3A_1251 = arith.constant 2496 : index
    %get3A_1252 = tpu.vector_load %arg9[%get3A_1251] {strides = array<i32>} : memref<3584xi32, #tpu.memory_space<vmem>>, vector<16xi32>,
    %add3A_1253 = arith.addi %gather3A_1250, %get3A_1252 : vector<16xi32>
    %swap3A_1254 = arith.constant 2496 : index
    %swap3A_1255 = tpu.vector_load %arg8[%swap3A_1254] {strides = array<i32>} : memref<3584xi32, #tpu.memory_space<vmem>>, vector<16xi32>,
    tpu.vector_store %arg8[%swap3A_1254], %add3A_1253 {strides = array<i32>} : memref<3584xi32, #tpu.memory_space<vmem>>, vector<16xi32>,
    %get3A_1256 = arith.constant 2512 : index
    %get3A_1257 = tpu.vector_load %arg8[%get3A_1256] {strides = array<i32>} : memref<3584xi32, #tpu.memory_space<vmem>>, vector<16xi32>,
    %gather3A_1258 = tpu.vector_load_idx %arg7[%get3A_1257] : memref<3328xi32, #tpu.memory_space<vmem>>[vector<16xi32>], vector<16xi32>,
    %get3A_1259 = arith.constant 2512 : index
    %get3A_1260 = tpu.vector_load %arg9[%get3A_1259] {strides = array<i32>} : memref<3584xi32, #tpu.memory_space<vmem>>, vector<16xi32>,
    %add3A_1261 = arith.addi %gather3A_1258, %get3A_1260 : vector<16xi32>
    %swap3A_1262 = arith.constant 2512 : index
    %swap3A_1263 = tpu.vector_load %arg8[%swap3A_1262] {strides = array<i32>} : memref<3584xi32, #tpu.memory_space<vmem>>, vector<16xi32>,
    tpu.vector_store %arg8[%swap3A_1262], %add3A_1261 {strides = array<i32>} : memref<3584xi32, #tpu.memory_space<vmem>>, vector<16xi32>,
    %get3A_1264 = arith.constant 2528 : index
    %get3A_1265 = tpu.vector_load %arg8[%get3A_1264] {strides = array<i32>} : memref<3584xi32, #tpu.memory_space<vmem>>, vector<16xi32>,
    %gather3A_1266 = tpu.vector_load_idx %arg7[%get3A_1265] : memref<3328xi32, #tpu.memory_space<vmem>>[vector<16xi32>], vector<16xi32>,
    %get3A_1267 = arith.constant 2528 : index
    %get3A_1268 = tpu.vector_load %arg9[%get3A_1267] {strides = array<i32>} : memref<3584xi32, #tpu.memory_space<vmem>>, vector<16xi32>,
    %add3A_1269 = arith.addi %gather3A_1266, %get3A_1268 : vector<16xi32>
    %swap3A_1270 = arith.constant 2528 : index
    %swap3A_1271 = tpu.vector_load %arg8[%swap3A_1270] {strides = array<i32>} : memref<3584xi32, #tpu.memory_space<vmem>>, vector<16xi32>,
    tpu.vector_store %arg8[%swap3A_1270], %add3A_1269 {strides = array<i32>} : memref<3584xi32, #tpu.memory_space<vmem>>, vector<16xi32>,
    %get3A_1272 = arith.constant 2544 : index
    %get3A_1273 = tpu.vector_load %arg8[%get3A_1272] {strides = array<i32>} : memref<3584xi32, #tpu.memory_space<vmem>>, vector<16xi32>,
    %gather3A_1274 = tpu.vector_load_idx %arg7[%get3A_1273] : memref<3328xi32, #tpu.memory_space<vmem>>[vector<16xi32>], vector<16xi32>,
    %get3A_1275 = arith.constant 2544 : index
    %get3A_1276 = tpu.vector_load %arg9[%get3A_1275] {strides = array<i32>} : memref<3584xi32, #tpu.memory_space<vmem>>, vector<16xi32>,
    %add3A_1277 = arith.addi %gather3A_1274, %get3A_1276 : vector<16xi32>
    %swap3A_1278 = arith.constant 2544 : index
    %swap3A_1279 = tpu.vector_load %arg8[%swap3A_1278] {strides = array<i32>} : memref<3584xi32, #tpu.memory_space<vmem>>, vector<16xi32>,
    tpu.vector_store %arg8[%swap3A_1278], %add3A_1277 {strides = array<i32>} : memref<3584xi32, #tpu.memory_space<vmem>>, vector<16xi32>,
    %get3A_1280 = arith.constant 2560 : index
    %get3A_1281 = tpu.vector_load %arg8[%get3A_1280] {strides = array<i32>} : memref<3584xi32, #tpu.memory_space<vmem>>, vector<16xi32>,
    %gather3A_1282 = tpu.vector_load_idx %arg7[%get3A_1281] : memref<3328xi32, #tpu.memory_space<vmem>>[vector<16xi32>], vector<16xi32>,
    %get3A_1283 = arith.constant 2560 : index
    %get3A_1284 = tpu.vector_load %arg9[%get3A_1283] {strides = array<i32>} : memref<3584xi32, #tpu.memory_space<vmem>>, vector<16xi32>,
    %add3A_1285 = arith.addi %gather3A_1282, %get3A_1284 : vector<16xi32>
    %swap3A_1286 = arith.constant 2560 : index
    %swap3A_1287 = tpu.vector_load %arg8[%swap3A_1286] {strides = array<i32>} : memref<3584xi32, #tpu.memory_space<vmem>>, vector<16xi32>,
    tpu.vector_store %arg8[%swap3A_1286], %add3A_1285 {strides = array<i32>} : memref<3584xi32, #tpu.memory_space<vmem>>, vector<16xi32>,
    %get3A_1288 = arith.constant 2576 : index
    %get3A_1289 = tpu.vector_load %arg8[%get3A_1288] {strides = array<i32>} : memref<3584xi32, #tpu.memory_space<vmem>>, vector<16xi32>,
    %gather3A_1290 = tpu.vector_load_idx %arg7[%get3A_1289] : memref<3328xi32, #tpu.memory_space<vmem>>[vector<16xi32>], vector<16xi32>,
    %get3A_1291 = arith.constant 2576 : index
    %get3A_1292 = tpu.vector_load %arg9[%get3A_1291] {strides = array<i32>} : memref<3584xi32, #tpu.memory_space<vmem>>, vector<16xi32>,
    %add3A_1293 = arith.addi %gather3A_1290, %get3A_1292 : vector<16xi32>
    %swap3A_1294 = arith.constant 2576 : index
    %swap3A_1295 = tpu.vector_load %arg8[%swap3A_1294] {strides = array<i32>} : memref<3584xi32, #tpu.memory_space<vmem>>, vector<16xi32>,
    tpu.vector_store %arg8[%swap3A_1294], %add3A_1293 {strides = array<i32>} : memref<3584xi32, #tpu.memory_space<vmem>>, vector<16xi32>,
    %get3A_1296 = arith.constant 2592 : index
    %get3A_1297 = tpu.vector_load %arg8[%get3A_1296] {strides = array<i32>} : memref<3584xi32, #tpu.memory_space<vmem>>, vector<16xi32>,
    %gather3A_1298 = tpu.vector_load_idx %arg7[%get3A_1297] : memref<3328xi32, #tpu.memory_space<vmem>>[vector<16xi32>], vector<16xi32>,
    %get3A_1299 = arith.constant 2592 : index
    %get3A_1300 = tpu.vector_load %arg9[%get3A_1299] {strides = array<i32>} : memref<3584xi32, #tpu.memory_space<vmem>>, vector<16xi32>,
    %add3A_1301 = arith.addi %gather3A_1298, %get3A_1300 : vector<16xi32>
    %swap3A_1302 = arith.constant 2592 : index
    %swap3A_1303 = tpu.vector_load %arg8[%swap3A_1302] {strides = array<i32>} : memref<3584xi32, #tpu.memory_space<vmem>>, vector<16xi32>,
    tpu.vector_store %arg8[%swap3A_1302], %add3A_1301 {strides = array<i32>} : memref<3584xi32, #tpu.memory_space<vmem>>, vector<16xi32>,
    %get3A_1304 = arith.constant 2608 : index
    %get3A_1305 = tpu.vector_load %arg8[%get3A_1304] {strides = array<i32>} : memref<3584xi32, #tpu.memory_space<vmem>>, vector<16xi32>,
    %gather3A_1306 = tpu.vector_load_idx %arg7[%get3A_1305] : memref<3328xi32, #tpu.memory_space<vmem>>[vector<16xi32>], vector<16xi32>,
    %get3A_1307 = arith.constant 2608 : index
    %get3A_1308 = tpu.vector_load %arg9[%get3A_1307] {strides = array<i32>} : memref<3584xi32, #tpu.memory_space<vmem>>, vector<16xi32>,
    %add3A_1309 = arith.addi %gather3A_1306, %get3A_1308 : vector<16xi32>
    %swap3A_1310 = arith.constant 2608 : index
    %swap3A_1311 = tpu.vector_load %arg8[%swap3A_1310] {strides = array<i32>} : memref<3584xi32, #tpu.memory_space<vmem>>, vector<16xi32>,
    tpu.vector_store %arg8[%swap3A_1310], %add3A_1309 {strides = array<i32>} : memref<3584xi32, #tpu.memory_space<vmem>>, vector<16xi32>,
    %get3A_1312 = arith.constant 2624 : index
    %get3A_1313 = tpu.vector_load %arg8[%get3A_1312] {strides = array<i32>} : memref<3584xi32, #tpu.memory_space<vmem>>, vector<16xi32>,
    %gather3A_1314 = tpu.vector_load_idx %arg7[%get3A_1313] : memref<3328xi32, #tpu.memory_space<vmem>>[vector<16xi32>], vector<16xi32>,
    %get3A_1315 = arith.constant 2624 : index
    %get3A_1316 = tpu.vector_load %arg9[%get3A_1315] {strides = array<i32>} : memref<3584xi32, #tpu.memory_space<vmem>>, vector<16xi32>,
    %add3A_1317 = arith.addi %gather3A_1314, %get3A_1316 : vector<16xi32>
    %swap3A_1318 = arith.constant 2624 : index
    %swap3A_1319 = tpu.vector_load %arg8[%swap3A_1318] {strides = array<i32>} : memref<3584xi32, #tpu.memory_space<vmem>>, vector<16xi32>,
    tpu.vector_store %arg8[%swap3A_1318], %add3A_1317 {strides = array<i32>} : memref<3584xi32, #tpu.memory_space<vmem>>, vector<16xi32>,
    %get3A_1320 = arith.constant 2640 : index
    %get3A_1321 = tpu.vector_load %arg8[%get3A_1320] {strides = array<i32>} : memref<3584xi32, #tpu.memory_space<vmem>>, vector<16xi32>,
    %gather3A_1322 = tpu.vector_load_idx %arg7[%get3A_1321] : memref<3328xi32, #tpu.memory_space<vmem>>[vector<16xi32>], vector<16xi32>,
    %get3A_1323 = arith.constant 2640 : index
    %get3A_1324 = tpu.vector_load %arg9[%get3A_1323] {strides = array<i32>} : memref<3584xi32, #tpu.memory_space<vmem>>, vector<16xi32>,
    %add3A_1325 = arith.addi %gather3A_1322, %get3A_1324 : vector<16xi32>
    %swap3A_1326 = arith.constant 2640 : index
    %swap3A_1327 = tpu.vector_load %arg8[%swap3A_1326] {strides = array<i32>} : memref<3584xi32, #tpu.memory_space<vmem>>, vector<16xi32>,
    tpu.vector_store %arg8[%swap3A_1326], %add3A_1325 {strides = array<i32>} : memref<3584xi32, #tpu.memory_space<vmem>>, vector<16xi32>,
    %get3A_1328 = arith.constant 2656 : index
    %get3A_1329 = tpu.vector_load %arg8[%get3A_1328] {strides = array<i32>} : memref<3584xi32, #tpu.memory_space<vmem>>, vector<16xi32>,
    %gather3A_1330 = tpu.vector_load_idx %arg7[%get3A_1329] : memref<3328xi32, #tpu.memory_space<vmem>>[vector<16xi32>], vector<16xi32>,
    %get3A_1331 = arith.constant 2656 : index
    %get3A_1332 = tpu.vector_load %arg9[%get3A_1331] {strides = array<i32>} : memref<3584xi32, #tpu.memory_space<vmem>>, vector<16xi32>,
    %add3A_1333 = arith.addi %gather3A_1330, %get3A_1332 : vector<16xi32>
    %swap3A_1334 = arith.constant 2656 : index
    %swap3A_1335 = tpu.vector_load %arg8[%swap3A_1334] {strides = array<i32>} : memref<3584xi32, #tpu.memory_space<vmem>>, vector<16xi32>,
    tpu.vector_store %arg8[%swap3A_1334], %add3A_1333 {strides = array<i32>} : memref<3584xi32, #tpu.memory_space<vmem>>, vector<16xi32>,
    %get3A_1336 = arith.constant 2672 : index
    %get3A_1337 = tpu.vector_load %arg8[%get3A_1336] {strides = array<i32>} : memref<3584xi32, #tpu.memory_space<vmem>>, vector<16xi32>,
    %gather3A_1338 = tpu.vector_load_idx %arg7[%get3A_1337] : memref<3328xi32, #tpu.memory_space<vmem>>[vector<16xi32>], vector<16xi32>,
    %get3A_1339 = arith.constant 2672 : index
    %get3A_1340 = tpu.vector_load %arg9[%get3A_1339] {strides = array<i32>} : memref<3584xi32, #tpu.memory_space<vmem>>, vector<16xi32>,
    %add3A_1341 = arith.addi %gather3A_1338, %get3A_1340 : vector<16xi32>
    %swap3A_1342 = arith.constant 2672 : index
    %swap3A_1343 = tpu.vector_load %arg8[%swap3A_1342] {strides = array<i32>} : memref<3584xi32, #tpu.memory_space<vmem>>, vector<16xi32>,
    tpu.vector_store %arg8[%swap3A_1342], %add3A_1341 {strides = array<i32>} : memref<3584xi32, #tpu.memory_space<vmem>>, vector<16xi32>,
    %get3A_1344 = arith.constant 2688 : index
    %get3A_1345 = tpu.vector_load %arg8[%get3A_1344] {strides = array<i32>} : memref<3584xi32, #tpu.memory_space<vmem>>, vector<16xi32>,
    %gather3A_1346 = tpu.vector_load_idx %arg7[%get3A_1345] : memref<3328xi32, #tpu.memory_space<vmem>>[vector<16xi32>], vector<16xi32>,
    %get3A_1347 = arith.constant 2688 : index
    %get3A_1348 = tpu.vector_load %arg9[%get3A_1347] {strides = array<i32>} : memref<3584xi32, #tpu.memory_space<vmem>>, vector<16xi32>,
    %add3A_1349 = arith.addi %gather3A_1346, %get3A_1348 : vector<16xi32>
    %swap3A_1350 = arith.constant 2688 : index
    %swap3A_1351 = tpu.vector_load %arg8[%swap3A_1350] {strides = array<i32>} : memref<3584xi32, #tpu.memory_space<vmem>>, vector<16xi32>,
    tpu.vector_store %arg8[%swap3A_1350], %add3A_1349 {strides = array<i32>} : memref<3584xi32, #tpu.memory_space<vmem>>, vector<16xi32>,
    %get3A_1352 = arith.constant 2704 : index
    %get3A_1353 = tpu.vector_load %arg8[%get3A_1352] {strides = array<i32>} : memref<3584xi32, #tpu.memory_space<vmem>>, vector<16xi32>,
    %gather3A_1354 = tpu.vector_load_idx %arg7[%get3A_1353] : memref<3328xi32, #tpu.memory_space<vmem>>[vector<16xi32>], vector<16xi32>,
    %get3A_1355 = arith.constant 2704 : index
    %get3A_1356 = tpu.vector_load %arg9[%get3A_1355] {strides = array<i32>} : memref<3584xi32, #tpu.memory_space<vmem>>, vector<16xi32>,
    %add3A_1357 = arith.addi %gather3A_1354, %get3A_1356 : vector<16xi32>
    %swap3A_1358 = arith.constant 2704 : index
    %swap3A_1359 = tpu.vector_load %arg8[%swap3A_1358] {strides = array<i32>} : memref<3584xi32, #tpu.memory_space<vmem>>, vector<16xi32>,
    tpu.vector_store %arg8[%swap3A_1358], %add3A_1357 {strides = array<i32>} : memref<3584xi32, #tpu.memory_space<vmem>>, vector<16xi32>,
    %get3A_1360 = arith.constant 2720 : index
    %get3A_1361 = tpu.vector_load %arg8[%get3A_1360] {strides = array<i32>} : memref<3584xi32, #tpu.memory_space<vmem>>, vector<16xi32>,
    %gather3A_1362 = tpu.vector_load_idx %arg7[%get3A_1361] : memref<3328xi32, #tpu.memory_space<vmem>>[vector<16xi32>], vector<16xi32>,
    %get3A_1363 = arith.constant 2720 : index
    %get3A_1364 = tpu.vector_load %arg9[%get3A_1363] {strides = array<i32>} : memref<3584xi32, #tpu.memory_space<vmem>>, vector<16xi32>,
    %add3A_1365 = arith.addi %gather3A_1362, %get3A_1364 : vector<16xi32>
    %swap3A_1366 = arith.constant 2720 : index
    %swap3A_1367 = tpu.vector_load %arg8[%swap3A_1366] {strides = array<i32>} : memref<3584xi32, #tpu.memory_space<vmem>>, vector<16xi32>,
    tpu.vector_store %arg8[%swap3A_1366], %add3A_1365 {strides = array<i32>} : memref<3584xi32, #tpu.memory_space<vmem>>, vector<16xi32>,
    %get3A_1368 = arith.constant 2736 : index
    %get3A_1369 = tpu.vector_load %arg8[%get3A_1368] {strides = array<i32>} : memref<3584xi32, #tpu.memory_space<vmem>>, vector<16xi32>,
    %gather3A_1370 = tpu.vector_load_idx %arg7[%get3A_1369] : memref<3328xi32, #tpu.memory_space<vmem>>[vector<16xi32>], vector<16xi32>,
    %get3A_1371 = arith.constant 2736 : index
    %get3A_1372 = tpu.vector_load %arg9[%get3A_1371] {strides = array<i32>} : memref<3584xi32, #tpu.memory_space<vmem>>, vector<16xi32>,
    %add3A_1373 = arith.addi %gather3A_1370, %get3A_1372 : vector<16xi32>
    %swap3A_1374 = arith.constant 2736 : index
    %swap3A_1375 = tpu.vector_load %arg8[%swap3A_1374] {strides = array<i32>} : memref<3584xi32, #tpu.memory_space<vmem>>, vector<16xi32>,
    tpu.vector_store %arg8[%swap3A_1374], %add3A_1373 {strides = array<i32>} : memref<3584xi32, #tpu.memory_space<vmem>>, vector<16xi32>,
    %get3A_1376 = arith.constant 2752 : index
    %get3A_1377 = tpu.vector_load %arg8[%get3A_1376] {strides = array<i32>} : memref<3584xi32, #tpu.memory_space<vmem>>, vector<16xi32>,
    %gather3A_1378 = tpu.vector_load_idx %arg7[%get3A_1377] : memref<3328xi32, #tpu.memory_space<vmem>>[vector<16xi32>], vector<16xi32>,
    %get3A_1379 = arith.constant 2752 : index
    %get3A_1380 = tpu.vector_load %arg9[%get3A_1379] {strides = array<i32>} : memref<3584xi32, #tpu.memory_space<vmem>>, vector<16xi32>,
    %add3A_1381 = arith.addi %gather3A_1378, %get3A_1380 : vector<16xi32>
    %swap3A_1382 = arith.constant 2752 : index
    %swap3A_1383 = tpu.vector_load %arg8[%swap3A_1382] {strides = array<i32>} : memref<3584xi32, #tpu.memory_space<vmem>>, vector<16xi32>,
    tpu.vector_store %arg8[%swap3A_1382], %add3A_1381 {strides = array<i32>} : memref<3584xi32, #tpu.memory_space<vmem>>, vector<16xi32>,
    %get3A_1384 = arith.constant 2768 : index
    %get3A_1385 = tpu.vector_load %arg8[%get3A_1384] {strides = array<i32>} : memref<3584xi32, #tpu.memory_space<vmem>>, vector<16xi32>,
    %gather3A_1386 = tpu.vector_load_idx %arg7[%get3A_1385] : memref<3328xi32, #tpu.memory_space<vmem>>[vector<16xi32>], vector<16xi32>,
    %get3A_1387 = arith.constant 2768 : index
    %get3A_1388 = tpu.vector_load %arg9[%get3A_1387] {strides = array<i32>} : memref<3584xi32, #tpu.memory_space<vmem>>, vector<16xi32>,
    %add3A_1389 = arith.addi %gather3A_1386, %get3A_1388 : vector<16xi32>
    %swap3A_1390 = arith.constant 2768 : index
    %swap3A_1391 = tpu.vector_load %arg8[%swap3A_1390] {strides = array<i32>} : memref<3584xi32, #tpu.memory_space<vmem>>, vector<16xi32>,
    tpu.vector_store %arg8[%swap3A_1390], %add3A_1389 {strides = array<i32>} : memref<3584xi32, #tpu.memory_space<vmem>>, vector<16xi32>,
    %get3A_1392 = arith.constant 2784 : index
    %get3A_1393 = tpu.vector_load %arg8[%get3A_1392] {strides = array<i32>} : memref<3584xi32, #tpu.memory_space<vmem>>, vector<16xi32>,
    %gather3A_1394 = tpu.vector_load_idx %arg7[%get3A_1393] : memref<3328xi32, #tpu.memory_space<vmem>>[vector<16xi32>], vector<16xi32>,
    %get3A_1395 = arith.constant 2784 : index
    %get3A_1396 = tpu.vector_load %arg9[%get3A_1395] {strides = array<i32>} : memref<3584xi32, #tpu.memory_space<vmem>>, vector<16xi32>,
    %add3A_1397 = arith.addi %gather3A_1394, %get3A_1396 : vector<16xi32>
    %swap3A_1398 = arith.constant 2784 : index
    %swap3A_1399 = tpu.vector_load %arg8[%swap3A_1398] {strides = array<i32>} : memref<3584xi32, #tpu.memory_space<vmem>>, vector<16xi32>,
    tpu.vector_store %arg8[%swap3A_1398], %add3A_1397 {strides = array<i32>} : memref<3584xi32, #tpu.memory_space<vmem>>, vector<16xi32>,
    %get3A_1400 = arith.constant 2800 : index
    %get3A_1401 = tpu.vector_load %arg8[%get3A_1400] {strides = array<i32>} : memref<3584xi32, #tpu.memory_space<vmem>>, vector<16xi32>,
    %gather3A_1402 = tpu.vector_load_idx %arg7[%get3A_1401] : memref<3328xi32, #tpu.memory_space<vmem>>[vector<16xi32>], vector<16xi32>,
    %get3A_1403 = arith.constant 2800 : index
    %get3A_1404 = tpu.vector_load %arg9[%get3A_1403] {strides = array<i32>} : memref<3584xi32, #tpu.memory_space<vmem>>, vector<16xi32>,
    %add3A_1405 = arith.addi %gather3A_1402, %get3A_1404 : vector<16xi32>
    %swap3A_1406 = arith.constant 2800 : index
    %swap3A_1407 = tpu.vector_load %arg8[%swap3A_1406] {strides = array<i32>} : memref<3584xi32, #tpu.memory_space<vmem>>, vector<16xi32>,
    tpu.vector_store %arg8[%swap3A_1406], %add3A_1405 {strides = array<i32>} : memref<3584xi32, #tpu.memory_space<vmem>>, vector<16xi32>,
    %get3A_1408 = arith.constant 2816 : index
    %get3A_1409 = tpu.vector_load %arg8[%get3A_1408] {strides = array<i32>} : memref<3584xi32, #tpu.memory_space<vmem>>, vector<16xi32>,
    %gather3A_1410 = tpu.vector_load_idx %arg7[%get3A_1409] : memref<3328xi32, #tpu.memory_space<vmem>>[vector<16xi32>], vector<16xi32>,
    %get3A_1411 = arith.constant 2816 : index
    %get3A_1412 = tpu.vector_load %arg9[%get3A_1411] {strides = array<i32>} : memref<3584xi32, #tpu.memory_space<vmem>>, vector<16xi32>,
    %add3A_1413 = arith.addi %gather3A_1410, %get3A_1412 : vector<16xi32>
    %swap3A_1414 = arith.constant 2816 : index
    %swap3A_1415 = tpu.vector_load %arg8[%swap3A_1414] {strides = array<i32>} : memref<3584xi32, #tpu.memory_space<vmem>>, vector<16xi32>,
    tpu.vector_store %arg8[%swap3A_1414], %add3A_1413 {strides = array<i32>} : memref<3584xi32, #tpu.memory_space<vmem>>, vector<16xi32>,
    %get3A_1416 = arith.constant 2832 : index
    %get3A_1417 = tpu.vector_load %arg8[%get3A_1416] {strides = array<i32>} : memref<3584xi32, #tpu.memory_space<vmem>>, vector<16xi32>,
    %gather3A_1418 = tpu.vector_load_idx %arg7[%get3A_1417] : memref<3328xi32, #tpu.memory_space<vmem>>[vector<16xi32>], vector<16xi32>,
    %get3A_1419 = arith.constant 2832 : index
    %get3A_1420 = tpu.vector_load %arg9[%get3A_1419] {strides = array<i32>} : memref<3584xi32, #tpu.memory_space<vmem>>, vector<16xi32>,
    %add3A_1421 = arith.addi %gather3A_1418, %get3A_1420 : vector<16xi32>
    %swap3A_1422 = arith.constant 2832 : index
    %swap3A_1423 = tpu.vector_load %arg8[%swap3A_1422] {strides = array<i32>} : memref<3584xi32, #tpu.memory_space<vmem>>, vector<16xi32>,
    tpu.vector_store %arg8[%swap3A_1422], %add3A_1421 {strides = array<i32>} : memref<3584xi32, #tpu.memory_space<vmem>>, vector<16xi32>,
    %get3A_1424 = arith.constant 2848 : index
    %get3A_1425 = tpu.vector_load %arg8[%get3A_1424] {strides = array<i32>} : memref<3584xi32, #tpu.memory_space<vmem>>, vector<16xi32>,
    %gather3A_1426 = tpu.vector_load_idx %arg7[%get3A_1425] : memref<3328xi32, #tpu.memory_space<vmem>>[vector<16xi32>], vector<16xi32>,
    %get3A_1427 = arith.constant 2848 : index
    %get3A_1428 = tpu.vector_load %arg9[%get3A_1427] {strides = array<i32>} : memref<3584xi32, #tpu.memory_space<vmem>>, vector<16xi32>,
    %add3A_1429 = arith.addi %gather3A_1426, %get3A_1428 : vector<16xi32>
    %swap3A_1430 = arith.constant 2848 : index
    %swap3A_1431 = tpu.vector_load %arg8[%swap3A_1430] {strides = array<i32>} : memref<3584xi32, #tpu.memory_space<vmem>>, vector<16xi32>,
    tpu.vector_store %arg8[%swap3A_1430], %add3A_1429 {strides = array<i32>} : memref<3584xi32, #tpu.memory_space<vmem>>, vector<16xi32>,
    %get3A_1432 = arith.constant 2864 : index
    %get3A_1433 = tpu.vector_load %arg8[%get3A_1432] {strides = array<i32>} : memref<3584xi32, #tpu.memory_space<vmem>>, vector<16xi32>,
    %gather3A_1434 = tpu.vector_load_idx %arg7[%get3A_1433] : memref<3328xi32, #tpu.memory_space<vmem>>[vector<16xi32>], vector<16xi32>,
    %get3A_1435 = arith.constant 2864 : index
    %get3A_1436 = tpu.vector_load %arg9[%get3A_1435] {strides = array<i32>} : memref<3584xi32, #tpu.memory_space<vmem>>, vector<16xi32>,
    %add3A_1437 = arith.addi %gather3A_1434, %get3A_1436 : vector<16xi32>
    %swap3A_1438 = arith.constant 2864 : index
    %swap3A_1439 = tpu.vector_load %arg8[%swap3A_1438] {strides = array<i32>} : memref<3584xi32, #tpu.memory_space<vmem>>, vector<16xi32>,
    tpu.vector_store %arg8[%swap3A_1438], %add3A_1437 {strides = array<i32>} : memref<3584xi32, #tpu.memory_space<vmem>>, vector<16xi32>,
    %get3A_1440 = arith.constant 2880 : index
    %get3A_1441 = tpu.vector_load %arg8[%get3A_1440] {strides = array<i32>} : memref<3584xi32, #tpu.memory_space<vmem>>, vector<16xi32>,
    %gather3A_1442 = tpu.vector_load_idx %arg7[%get3A_1441] : memref<3328xi32, #tpu.memory_space<vmem>>[vector<16xi32>], vector<16xi32>,
    %get3A_1443 = arith.constant 2880 : index
    %get3A_1444 = tpu.vector_load %arg9[%get3A_1443] {strides = array<i32>} : memref<3584xi32, #tpu.memory_space<vmem>>, vector<16xi32>,
    %add3A_1445 = arith.addi %gather3A_1442, %get3A_1444 : vector<16xi32>
    %swap3A_1446 = arith.constant 2880 : index
    %swap3A_1447 = tpu.vector_load %arg8[%swap3A_1446] {strides = array<i32>} : memref<3584xi32, #tpu.memory_space<vmem>>, vector<16xi32>,
    tpu.vector_store %arg8[%swap3A_1446], %add3A_1445 {strides = array<i32>} : memref<3584xi32, #tpu.memory_space<vmem>>, vector<16xi32>,
    %get3A_1448 = arith.constant 2896 : index
    %get3A_1449 = tpu.vector_load %arg8[%get3A_1448] {strides = array<i32>} : memref<3584xi32, #tpu.memory_space<vmem>>, vector<16xi32>,
    %gather3A_1450 = tpu.vector_load_idx %arg7[%get3A_1449] : memref<3328xi32, #tpu.memory_space<vmem>>[vector<16xi32>], vector<16xi32>,
    %get3A_1451 = arith.constant 2896 : index
    %get3A_1452 = tpu.vector_load %arg9[%get3A_1451] {strides = array<i32>} : memref<3584xi32, #tpu.memory_space<vmem>>, vector<16xi32>,
    %add3A_1453 = arith.addi %gather3A_1450, %get3A_1452 : vector<16xi32>
    %swap3A_1454 = arith.constant 2896 : index
    %swap3A_1455 = tpu.vector_load %arg8[%swap3A_1454] {strides = array<i32>} : memref<3584xi32, #tpu.memory_space<vmem>>, vector<16xi32>,
    tpu.vector_store %arg8[%swap3A_1454], %add3A_1453 {strides = array<i32>} : memref<3584xi32, #tpu.memory_space<vmem>>, vector<16xi32>,
    %get3A_1456 = arith.constant 2912 : index
    %get3A_1457 = tpu.vector_load %arg8[%get3A_1456] {strides = array<i32>} : memref<3584xi32, #tpu.memory_space<vmem>>, vector<16xi32>,
    %gather3A_1458 = tpu.vector_load_idx %arg7[%get3A_1457] : memref<3328xi32, #tpu.memory_space<vmem>>[vector<16xi32>], vector<16xi32>,
    %get3A_1459 = arith.constant 2912 : index
    %get3A_1460 = tpu.vector_load %arg9[%get3A_1459] {strides = array<i32>} : memref<3584xi32, #tpu.memory_space<vmem>>, vector<16xi32>,
    %add3A_1461 = arith.addi %gather3A_1458, %get3A_1460 : vector<16xi32>
    %swap3A_1462 = arith.constant 2912 : index
    %swap3A_1463 = tpu.vector_load %arg8[%swap3A_1462] {strides = array<i32>} : memref<3584xi32, #tpu.memory_space<vmem>>, vector<16xi32>,
    tpu.vector_store %arg8[%swap3A_1462], %add3A_1461 {strides = array<i32>} : memref<3584xi32, #tpu.memory_space<vmem>>, vector<16xi32>,
    %get3A_1464 = arith.constant 2928 : index
    %get3A_1465 = tpu.vector_load %arg8[%get3A_1464] {strides = array<i32>} : memref<3584xi32, #tpu.memory_space<vmem>>, vector<16xi32>,
    %gather3A_1466 = tpu.vector_load_idx %arg7[%get3A_1465] : memref<3328xi32, #tpu.memory_space<vmem>>[vector<16xi32>], vector<16xi32>,
    %get3A_1467 = arith.constant 2928 : index
    %get3A_1468 = tpu.vector_load %arg9[%get3A_1467] {strides = array<i32>} : memref<3584xi32, #tpu.memory_space<vmem>>, vector<16xi32>,
    %add3A_1469 = arith.addi %gather3A_1466, %get3A_1468 : vector<16xi32>
    %swap3A_1470 = arith.constant 2928 : index
    %swap3A_1471 = tpu.vector_load %arg8[%swap3A_1470] {strides = array<i32>} : memref<3584xi32, #tpu.memory_space<vmem>>, vector<16xi32>,
    tpu.vector_store %arg8[%swap3A_1470], %add3A_1469 {strides = array<i32>} : memref<3584xi32, #tpu.memory_space<vmem>>, vector<16xi32>,
    %get3A_1472 = arith.constant 2944 : index
    %get3A_1473 = tpu.vector_load %arg8[%get3A_1472] {strides = array<i32>} : memref<3584xi32, #tpu.memory_space<vmem>>, vector<16xi32>,
    %gather3A_1474 = tpu.vector_load_idx %arg7[%get3A_1473] : memref<3328xi32, #tpu.memory_space<vmem>>[vector<16xi32>], vector<16xi32>,
    %get3A_1475 = arith.constant 2944 : index
    %get3A_1476 = tpu.vector_load %arg9[%get3A_1475] {strides = array<i32>} : memref<3584xi32, #tpu.memory_space<vmem>>, vector<16xi32>,
    %add3A_1477 = arith.addi %gather3A_1474, %get3A_1476 : vector<16xi32>
    %swap3A_1478 = arith.constant 2944 : index
    %swap3A_1479 = tpu.vector_load %arg8[%swap3A_1478] {strides = array<i32>} : memref<3584xi32, #tpu.memory_space<vmem>>, vector<16xi32>,
    tpu.vector_store %arg8[%swap3A_1478], %add3A_1477 {strides = array<i32>} : memref<3584xi32, #tpu.memory_space<vmem>>, vector<16xi32>,
    %get3A_1480 = arith.constant 2960 : index
    %get3A_1481 = tpu.vector_load %arg8[%get3A_1480] {strides = array<i32>} : memref<3584xi32, #tpu.memory_space<vmem>>, vector<16xi32>,
    %gather3A_1482 = tpu.vector_load_idx %arg7[%get3A_1481] : memref<3328xi32, #tpu.memory_space<vmem>>[vector<16xi32>], vector<16xi32>,
    %get3A_1483 = arith.constant 2960 : index
    %get3A_1484 = tpu.vector_load %arg9[%get3A_1483] {strides = array<i32>} : memref<3584xi32, #tpu.memory_space<vmem>>, vector<16xi32>,
    %add3A_1485 = arith.addi %gather3A_1482, %get3A_1484 : vector<16xi32>
    %swap3A_1486 = arith.constant 2960 : index
    %swap3A_1487 = tpu.vector_load %arg8[%swap3A_1486] {strides = array<i32>} : memref<3584xi32, #tpu.memory_space<vmem>>, vector<16xi32>,
    tpu.vector_store %arg8[%swap3A_1486], %add3A_1485 {strides = array<i32>} : memref<3584xi32, #tpu.memory_space<vmem>>, vector<16xi32>,
    %get3A_1488 = arith.constant 2976 : index
    %get3A_1489 = tpu.vector_load %arg8[%get3A_1488] {strides = array<i32>} : memref<3584xi32, #tpu.memory_space<vmem>>, vector<16xi32>,
    %gather3A_1490 = tpu.vector_load_idx %arg7[%get3A_1489] : memref<3328xi32, #tpu.memory_space<vmem>>[vector<16xi32>], vector<16xi32>,
    %get3A_1491 = arith.constant 2976 : index
    %get3A_1492 = tpu.vector_load %arg9[%get3A_1491] {strides = array<i32>} : memref<3584xi32, #tpu.memory_space<vmem>>, vector<16xi32>,
    %add3A_1493 = arith.addi %gather3A_1490, %get3A_1492 : vector<16xi32>
    %swap3A_1494 = arith.constant 2976 : index
    %swap3A_1495 = tpu.vector_load %arg8[%swap3A_1494] {strides = array<i32>} : memref<3584xi32, #tpu.memory_space<vmem>>, vector<16xi32>,
    tpu.vector_store %arg8[%swap3A_1494], %add3A_1493 {strides = array<i32>} : memref<3584xi32, #tpu.memory_space<vmem>>, vector<16xi32>,
    %get3A_1496 = arith.constant 2992 : index
    %get3A_1497 = tpu.vector_load %arg8[%get3A_1496] {strides = array<i32>} : memref<3584xi32, #tpu.memory_space<vmem>>, vector<16xi32>,
    %gather3A_1498 = tpu.vector_load_idx %arg7[%get3A_1497] : memref<3328xi32, #tpu.memory_space<vmem>>[vector<16xi32>], vector<16xi32>,
    %get3A_1499 = arith.constant 2992 : index
    %get3A_1500 = tpu.vector_load %arg9[%get3A_1499] {strides = array<i32>} : memref<3584xi32, #tpu.memory_space<vmem>>, vector<16xi32>,
    %add3A_1501 = arith.addi %gather3A_1498, %get3A_1500 : vector<16xi32>
    %swap3A_1502 = arith.constant 2992 : index
    %swap3A_1503 = tpu.vector_load %arg8[%swap3A_1502] {strides = array<i32>} : memref<3584xi32, #tpu.memory_space<vmem>>, vector<16xi32>,
    tpu.vector_store %arg8[%swap3A_1502], %add3A_1501 {strides = array<i32>} : memref<3584xi32, #tpu.memory_space<vmem>>, vector<16xi32>,
    %get3A_1504 = arith.constant 3008 : index
    %get3A_1505 = tpu.vector_load %arg8[%get3A_1504] {strides = array<i32>} : memref<3584xi32, #tpu.memory_space<vmem>>, vector<16xi32>,
    %gather3A_1506 = tpu.vector_load_idx %arg7[%get3A_1505] : memref<3328xi32, #tpu.memory_space<vmem>>[vector<16xi32>], vector<16xi32>,
    %get3A_1507 = arith.constant 3008 : index
    %get3A_1508 = tpu.vector_load %arg9[%get3A_1507] {strides = array<i32>} : memref<3584xi32, #tpu.memory_space<vmem>>, vector<16xi32>,
    %add3A_1509 = arith.addi %gather3A_1506, %get3A_1508 : vector<16xi32>
    %swap3A_1510 = arith.constant 3008 : index
    %swap3A_1511 = tpu.vector_load %arg8[%swap3A_1510] {strides = array<i32>} : memref<3584xi32, #tpu.memory_space<vmem>>, vector<16xi32>,
    tpu.vector_store %arg8[%swap3A_1510], %add3A_1509 {strides = array<i32>} : memref<3584xi32, #tpu.memory_space<vmem>>, vector<16xi32>,
    %get3A_1512 = arith.constant 3024 : index
    %get3A_1513 = tpu.vector_load %arg8[%get3A_1512] {strides = array<i32>} : memref<3584xi32, #tpu.memory_space<vmem>>, vector<16xi32>,
    %gather3A_1514 = tpu.vector_load_idx %arg7[%get3A_1513] : memref<3328xi32, #tpu.memory_space<vmem>>[vector<16xi32>], vector<16xi32>,
    %get3A_1515 = arith.constant 3024 : index
    %get3A_1516 = tpu.vector_load %arg9[%get3A_1515] {strides = array<i32>} : memref<3584xi32, #tpu.memory_space<vmem>>, vector<16xi32>,
    %add3A_1517 = arith.addi %gather3A_1514, %get3A_1516 : vector<16xi32>
    %swap3A_1518 = arith.constant 3024 : index
    %swap3A_1519 = tpu.vector_load %arg8[%swap3A_1518] {strides = array<i32>} : memref<3584xi32, #tpu.memory_space<vmem>>, vector<16xi32>,
    tpu.vector_store %arg8[%swap3A_1518], %add3A_1517 {strides = array<i32>} : memref<3584xi32, #tpu.memory_space<vmem>>, vector<16xi32>,
    %get3A_1520 = arith.constant 3040 : index
    %get3A_1521 = tpu.vector_load %arg8[%get3A_1520] {strides = array<i32>} : memref<3584xi32, #tpu.memory_space<vmem>>, vector<16xi32>,
    %gather3A_1522 = tpu.vector_load_idx %arg7[%get3A_1521] : memref<3328xi32, #tpu.memory_space<vmem>>[vector<16xi32>], vector<16xi32>,
    %get3A_1523 = arith.constant 3040 : index
    %get3A_1524 = tpu.vector_load %arg9[%get3A_1523] {strides = array<i32>} : memref<3584xi32, #tpu.memory_space<vmem>>, vector<16xi32>,
    %add3A_1525 = arith.addi %gather3A_1522, %get3A_1524 : vector<16xi32>
    %swap3A_1526 = arith.constant 3040 : index
    %swap3A_1527 = tpu.vector_load %arg8[%swap3A_1526] {strides = array<i32>} : memref<3584xi32, #tpu.memory_space<vmem>>, vector<16xi32>,
    tpu.vector_store %arg8[%swap3A_1526], %add3A_1525 {strides = array<i32>} : memref<3584xi32, #tpu.memory_space<vmem>>, vector<16xi32>,
    %get3A_1528 = arith.constant 3056 : index
    %get3A_1529 = tpu.vector_load %arg8[%get3A_1528] {strides = array<i32>} : memref<3584xi32, #tpu.memory_space<vmem>>, vector<16xi32>,
    %gather3A_1530 = tpu.vector_load_idx %arg7[%get3A_1529] : memref<3328xi32, #tpu.memory_space<vmem>>[vector<16xi32>], vector<16xi32>,
    %get3A_1531 = arith.constant 3056 : index
    %get3A_1532 = tpu.vector_load %arg9[%get3A_1531] {strides = array<i32>} : memref<3584xi32, #tpu.memory_space<vmem>>, vector<16xi32>,
    %add3A_1533 = arith.addi %gather3A_1530, %get3A_1532 : vector<16xi32>
    %swap3A_1534 = arith.constant 3056 : index
    %swap3A_1535 = tpu.vector_load %arg8[%swap3A_1534] {strides = array<i32>} : memref<3584xi32, #tpu.memory_space<vmem>>, vector<16xi32>,
    tpu.vector_store %arg8[%swap3A_1534], %add3A_1533 {strides = array<i32>} : memref<3584xi32, #tpu.memory_space<vmem>>, vector<16xi32>,
    %get3A_1536 = arith.constant 3072 : index
    %get3A_1537 = tpu.vector_load %arg8[%get3A_1536] {strides = array<i32>} : memref<3584xi32, #tpu.memory_space<vmem>>, vector<16xi32>,
    %gather3A_1538 = tpu.vector_load_idx %arg7[%get3A_1537] : memref<3328xi32, #tpu.memory_space<vmem>>[vector<16xi32>], vector<16xi32>,
    %get3A_1539 = arith.constant 3072 : index
    %get3A_1540 = tpu.vector_load %arg9[%get3A_1539] {strides = array<i32>} : memref<3584xi32, #tpu.memory_space<vmem>>, vector<16xi32>,
    %add3A_1541 = arith.addi %gather3A_1538, %get3A_1540 : vector<16xi32>
    %swap3A_1542 = arith.constant 3072 : index
    %swap3A_1543 = tpu.vector_load %arg8[%swap3A_1542] {strides = array<i32>} : memref<3584xi32, #tpu.memory_space<vmem>>, vector<16xi32>,
    tpu.vector_store %arg8[%swap3A_1542], %add3A_1541 {strides = array<i32>} : memref<3584xi32, #tpu.memory_space<vmem>>, vector<16xi32>,
    %get3A_1544 = arith.constant 3088 : index
    %get3A_1545 = tpu.vector_load %arg8[%get3A_1544] {strides = array<i32>} : memref<3584xi32, #tpu.memory_space<vmem>>, vector<16xi32>,
    %gather3A_1546 = tpu.vector_load_idx %arg7[%get3A_1545] : memref<3328xi32, #tpu.memory_space<vmem>>[vector<16xi32>], vector<16xi32>,
    %get3A_1547 = arith.constant 3088 : index
    %get3A_1548 = tpu.vector_load %arg9[%get3A_1547] {strides = array<i32>} : memref<3584xi32, #tpu.memory_space<vmem>>, vector<16xi32>,
    %add3A_1549 = arith.addi %gather3A_1546, %get3A_1548 : vector<16xi32>
    %swap3A_1550 = arith.constant 3088 : index
    %swap3A_1551 = tpu.vector_load %arg8[%swap3A_1550] {strides = array<i32>} : memref<3584xi32, #tpu.memory_space<vmem>>, vector<16xi32>,
    tpu.vector_store %arg8[%swap3A_1550], %add3A_1549 {strides = array<i32>} : memref<3584xi32, #tpu.memory_space<vmem>>, vector<16xi32>,
    %get3A_1552 = arith.constant 3104 : index
    %get3A_1553 = tpu.vector_load %arg8[%get3A_1552] {strides = array<i32>} : memref<3584xi32, #tpu.memory_space<vmem>>, vector<16xi32>,
    %gather3A_1554 = tpu.vector_load_idx %arg7[%get3A_1553] : memref<3328xi32, #tpu.memory_space<vmem>>[vector<16xi32>], vector<16xi32>,
    %get3A_1555 = arith.constant 3104 : index
    %get3A_1556 = tpu.vector_load %arg9[%get3A_1555] {strides = array<i32>} : memref<3584xi32, #tpu.memory_space<vmem>>, vector<16xi32>,
    %add3A_1557 = arith.addi %gather3A_1554, %get3A_1556 : vector<16xi32>
    %swap3A_1558 = arith.constant 3104 : index
    %swap3A_1559 = tpu.vector_load %arg8[%swap3A_1558] {strides = array<i32>} : memref<3584xi32, #tpu.memory_space<vmem>>, vector<16xi32>,
    tpu.vector_store %arg8[%swap3A_1558], %add3A_1557 {strides = array<i32>} : memref<3584xi32, #tpu.memory_space<vmem>>, vector<16xi32>,
    %get3A_1560 = arith.constant 3120 : index
    %get3A_1561 = tpu.vector_load %arg8[%get3A_1560] {strides = array<i32>} : memref<3584xi32, #tpu.memory_space<vmem>>, vector<16xi32>,
    %gather3A_1562 = tpu.vector_load_idx %arg7[%get3A_1561] : memref<3328xi32, #tpu.memory_space<vmem>>[vector<16xi32>], vector<16xi32>,
    %get3A_1563 = arith.constant 3120 : index
    %get3A_1564 = tpu.vector_load %arg9[%get3A_1563] {strides = array<i32>} : memref<3584xi32, #tpu.memory_space<vmem>>, vector<16xi32>,
    %add3A_1565 = arith.addi %gather3A_1562, %get3A_1564 : vector<16xi32>
    %swap3A_1566 = arith.constant 3120 : index
    %swap3A_1567 = tpu.vector_load %arg8[%swap3A_1566] {strides = array<i32>} : memref<3584xi32, #tpu.memory_space<vmem>>, vector<16xi32>,
    tpu.vector_store %arg8[%swap3A_1566], %add3A_1565 {strides = array<i32>} : memref<3584xi32, #tpu.memory_space<vmem>>, vector<16xi32>,
    %get3A_1568 = arith.constant 3136 : index
    %get3A_1569 = tpu.vector_load %arg8[%get3A_1568] {strides = array<i32>} : memref<3584xi32, #tpu.memory_space<vmem>>, vector<16xi32>,
    %gather3A_1570 = tpu.vector_load_idx %arg7[%get3A_1569] : memref<3328xi32, #tpu.memory_space<vmem>>[vector<16xi32>], vector<16xi32>,
    %get3A_1571 = arith.constant 3136 : index
    %get3A_1572 = tpu.vector_load %arg9[%get3A_1571] {strides = array<i32>} : memref<3584xi32, #tpu.memory_space<vmem>>, vector<16xi32>,
    %add3A_1573 = arith.addi %gather3A_1570, %get3A_1572 : vector<16xi32>
    %swap3A_1574 = arith.constant 3136 : index
    %swap3A_1575 = tpu.vector_load %arg8[%swap3A_1574] {strides = array<i32>} : memref<3584xi32, #tpu.memory_space<vmem>>, vector<16xi32>,
    tpu.vector_store %arg8[%swap3A_1574], %add3A_1573 {strides = array<i32>} : memref<3584xi32, #tpu.memory_space<vmem>>, vector<16xi32>,
    %get3A_1576 = arith.constant 3152 : index
    %get3A_1577 = tpu.vector_load %arg8[%get3A_1576] {strides = array<i32>} : memref<3584xi32, #tpu.memory_space<vmem>>, vector<16xi32>,
    %gather3A_1578 = tpu.vector_load_idx %arg7[%get3A_1577] : memref<3328xi32, #tpu.memory_space<vmem>>[vector<16xi32>], vector<16xi32>,
    %get3A_1579 = arith.constant 3152 : index
    %get3A_1580 = tpu.vector_load %arg9[%get3A_1579] {strides = array<i32>} : memref<3584xi32, #tpu.memory_space<vmem>>, vector<16xi32>,
    %add3A_1581 = arith.addi %gather3A_1578, %get3A_1580 : vector<16xi32>
    %swap3A_1582 = arith.constant 3152 : index
    %swap3A_1583 = tpu.vector_load %arg8[%swap3A_1582] {strides = array<i32>} : memref<3584xi32, #tpu.memory_space<vmem>>, vector<16xi32>,
    tpu.vector_store %arg8[%swap3A_1582], %add3A_1581 {strides = array<i32>} : memref<3584xi32, #tpu.memory_space<vmem>>, vector<16xi32>,
    %get3A_1584 = arith.constant 3168 : index
    %get3A_1585 = tpu.vector_load %arg8[%get3A_1584] {strides = array<i32>} : memref<3584xi32, #tpu.memory_space<vmem>>, vector<16xi32>,
    %gather3A_1586 = tpu.vector_load_idx %arg7[%get3A_1585] : memref<3328xi32, #tpu.memory_space<vmem>>[vector<16xi32>], vector<16xi32>,
    %get3A_1587 = arith.constant 3168 : index
    %get3A_1588 = tpu.vector_load %arg9[%get3A_1587] {strides = array<i32>} : memref<3584xi32, #tpu.memory_space<vmem>>, vector<16xi32>,
    %add3A_1589 = arith.addi %gather3A_1586, %get3A_1588 : vector<16xi32>
    %swap3A_1590 = arith.constant 3168 : index
    %swap3A_1591 = tpu.vector_load %arg8[%swap3A_1590] {strides = array<i32>} : memref<3584xi32, #tpu.memory_space<vmem>>, vector<16xi32>,
    tpu.vector_store %arg8[%swap3A_1590], %add3A_1589 {strides = array<i32>} : memref<3584xi32, #tpu.memory_space<vmem>>, vector<16xi32>,
    %get3A_1592 = arith.constant 3184 : index
    %get3A_1593 = tpu.vector_load %arg8[%get3A_1592] {strides = array<i32>} : memref<3584xi32, #tpu.memory_space<vmem>>, vector<16xi32>,
    %gather3A_1594 = tpu.vector_load_idx %arg7[%get3A_1593] : memref<3328xi32, #tpu.memory_space<vmem>>[vector<16xi32>], vector<16xi32>,
    %get3A_1595 = arith.constant 3184 : index
    %get3A_1596 = tpu.vector_load %arg9[%get3A_1595] {strides = array<i32>} : memref<3584xi32, #tpu.memory_space<vmem>>, vector<16xi32>,
    %add3A_1597 = arith.addi %gather3A_1594, %get3A_1596 : vector<16xi32>
    %swap3A_1598 = arith.constant 3184 : index
    %swap3A_1599 = tpu.vector_load %arg8[%swap3A_1598] {strides = array<i32>} : memref<3584xi32, #tpu.memory_space<vmem>>, vector<16xi32>,
    tpu.vector_store %arg8[%swap3A_1598], %add3A_1597 {strides = array<i32>} : memref<3584xi32, #tpu.memory_space<vmem>>, vector<16xi32>,
    %get3A_1600 = arith.constant 3200 : index
    %get3A_1601 = tpu.vector_load %arg8[%get3A_1600] {strides = array<i32>} : memref<3584xi32, #tpu.memory_space<vmem>>, vector<16xi32>,
    %gather3A_1602 = tpu.vector_load_idx %arg7[%get3A_1601] : memref<3328xi32, #tpu.memory_space<vmem>>[vector<16xi32>], vector<16xi32>,
    %get3A_1603 = arith.constant 3200 : index
    %get3A_1604 = tpu.vector_load %arg9[%get3A_1603] {strides = array<i32>} : memref<3584xi32, #tpu.memory_space<vmem>>, vector<16xi32>,
    %add3A_1605 = arith.addi %gather3A_1602, %get3A_1604 : vector<16xi32>
    %swap3A_1606 = arith.constant 3200 : index
    %swap3A_1607 = tpu.vector_load %arg8[%swap3A_1606] {strides = array<i32>} : memref<3584xi32, #tpu.memory_space<vmem>>, vector<16xi32>,
    tpu.vector_store %arg8[%swap3A_1606], %add3A_1605 {strides = array<i32>} : memref<3584xi32, #tpu.memory_space<vmem>>, vector<16xi32>,
    %get3A_1608 = arith.constant 3216 : index
    %get3A_1609 = tpu.vector_load %arg8[%get3A_1608] {strides = array<i32>} : memref<3584xi32, #tpu.memory_space<vmem>>, vector<16xi32>,
    %gather3A_1610 = tpu.vector_load_idx %arg7[%get3A_1609] : memref<3328xi32, #tpu.memory_space<vmem>>[vector<16xi32>], vector<16xi32>,
    %get3A_1611 = arith.constant 3216 : index
    %get3A_1612 = tpu.vector_load %arg9[%get3A_1611] {strides = array<i32>} : memref<3584xi32, #tpu.memory_space<vmem>>, vector<16xi32>,
    %add3A_1613 = arith.addi %gather3A_1610, %get3A_1612 : vector<16xi32>
    %swap3A_1614 = arith.constant 3216 : index
    %swap3A_1615 = tpu.vector_load %arg8[%swap3A_1614] {strides = array<i32>} : memref<3584xi32, #tpu.memory_space<vmem>>, vector<16xi32>,
    tpu.vector_store %arg8[%swap3A_1614], %add3A_1613 {strides = array<i32>} : memref<3584xi32, #tpu.memory_space<vmem>>, vector<16xi32>,
    %get3A_1616 = arith.constant 3232 : index
    %get3A_1617 = tpu.vector_load %arg8[%get3A_1616] {strides = array<i32>} : memref<3584xi32, #tpu.memory_space<vmem>>, vector<16xi32>,
    %gather3A_1618 = tpu.vector_load_idx %arg7[%get3A_1617] : memref<3328xi32, #tpu.memory_space<vmem>>[vector<16xi32>], vector<16xi32>,
    %get3A_1619 = arith.constant 3232 : index
    %get3A_1620 = tpu.vector_load %arg9[%get3A_1619] {strides = array<i32>} : memref<3584xi32, #tpu.memory_space<vmem>>, vector<16xi32>,
    %add3A_1621 = arith.addi %gather3A_1618, %get3A_1620 : vector<16xi32>
    %swap3A_1622 = arith.constant 3232 : index
    %swap3A_1623 = tpu.vector_load %arg8[%swap3A_1622] {strides = array<i32>} : memref<3584xi32, #tpu.memory_space<vmem>>, vector<16xi32>,
    tpu.vector_store %arg8[%swap3A_1622], %add3A_1621 {strides = array<i32>} : memref<3584xi32, #tpu.memory_space<vmem>>, vector<16xi32>,
    %get3A_1624 = arith.constant 3248 : index
    %get3A_1625 = tpu.vector_load %arg8[%get3A_1624] {strides = array<i32>} : memref<3584xi32, #tpu.memory_space<vmem>>, vector<16xi32>,
    %gather3A_1626 = tpu.vector_load_idx %arg7[%get3A_1625] : memref<3328xi32, #tpu.memory_space<vmem>>[vector<16xi32>], vector<16xi32>,
    %get3A_1627 = arith.constant 3248 : index
    %get3A_1628 = tpu.vector_load %arg9[%get3A_1627] {strides = array<i32>} : memref<3584xi32, #tpu.memory_space<vmem>>, vector<16xi32>,
    %add3A_1629 = arith.addi %gather3A_1626, %get3A_1628 : vector<16xi32>
    %swap3A_1630 = arith.constant 3248 : index
    %swap3A_1631 = tpu.vector_load %arg8[%swap3A_1630] {strides = array<i32>} : memref<3584xi32, #tpu.memory_space<vmem>>, vector<16xi32>,
    tpu.vector_store %arg8[%swap3A_1630], %add3A_1629 {strides = array<i32>} : memref<3584xi32, #tpu.memory_space<vmem>>, vector<16xi32>,
    %get3A_1632 = arith.constant 3264 : index
    %get3A_1633 = tpu.vector_load %arg8[%get3A_1632] {strides = array<i32>} : memref<3584xi32, #tpu.memory_space<vmem>>, vector<16xi32>,
    %gather3A_1634 = tpu.vector_load_idx %arg7[%get3A_1633] : memref<3328xi32, #tpu.memory_space<vmem>>[vector<16xi32>], vector<16xi32>,
    %get3A_1635 = arith.constant 3264 : index
    %get3A_1636 = tpu.vector_load %arg9[%get3A_1635] {strides = array<i32>} : memref<3584xi32, #tpu.memory_space<vmem>>, vector<16xi32>,
    %add3A_1637 = arith.addi %gather3A_1634, %get3A_1636 : vector<16xi32>
    %swap3A_1638 = arith.constant 3264 : index
    %swap3A_1639 = tpu.vector_load %arg8[%swap3A_1638] {strides = array<i32>} : memref<3584xi32, #tpu.memory_space<vmem>>, vector<16xi32>,
    tpu.vector_store %arg8[%swap3A_1638], %add3A_1637 {strides = array<i32>} : memref<3584xi32, #tpu.memory_space<vmem>>, vector<16xi32>,
    %get3A_1640 = arith.constant 3280 : index
    %get3A_1641 = tpu.vector_load %arg8[%get3A_1640] {strides = array<i32>} : memref<3584xi32, #tpu.memory_space<vmem>>, vector<16xi32>,
    %gather3A_1642 = tpu.vector_load_idx %arg7[%get3A_1641] : memref<3328xi32, #tpu.memory_space<vmem>>[vector<16xi32>], vector<16xi32>,
    %get3A_1643 = arith.constant 3280 : index
    %get3A_1644 = tpu.vector_load %arg9[%get3A_1643] {strides = array<i32>} : memref<3584xi32, #tpu.memory_space<vmem>>, vector<16xi32>,
    %add3A_1645 = arith.addi %gather3A_1642, %get3A_1644 : vector<16xi32>
    %swap3A_1646 = arith.constant 3280 : index
    %swap3A_1647 = tpu.vector_load %arg8[%swap3A_1646] {strides = array<i32>} : memref<3584xi32, #tpu.memory_space<vmem>>, vector<16xi32>,
    tpu.vector_store %arg8[%swap3A_1646], %add3A_1645 {strides = array<i32>} : memref<3584xi32, #tpu.memory_space<vmem>>, vector<16xi32>,
    %get3A_1648 = arith.constant 3296 : index
    %get3A_1649 = tpu.vector_load %arg8[%get3A_1648] {strides = array<i32>} : memref<3584xi32, #tpu.memory_space<vmem>>, vector<16xi32>,
    %gather3A_1650 = tpu.vector_load_idx %arg7[%get3A_1649] : memref<3328xi32, #tpu.memory_space<vmem>>[vector<16xi32>], vector<16xi32>,
    %get3A_1651 = arith.constant 3296 : index
    %get3A_1652 = tpu.vector_load %arg9[%get3A_1651] {strides = array<i32>} : memref<3584xi32, #tpu.memory_space<vmem>>, vector<16xi32>,
    %add3A_1653 = arith.addi %gather3A_1650, %get3A_1652 : vector<16xi32>
    %swap3A_1654 = arith.constant 3296 : index
    %swap3A_1655 = tpu.vector_load %arg8[%swap3A_1654] {strides = array<i32>} : memref<3584xi32, #tpu.memory_space<vmem>>, vector<16xi32>,
    tpu.vector_store %arg8[%swap3A_1654], %add3A_1653 {strides = array<i32>} : memref<3584xi32, #tpu.memory_space<vmem>>, vector<16xi32>,
    %get3A_1656 = arith.constant 3312 : index
    %get3A_1657 = tpu.vector_load %arg8[%get3A_1656] {strides = array<i32>} : memref<3584xi32, #tpu.memory_space<vmem>>, vector<16xi32>,
    %gather3A_1658 = tpu.vector_load_idx %arg7[%get3A_1657] : memref<3328xi32, #tpu.memory_space<vmem>>[vector<16xi32>], vector<16xi32>,
    %get3A_1659 = arith.constant 3312 : index
    %get3A_1660 = tpu.vector_load %arg9[%get3A_1659] {strides = array<i32>} : memref<3584xi32, #tpu.memory_space<vmem>>, vector<16xi32>,
    %add3A_1661 = arith.addi %gather3A_1658, %get3A_1660 : vector<16xi32>
    %swap3A_1662 = arith.constant 3312 : index
    %swap3A_1663 = tpu.vector_load %arg8[%swap3A_1662] {strides = array<i32>} : memref<3584xi32, #tpu.memory_space<vmem>>, vector<16xi32>,
    tpu.vector_store %arg8[%swap3A_1662], %add3A_1661 {strides = array<i32>} : memref<3584xi32, #tpu.memory_space<vmem>>, vector<16xi32>,
    %get3A_1664 = arith.constant 3328 : index
    %get3A_1665 = tpu.vector_load %arg8[%get3A_1664] {strides = array<i32>} : memref<3584xi32, #tpu.memory_space<vmem>>, vector<16xi32>,
    %gather3A_1666 = tpu.vector_load_idx %arg7[%get3A_1665] : memref<3328xi32, #tpu.memory_space<vmem>>[vector<16xi32>], vector<16xi32>,
    %get3A_1667 = arith.constant 3328 : index
    %get3A_1668 = tpu.vector_load %arg9[%get3A_1667] {strides = array<i32>} : memref<3584xi32, #tpu.memory_space<vmem>>, vector<16xi32>,
    %add3A_1669 = arith.addi %gather3A_1666, %get3A_1668 : vector<16xi32>
    %swap3A_1670 = arith.constant 3328 : index
    %swap3A_1671 = tpu.vector_load %arg8[%swap3A_1670] {strides = array<i32>} : memref<3584xi32, #tpu.memory_space<vmem>>, vector<16xi32>,
    tpu.vector_store %arg8[%swap3A_1670], %add3A_1669 {strides = array<i32>} : memref<3584xi32, #tpu.memory_space<vmem>>, vector<16xi32>,
    %get3A_1672 = arith.constant 3344 : index
    %get3A_1673 = tpu.vector_load %arg8[%get3A_1672] {strides = array<i32>} : memref<3584xi32, #tpu.memory_space<vmem>>, vector<16xi32>,
    %gather3A_1674 = tpu.vector_load_idx %arg7[%get3A_1673] : memref<3328xi32, #tpu.memory_space<vmem>>[vector<16xi32>], vector<16xi32>,
    %get3A_1675 = arith.constant 3344 : index
    %get3A_1676 = tpu.vector_load %arg9[%get3A_1675] {strides = array<i32>} : memref<3584xi32, #tpu.memory_space<vmem>>, vector<16xi32>,
    %add3A_1677 = arith.addi %gather3A_1674, %get3A_1676 : vector<16xi32>
    %swap3A_1678 = arith.constant 3344 : index
    %swap3A_1679 = tpu.vector_load %arg8[%swap3A_1678] {strides = array<i32>} : memref<3584xi32, #tpu.memory_space<vmem>>, vector<16xi32>,
    tpu.vector_store %arg8[%swap3A_1678], %add3A_1677 {strides = array<i32>} : memref<3584xi32, #tpu.memory_space<vmem>>, vector<16xi32>,
    %get3A_1680 = arith.constant 3360 : index
    %get3A_1681 = tpu.vector_load %arg8[%get3A_1680] {strides = array<i32>} : memref<3584xi32, #tpu.memory_space<vmem>>, vector<16xi32>,
    %gather3A_1682 = tpu.vector_load_idx %arg7[%get3A_1681] : memref<3328xi32, #tpu.memory_space<vmem>>[vector<16xi32>], vector<16xi32>,
    %get3A_1683 = arith.constant 3360 : index
    %get3A_1684 = tpu.vector_load %arg9[%get3A_1683] {strides = array<i32>} : memref<3584xi32, #tpu.memory_space<vmem>>, vector<16xi32>,
    %add3A_1685 = arith.addi %gather3A_1682, %get3A_1684 : vector<16xi32>
    %swap3A_1686 = arith.constant 3360 : index
    %swap3A_1687 = tpu.vector_load %arg8[%swap3A_1686] {strides = array<i32>} : memref<3584xi32, #tpu.memory_space<vmem>>, vector<16xi32>,
    tpu.vector_store %arg8[%swap3A_1686], %add3A_1685 {strides = array<i32>} : memref<3584xi32, #tpu.memory_space<vmem>>, vector<16xi32>,
    %get3A_1688 = arith.constant 3376 : index
    %get3A_1689 = tpu.vector_load %arg8[%get3A_1688] {strides = array<i32>} : memref<3584xi32, #tpu.memory_space<vmem>>, vector<16xi32>,
    %gather3A_1690 = tpu.vector_load_idx %arg7[%get3A_1689] : memref<3328xi32, #tpu.memory_space<vmem>>[vector<16xi32>], vector<16xi32>,
    %get3A_1691 = arith.constant 3376 : index
    %get3A_1692 = tpu.vector_load %arg9[%get3A_1691] {strides = array<i32>} : memref<3584xi32, #tpu.memory_space<vmem>>, vector<16xi32>,
    %add3A_1693 = arith.addi %gather3A_1690, %get3A_1692 : vector<16xi32>
    %swap3A_1694 = arith.constant 3376 : index
    %swap3A_1695 = tpu.vector_load %arg8[%swap3A_1694] {strides = array<i32>} : memref<3584xi32, #tpu.memory_space<vmem>>, vector<16xi32>,
    tpu.vector_store %arg8[%swap3A_1694], %add3A_1693 {strides = array<i32>} : memref<3584xi32, #tpu.memory_space<vmem>>, vector<16xi32>,
    %get3A_1696 = arith.constant 3392 : index
    %get3A_1697 = tpu.vector_load %arg8[%get3A_1696] {strides = array<i32>} : memref<3584xi32, #tpu.memory_space<vmem>>, vector<16xi32>,
    %gather3A_1698 = tpu.vector_load_idx %arg7[%get3A_1697] : memref<3328xi32, #tpu.memory_space<vmem>>[vector<16xi32>], vector<16xi32>,
    %get3A_1699 = arith.constant 3392 : index
    %get3A_1700 = tpu.vector_load %arg9[%get3A_1699] {strides = array<i32>} : memref<3584xi32, #tpu.memory_space<vmem>>, vector<16xi32>,
    %add3A_1701 = arith.addi %gather3A_1698, %get3A_1700 : vector<16xi32>
    %swap3A_1702 = arith.constant 3392 : index
    %swap3A_1703 = tpu.vector_load %arg8[%swap3A_1702] {strides = array<i32>} : memref<3584xi32, #tpu.memory_space<vmem>>, vector<16xi32>,
    tpu.vector_store %arg8[%swap3A_1702], %add3A_1701 {strides = array<i32>} : memref<3584xi32, #tpu.memory_space<vmem>>, vector<16xi32>,
    %get3A_1704 = arith.constant 3408 : index
    %get3A_1705 = tpu.vector_load %arg8[%get3A_1704] {strides = array<i32>} : memref<3584xi32, #tpu.memory_space<vmem>>, vector<16xi32>,
    %gather3A_1706 = tpu.vector_load_idx %arg7[%get3A_1705] : memref<3328xi32, #tpu.memory_space<vmem>>[vector<16xi32>], vector<16xi32>,
    %get3A_1707 = arith.constant 3408 : index
    %get3A_1708 = tpu.vector_load %arg9[%get3A_1707] {strides = array<i32>} : memref<3584xi32, #tpu.memory_space<vmem>>, vector<16xi32>,
    %add3A_1709 = arith.addi %gather3A_1706, %get3A_1708 : vector<16xi32>
    %swap3A_1710 = arith.constant 3408 : index
    %swap3A_1711 = tpu.vector_load %arg8[%swap3A_1710] {strides = array<i32>} : memref<3584xi32, #tpu.memory_space<vmem>>, vector<16xi32>,
    tpu.vector_store %arg8[%swap3A_1710], %add3A_1709 {strides = array<i32>} : memref<3584xi32, #tpu.memory_space<vmem>>, vector<16xi32>,
    %get3A_1712 = arith.constant 3424 : index
    %get3A_1713 = tpu.vector_load %arg8[%get3A_1712] {strides = array<i32>} : memref<3584xi32, #tpu.memory_space<vmem>>, vector<16xi32>,
    %gather3A_1714 = tpu.vector_load_idx %arg7[%get3A_1713] : memref<3328xi32, #tpu.memory_space<vmem>>[vector<16xi32>], vector<16xi32>,
    %get3A_1715 = arith.constant 3424 : index
    %get3A_1716 = tpu.vector_load %arg9[%get3A_1715] {strides = array<i32>} : memref<3584xi32, #tpu.memory_space<vmem>>, vector<16xi32>,
    %add3A_1717 = arith.addi %gather3A_1714, %get3A_1716 : vector<16xi32>
    %swap3A_1718 = arith.constant 3424 : index
    %swap3A_1719 = tpu.vector_load %arg8[%swap3A_1718] {strides = array<i32>} : memref<3584xi32, #tpu.memory_space<vmem>>, vector<16xi32>,
    tpu.vector_store %arg8[%swap3A_1718], %add3A_1717 {strides = array<i32>} : memref<3584xi32, #tpu.memory_space<vmem>>, vector<16xi32>,
    %get3A_1720 = arith.constant 3440 : index
    %get3A_1721 = tpu.vector_load %arg8[%get3A_1720] {strides = array<i32>} : memref<3584xi32, #tpu.memory_space<vmem>>, vector<16xi32>,
    %gather3A_1722 = tpu.vector_load_idx %arg7[%get3A_1721] : memref<3328xi32, #tpu.memory_space<vmem>>[vector<16xi32>], vector<16xi32>,
    %get3A_1723 = arith.constant 3440 : index
    %get3A_1724 = tpu.vector_load %arg9[%get3A_1723] {strides = array<i32>} : memref<3584xi32, #tpu.memory_space<vmem>>, vector<16xi32>,
    %add3A_1725 = arith.addi %gather3A_1722, %get3A_1724 : vector<16xi32>
    %swap3A_1726 = arith.constant 3440 : index
    %swap3A_1727 = tpu.vector_load %arg8[%swap3A_1726] {strides = array<i32>} : memref<3584xi32, #tpu.memory_space<vmem>>, vector<16xi32>,
    tpu.vector_store %arg8[%swap3A_1726], %add3A_1725 {strides = array<i32>} : memref<3584xi32, #tpu.memory_space<vmem>>, vector<16xi32>,
    %get3A_1728 = arith.constant 3456 : index
    %get3A_1729 = tpu.vector_load %arg8[%get3A_1728] {strides = array<i32>} : memref<3584xi32, #tpu.memory_space<vmem>>, vector<16xi32>,
    %gather3A_1730 = tpu.vector_load_idx %arg7[%get3A_1729] : memref<3328xi32, #tpu.memory_space<vmem>>[vector<16xi32>], vector<16xi32>,
    %get3A_1731 = arith.constant 3456 : index
    %get3A_1732 = tpu.vector_load %arg9[%get3A_1731] {strides = array<i32>} : memref<3584xi32, #tpu.memory_space<vmem>>, vector<16xi32>,
    %add3A_1733 = arith.addi %gather3A_1730, %get3A_1732 : vector<16xi32>
    %swap3A_1734 = arith.constant 3456 : index
    %swap3A_1735 = tpu.vector_load %arg8[%swap3A_1734] {strides = array<i32>} : memref<3584xi32, #tpu.memory_space<vmem>>, vector<16xi32>,
    tpu.vector_store %arg8[%swap3A_1734], %add3A_1733 {strides = array<i32>} : memref<3584xi32, #tpu.memory_space<vmem>>, vector<16xi32>,
    %get3A_1736 = arith.constant 3472 : index
    %get3A_1737 = tpu.vector_load %arg8[%get3A_1736] {strides = array<i32>} : memref<3584xi32, #tpu.memory_space<vmem>>, vector<16xi32>,
    %gather3A_1738 = tpu.vector_load_idx %arg7[%get3A_1737] : memref<3328xi32, #tpu.memory_space<vmem>>[vector<16xi32>], vector<16xi32>,
    %get3A_1739 = arith.constant 3472 : index
    %get3A_1740 = tpu.vector_load %arg9[%get3A_1739] {strides = array<i32>} : memref<3584xi32, #tpu.memory_space<vmem>>, vector<16xi32>,
    %add3A_1741 = arith.addi %gather3A_1738, %get3A_1740 : vector<16xi32>
    %swap3A_1742 = arith.constant 3472 : index
    %swap3A_1743 = tpu.vector_load %arg8[%swap3A_1742] {strides = array<i32>} : memref<3584xi32, #tpu.memory_space<vmem>>, vector<16xi32>,
    tpu.vector_store %arg8[%swap3A_1742], %add3A_1741 {strides = array<i32>} : memref<3584xi32, #tpu.memory_space<vmem>>, vector<16xi32>,
    %get3A_1744 = arith.constant 3488 : index
    %get3A_1745 = tpu.vector_load %arg8[%get3A_1744] {strides = array<i32>} : memref<3584xi32, #tpu.memory_space<vmem>>, vector<16xi32>,
    %gather3A_1746 = tpu.vector_load_idx %arg7[%get3A_1745] : memref<3328xi32, #tpu.memory_space<vmem>>[vector<16xi32>], vector<16xi32>,
    %get3A_1747 = arith.constant 3488 : index
    %get3A_1748 = tpu.vector_load %arg9[%get3A_1747] {strides = array<i32>} : memref<3584xi32, #tpu.memory_space<vmem>>, vector<16xi32>,
    %add3A_1749 = arith.addi %gather3A_1746, %get3A_1748 : vector<16xi32>
    %swap3A_1750 = arith.constant 3488 : index
    %swap3A_1751 = tpu.vector_load %arg8[%swap3A_1750] {strides = array<i32>} : memref<3584xi32, #tpu.memory_space<vmem>>, vector<16xi32>,
    tpu.vector_store %arg8[%swap3A_1750], %add3A_1749 {strides = array<i32>} : memref<3584xi32, #tpu.memory_space<vmem>>, vector<16xi32>,
    %get3A_1752 = arith.constant 3504 : index
    %get3A_1753 = tpu.vector_load %arg8[%get3A_1752] {strides = array<i32>} : memref<3584xi32, #tpu.memory_space<vmem>>, vector<16xi32>,
    %gather3A_1754 = tpu.vector_load_idx %arg7[%get3A_1753] : memref<3328xi32, #tpu.memory_space<vmem>>[vector<16xi32>], vector<16xi32>,
    %get3A_1755 = arith.constant 3504 : index
    %get3A_1756 = tpu.vector_load %arg9[%get3A_1755] {strides = array<i32>} : memref<3584xi32, #tpu.memory_space<vmem>>, vector<16xi32>,
    %add3A_1757 = arith.addi %gather3A_1754, %get3A_1756 : vector<16xi32>
    %swap3A_1758 = arith.constant 3504 : index
    %swap3A_1759 = tpu.vector_load %arg8[%swap3A_1758] {strides = array<i32>} : memref<3584xi32, #tpu.memory_space<vmem>>, vector<16xi32>,
    tpu.vector_store %arg8[%swap3A_1758], %add3A_1757 {strides = array<i32>} : memref<3584xi32, #tpu.memory_space<vmem>>, vector<16xi32>,
    %get3A_1760 = arith.constant 3520 : index
    %get3A_1761 = tpu.vector_load %arg8[%get3A_1760] {strides = array<i32>} : memref<3584xi32, #tpu.memory_space<vmem>>, vector<16xi32>,
    %gather3A_1762 = tpu.vector_load_idx %arg7[%get3A_1761] : memref<3328xi32, #tpu.memory_space<vmem>>[vector<16xi32>], vector<16xi32>,
    %get3A_1763 = arith.constant 3520 : index
    %get3A_1764 = tpu.vector_load %arg9[%get3A_1763] {strides = array<i32>} : memref<3584xi32, #tpu.memory_space<vmem>>, vector<16xi32>,
    %add3A_1765 = arith.addi %gather3A_1762, %get3A_1764 : vector<16xi32>
    %swap3A_1766 = arith.constant 3520 : index
    %swap3A_1767 = tpu.vector_load %arg8[%swap3A_1766] {strides = array<i32>} : memref<3584xi32, #tpu.memory_space<vmem>>, vector<16xi32>,
    tpu.vector_store %arg8[%swap3A_1766], %add3A_1765 {strides = array<i32>} : memref<3584xi32, #tpu.memory_space<vmem>>, vector<16xi32>,
    %get3A_1768 = arith.constant 3536 : index
    %get3A_1769 = tpu.vector_load %arg8[%get3A_1768] {strides = array<i32>} : memref<3584xi32, #tpu.memory_space<vmem>>, vector<16xi32>,
    %gather3A_1770 = tpu.vector_load_idx %arg7[%get3A_1769] : memref<3328xi32, #tpu.memory_space<vmem>>[vector<16xi32>], vector<16xi32>,
    %get3A_1771 = arith.constant 3536 : index
    %get3A_1772 = tpu.vector_load %arg9[%get3A_1771] {strides = array<i32>} : memref<3584xi32, #tpu.memory_space<vmem>>, vector<16xi32>,
    %add3A_1773 = arith.addi %gather3A_1770, %get3A_1772 : vector<16xi32>
    %swap3A_1774 = arith.constant 3536 : index
    %swap3A_1775 = tpu.vector_load %arg8[%swap3A_1774] {strides = array<i32>} : memref<3584xi32, #tpu.memory_space<vmem>>, vector<16xi32>,
    tpu.vector_store %arg8[%swap3A_1774], %add3A_1773 {strides = array<i32>} : memref<3584xi32, #tpu.memory_space<vmem>>, vector<16xi32>,
    %get3A_1776 = arith.constant 3552 : index
    %get3A_1777 = tpu.vector_load %arg8[%get3A_1776] {strides = array<i32>} : memref<3584xi32, #tpu.memory_space<vmem>>, vector<16xi32>,
    %gather3A_1778 = tpu.vector_load_idx %arg7[%get3A_1777] : memref<3328xi32, #tpu.memory_space<vmem>>[vector<16xi32>], vector<16xi32>,
    %get3A_1779 = arith.constant 3552 : index
    %get3A_1780 = tpu.vector_load %arg9[%get3A_1779] {strides = array<i32>} : memref<3584xi32, #tpu.memory_space<vmem>>, vector<16xi32>,
    %add3A_1781 = arith.addi %gather3A_1778, %get3A_1780 : vector<16xi32>
    %swap3A_1782 = arith.constant 3552 : index
    %swap3A_1783 = tpu.vector_load %arg8[%swap3A_1782] {strides = array<i32>} : memref<3584xi32, #tpu.memory_space<vmem>>, vector<16xi32>,
    tpu.vector_store %arg8[%swap3A_1782], %add3A_1781 {strides = array<i32>} : memref<3584xi32, #tpu.memory_space<vmem>>, vector<16xi32>,
    %get3A_1784 = arith.constant 3568 : index
    %get3A_1785 = tpu.vector_load %arg8[%get3A_1784] {strides = array<i32>} : memref<3584xi32, #tpu.memory_space<vmem>>, vector<16xi32>,
    %gather3A_1786 = tpu.vector_load_idx %arg7[%get3A_1785] : memref<3328xi32, #tpu.memory_space<vmem>>[vector<16xi32>], vector<16xi32>,
    %get3A_1787 = arith.constant 3568 : index
    %get3A_1788 = tpu.vector_load %arg9[%get3A_1787] {strides = array<i32>} : memref<3584xi32, #tpu.memory_space<vmem>>, vector<16xi32>,
    %add3A_1789 = arith.addi %gather3A_1786, %get3A_1788 : vector<16xi32>
    %swap3A_1790 = arith.constant 3568 : index
    %swap3A_1791 = tpu.vector_load %arg8[%swap3A_1790] {strides = array<i32>} : memref<3584xi32, #tpu.memory_space<vmem>>, vector<16xi32>,
    tpu.vector_store %arg8[%swap3A_1790], %add3A_1789 {strides = array<i32>} : memref<3584xi32, #tpu.memory_space<vmem>>, vector<16xi32>,
    %dma_start3A = arith.constant 0 : i32
    %dma_start3A_1792 = arith.constant 0 : i32
    %dma_start3A_1793 = tpu.memref_slice %arg2[%dma_start3A, %dma_start3A_1792] : memref<26026x32xf32, #tpu.memory_space<hbm>> -> memref<26026x32xf32, #tpu.memory_space<hbm>>
    tpu.enqueue_indirect_dma source(%dma_start3A_1793 : memref<26026x32xf32, #tpu.memory_space<hbm>>) target(%arg10 : memref<3584x32xf32, #tpu.memory_space<vmem>>) offsets(%arg8 : memref<3584xi32, #tpu.memory_space<vmem>>) semaphore(%arg11 : memref<!tpu.dma_semaphore, #tpu.memory_space<semaphore_mem>>)
    %dma_wait3A = arith.constant 0 : i32
    %dma_wait3A_1794 = arith.constant 0 : i32
    %dma_wait3A_1795 = tpu.memref_slice %arg2[%dma_wait3A, %dma_wait3A_1794] : memref<26026x32xf32, #tpu.memory_space<hbm>> -> memref<26026x32xf32, #tpu.memory_space<hbm>>
    tpu.wait_indirect_dma semaphore(%arg11 : memref<!tpu.dma_semaphore, #tpu.memory_space<semaphore_mem>>) src(%dma_wait3A_1795 : memref<26026x32xf32, #tpu.memory_space<hbm>>) dst(%arg10 : memref<3584x32xf32, #tpu.memory_space<vmem>>)
    %mul3A_1796 = arith.constant 3584 : i32
    %mul3A_1797 = arith.muli %add3A, %mul3A_1796 : i32
    "tpu.region"() ({
      %run_scoped3A = tpu.sem_alloc : memref<!tpu.dma_semaphore, #tpu.memory_space<semaphore_mem>>
      %dma_start3A_1798 = arith.constant 0 : i32
      %dma_start3A_1799 = tpu.memref_slice %arg6[%mul3A_1797, %dma_start3A_1798] : memref<114688x32xf32, #tpu.memory_space<hbm>> -> memref<3584x32xf32, #tpu.memory_space<hbm>>
      %dma_start3A_1800 = arith.constant 0 : i32
      %dma_start3A_1801 = tpu.memref_slice %arg6[%mul3A_1797, %dma_start3A_1800] : memref<114688x32xf32, #tpu.memory_space<hbm>> -> memref<3584x32xf32, #tpu.memory_space<hbm>>
      tpu.enqueue_dma source(%arg10 : memref<3584x32xf32, #tpu.memory_space<vmem>>) target(%dma_start3A_1801 : memref<3584x32xf32, #tpu.memory_space<hbm>>) target_semaphore(%run_scoped3A : memref<!tpu.dma_semaphore, #tpu.memory_space<semaphore_mem>>)
      %dma_wait3A_1802 = arith.constant 0 : i32
      %dma_wait3A_1803 = tpu.memref_slice %arg6[%mul3A_1797, %dma_wait3A_1802] : memref<114688x32xf32, #tpu.memory_space<hbm>> -> memref<3584x32xf32, #tpu.memory_space<hbm>>
      %dma_wait3A_1804 = arith.constant 0 : i32
      %dma_wait3A_1805 = tpu.memref_slice %arg6[%mul3A_1797, %dma_wait3A_1804] : memref<114688x32xf32, #tpu.memory_space<hbm>> -> memref<3584x32xf32, #tpu.memory_space<hbm>>
      tpu.wait_dma2 semaphore(%run_scoped3A : memref<!tpu.dma_semaphore, #tpu.memory_space<semaphore_mem>>) src(%arg10 : memref<3584x32xf32, #tpu.memory_space<vmem>>) dst(%dma_wait3A_1805 : memref<3584x32xf32, #tpu.memory_space<hbm>>)
      tpu.yield
    }) : () -> ()
    return
  }
}

module attributes {stable_mosaic.version = 14 : i64} {
  func.func @_mlp_body(%arg0: i32, %arg1: memref<3584x128xf32, #tpu.memory_space<vmem>>, %arg2: memref<896x256xf32, #tpu.memory_space<vmem>>, %arg3: memref<1x256xf32, #tpu.memory_space<vmem>>, %arg4: memref<256x128xf32, #tpu.memory_space<vmem>>, %arg5: memref<1x128xf32, #tpu.memory_space<vmem>>, %arg6: memref<128x64xf32, #tpu.memory_space<vmem>>, %arg7: memref<1x64xf32, #tpu.memory_space<vmem>>, %arg8: memref<64x32xf32, #tpu.memory_space<vmem>>, %arg9: memref<1x32xf32, #tpu.memory_space<vmem>>, %arg10: memref<32x16xf32, #tpu.memory_space<vmem>>, %arg11: memref<1x16xf32, #tpu.memory_space<vmem>>, %arg12: memref<16x1xf32, #tpu.memory_space<vmem>>, %arg13: memref<1x1xf32, #tpu.memory_space<vmem>>, %arg14: memref<512x1xf32, #tpu.memory_space<vmem>>) attributes {dimension_semantics = [#tpu.dimension_semantics<arbitrary>], iteration_bounds = array<i64: 8>, scalar_prefetch = 0 : i64, scratch_operands = 0 : i64, tpu.core_type = #tpu.core_type<tc>, window_params = [{transform_indices = @transform_0, window_bounds = array<i64: 3584, 128>}, {pipeline_mode = #tpu.pipeline_mode<synchronous>, transform_indices = @transform_1, window_bounds = array<i64: 896, 256>}, {pipeline_mode = #tpu.pipeline_mode<synchronous>, transform_indices = @transform_2, window_bounds = array<i64: 1, 256>}, {pipeline_mode = #tpu.pipeline_mode<synchronous>, transform_indices = @transform_3, window_bounds = array<i64: 256, 128>}, {pipeline_mode = #tpu.pipeline_mode<synchronous>, transform_indices = @transform_4, window_bounds = array<i64: 1, 128>}, {pipeline_mode = #tpu.pipeline_mode<synchronous>, transform_indices = @transform_5, window_bounds = array<i64: 128, 64>}, {pipeline_mode = #tpu.pipeline_mode<synchronous>, transform_indices = @transform_6, window_bounds = array<i64: 1, 64>}, {pipeline_mode = #tpu.pipeline_mode<synchronous>, transform_indices = @transform_7, window_bounds = array<i64: 64, 32>}, {pipeline_mode = #tpu.pipeline_mode<synchronous>, transform_indices = @transform_8, window_bounds = array<i64: 1, 32>}, {pipeline_mode = #tpu.pipeline_mode<synchronous>, transform_indices = @transform_9, window_bounds = array<i64: 32, 16>}, {pipeline_mode = #tpu.pipeline_mode<synchronous>, transform_indices = @transform_10, window_bounds = array<i64: 1, 16>}, {pipeline_mode = #tpu.pipeline_mode<synchronous>, transform_indices = @transform_11, window_bounds = array<i64: 16, 1>}, {pipeline_mode = #tpu.pipeline_mode<synchronous>, transform_indices = @transform_12, window_bounds = array<i64: 1, 1>}, {transform_indices = @transform_13, window_bounds = array<i64: 512, 1>}]} {
    %get3A = arith.constant 0 : index
    %get3A_0 = arith.constant 0 : index
    %get3A_1 = vector.load %arg1[%get3A, %get3A_0] : memref<3584x128xf32, #tpu.memory_space<vmem>>, vector<3584x128xf32>
    %reshape3A = vector.shape_cast %get3A_1 : vector<3584x128xf32> to vector<64x7x8x128xf32>
    %get3A_2 = arith.constant 0 : index
    %get3A_3 = arith.constant 0 : index
    %get3A_4 = vector.load %arg3[%get3A_2, %get3A_3] : memref<1x256xf32, #tpu.memory_space<vmem>>, vector<1x256xf32>
    %slice3A = vector.extract_strided_slice %reshape3A {offsets = [0, 0, 0, 0], sizes = [64, 1, 8, 128], strides = [1, 1, 1, 1]} : vector<64x7x8x128xf32> to vector<64x1x8x128xf32>
    %squeeze3A = vector.shape_cast %slice3A : vector<64x1x8x128xf32> to vector<64x8x128xf32>
    %reshape3A_5 = vector.shape_cast %squeeze3A : vector<64x8x128xf32> to vector<512x128xf32>
    %get3A_6 = arith.constant 0 : index
    %get3A_7 = arith.constant 0 : index
    %get3A_8 = vector.load %arg2[%get3A_6, %get3A_7] : memref<896x256xf32, #tpu.memory_space<vmem>>, vector<128x256xf32>
    %dot_general3A = arith.constant dense<0.000000e+00> : vector<512x256xf32>
    %dot_general3A_9 = tpu.matmul %reshape3A_5, %get3A_8, %dot_general3A {dimension_numbers = #tpu.dot_dimension_numbers<[1], [0], [0], [1], [0, 0, 1, 1], [], []>, transpose_lhs_hint = false} : vector<512x128xf32>, vector<128x256xf32>, vector<512x256xf32> -> vector<512x256xf32>
    %add3A = vector.broadcast %get3A_4 : vector<1x256xf32> to vector<512x256xf32>
    %add3A_10 = arith.addf %add3A, %dot_general3A_9 : vector<512x256xf32>
    %slice3A_11 = vector.extract_strided_slice %reshape3A {offsets = [0, 1, 0, 0], sizes = [64, 1, 8, 128], strides = [1, 1, 1, 1]} : vector<64x7x8x128xf32> to vector<64x1x8x128xf32>
    %squeeze3A_12 = vector.shape_cast %slice3A_11 : vector<64x1x8x128xf32> to vector<64x8x128xf32>
    %reshape3A_13 = vector.shape_cast %squeeze3A_12 : vector<64x8x128xf32> to vector<512x128xf32>
    %get3A_14 = arith.constant 128 : index
    %get3A_15 = arith.constant 0 : index
    %get3A_16 = vector.load %arg2[%get3A_14, %get3A_15] : memref<896x256xf32, #tpu.memory_space<vmem>>, vector<128x256xf32>
    %dot_general3A_17 = arith.constant dense<0.000000e+00> : vector<512x256xf32>
    %dot_general3A_18 = tpu.matmul %reshape3A_13, %get3A_16, %dot_general3A_17 {dimension_numbers = #tpu.dot_dimension_numbers<[1], [0], [0], [1], [0, 0, 1, 1], [], []>, transpose_lhs_hint = false} : vector<512x128xf32>, vector<128x256xf32>, vector<512x256xf32> -> vector<512x256xf32>
    %add3A_19 = arith.addf %add3A_10, %dot_general3A_18 : vector<512x256xf32>
    %slice3A_20 = vector.extract_strided_slice %reshape3A {offsets = [0, 2, 0, 0], sizes = [64, 1, 8, 128], strides = [1, 1, 1, 1]} : vector<64x7x8x128xf32> to vector<64x1x8x128xf32>
    %squeeze3A_21 = vector.shape_cast %slice3A_20 : vector<64x1x8x128xf32> to vector<64x8x128xf32>
    %reshape3A_22 = vector.shape_cast %squeeze3A_21 : vector<64x8x128xf32> to vector<512x128xf32>
    %get3A_23 = arith.constant 256 : index
    %get3A_24 = arith.constant 0 : index
    %get3A_25 = vector.load %arg2[%get3A_23, %get3A_24] : memref<896x256xf32, #tpu.memory_space<vmem>>, vector<128x256xf32>
    %dot_general3A_26 = arith.constant dense<0.000000e+00> : vector<512x256xf32>
    %dot_general3A_27 = tpu.matmul %reshape3A_22, %get3A_25, %dot_general3A_26 {dimension_numbers = #tpu.dot_dimension_numbers<[1], [0], [0], [1], [0, 0, 1, 1], [], []>, transpose_lhs_hint = false} : vector<512x128xf32>, vector<128x256xf32>, vector<512x256xf32> -> vector<512x256xf32>
    %add3A_28 = arith.addf %add3A_19, %dot_general3A_27 : vector<512x256xf32>
    %slice3A_29 = vector.extract_strided_slice %reshape3A {offsets = [0, 3, 0, 0], sizes = [64, 1, 8, 128], strides = [1, 1, 1, 1]} : vector<64x7x8x128xf32> to vector<64x1x8x128xf32>
    %squeeze3A_30 = vector.shape_cast %slice3A_29 : vector<64x1x8x128xf32> to vector<64x8x128xf32>
    %reshape3A_31 = vector.shape_cast %squeeze3A_30 : vector<64x8x128xf32> to vector<512x128xf32>
    %get3A_32 = arith.constant 384 : index
    %get3A_33 = arith.constant 0 : index
    %get3A_34 = vector.load %arg2[%get3A_32, %get3A_33] : memref<896x256xf32, #tpu.memory_space<vmem>>, vector<128x256xf32>
    %dot_general3A_35 = arith.constant dense<0.000000e+00> : vector<512x256xf32>
    %dot_general3A_36 = tpu.matmul %reshape3A_31, %get3A_34, %dot_general3A_35 {dimension_numbers = #tpu.dot_dimension_numbers<[1], [0], [0], [1], [0, 0, 1, 1], [], []>, transpose_lhs_hint = false} : vector<512x128xf32>, vector<128x256xf32>, vector<512x256xf32> -> vector<512x256xf32>
    %add3A_37 = arith.addf %add3A_28, %dot_general3A_36 : vector<512x256xf32>
    %slice3A_38 = vector.extract_strided_slice %reshape3A {offsets = [0, 4, 0, 0], sizes = [64, 1, 8, 128], strides = [1, 1, 1, 1]} : vector<64x7x8x128xf32> to vector<64x1x8x128xf32>
    %squeeze3A_39 = vector.shape_cast %slice3A_38 : vector<64x1x8x128xf32> to vector<64x8x128xf32>
    %reshape3A_40 = vector.shape_cast %squeeze3A_39 : vector<64x8x128xf32> to vector<512x128xf32>
    %get3A_41 = arith.constant 512 : index
    %get3A_42 = arith.constant 0 : index
    %get3A_43 = vector.load %arg2[%get3A_41, %get3A_42] : memref<896x256xf32, #tpu.memory_space<vmem>>, vector<128x256xf32>
    %dot_general3A_44 = arith.constant dense<0.000000e+00> : vector<512x256xf32>
    %dot_general3A_45 = tpu.matmul %reshape3A_40, %get3A_43, %dot_general3A_44 {dimension_numbers = #tpu.dot_dimension_numbers<[1], [0], [0], [1], [0, 0, 1, 1], [], []>, transpose_lhs_hint = false} : vector<512x128xf32>, vector<128x256xf32>, vector<512x256xf32> -> vector<512x256xf32>
    %add3A_46 = arith.addf %add3A_37, %dot_general3A_45 : vector<512x256xf32>
    %slice3A_47 = vector.extract_strided_slice %reshape3A {offsets = [0, 5, 0, 0], sizes = [64, 1, 8, 128], strides = [1, 1, 1, 1]} : vector<64x7x8x128xf32> to vector<64x1x8x128xf32>
    %squeeze3A_48 = vector.shape_cast %slice3A_47 : vector<64x1x8x128xf32> to vector<64x8x128xf32>
    %reshape3A_49 = vector.shape_cast %squeeze3A_48 : vector<64x8x128xf32> to vector<512x128xf32>
    %get3A_50 = arith.constant 640 : index
    %get3A_51 = arith.constant 0 : index
    %get3A_52 = vector.load %arg2[%get3A_50, %get3A_51] : memref<896x256xf32, #tpu.memory_space<vmem>>, vector<128x256xf32>
    %dot_general3A_53 = arith.constant dense<0.000000e+00> : vector<512x256xf32>
    %dot_general3A_54 = tpu.matmul %reshape3A_49, %get3A_52, %dot_general3A_53 {dimension_numbers = #tpu.dot_dimension_numbers<[1], [0], [0], [1], [0, 0, 1, 1], [], []>, transpose_lhs_hint = false} : vector<512x128xf32>, vector<128x256xf32>, vector<512x256xf32> -> vector<512x256xf32>
    %add3A_55 = arith.addf %add3A_46, %dot_general3A_54 : vector<512x256xf32>
    %slice3A_56 = vector.extract_strided_slice %reshape3A {offsets = [0, 6, 0, 0], sizes = [64, 1, 8, 128], strides = [1, 1, 1, 1]} : vector<64x7x8x128xf32> to vector<64x1x8x128xf32>
    %squeeze3A_57 = vector.shape_cast %slice3A_56 : vector<64x1x8x128xf32> to vector<64x8x128xf32>
    %reshape3A_58 = vector.shape_cast %squeeze3A_57 : vector<64x8x128xf32> to vector<512x128xf32>
    %get3A_59 = arith.constant 768 : index
    %get3A_60 = arith.constant 0 : index
    %get3A_61 = vector.load %arg2[%get3A_59, %get3A_60] : memref<896x256xf32, #tpu.memory_space<vmem>>, vector<128x256xf32>
    %dot_general3A_62 = arith.constant dense<0.000000e+00> : vector<512x256xf32>
    %dot_general3A_63 = tpu.matmul %reshape3A_58, %get3A_61, %dot_general3A_62 {dimension_numbers = #tpu.dot_dimension_numbers<[1], [0], [0], [1], [0, 0, 1, 1], [], []>, transpose_lhs_hint = false} : vector<512x128xf32>, vector<128x256xf32>, vector<512x256xf32> -> vector<512x256xf32>
    %add3A_64 = arith.addf %add3A_55, %dot_general3A_63 : vector<512x256xf32>
    %max3A = arith.constant 0.000000e+00 : f32
    %max3A_65 = vector.broadcast %max3A : f32 to vector<512x256xf32>
    %max3A_66 = arith.maximumf %add3A_64, %max3A_65 : vector<512x256xf32>
    %get3A_67 = arith.constant 0 : index
    %get3A_68 = arith.constant 0 : index
    %get3A_69 = vector.load %arg4[%get3A_67, %get3A_68] : memref<256x128xf32, #tpu.memory_space<vmem>>, vector<256x128xf32>
    %dot_general3A_70 = arith.constant dense<0.000000e+00> : vector<512x128xf32>
    %dot_general3A_71 = tpu.matmul %max3A_66, %get3A_69, %dot_general3A_70 {dimension_numbers = #tpu.dot_dimension_numbers<[1], [0], [0], [1], [0, 0, 1, 1], [], []>, transpose_lhs_hint = false} : vector<512x256xf32>, vector<256x128xf32>, vector<512x128xf32> -> vector<512x128xf32>
    %get3A_72 = arith.constant 0 : index
    %get3A_73 = arith.constant 0 : index
    %get3A_74 = vector.load %arg5[%get3A_72, %get3A_73] : memref<1x128xf32, #tpu.memory_space<vmem>>, vector<1x128xf32>
    %add3A_75 = vector.broadcast %get3A_74 : vector<1x128xf32> to vector<512x128xf32>
    %add3A_76 = arith.addf %dot_general3A_71, %add3A_75 : vector<512x128xf32>
    %max3A_77 = arith.constant 0.000000e+00 : f32
    %max3A_78 = vector.broadcast %max3A_77 : f32 to vector<512x128xf32>
    %max3A_79 = arith.maximumf %add3A_76, %max3A_78 : vector<512x128xf32>
    %get3A_80 = arith.constant 0 : index
    %get3A_81 = arith.constant 0 : index
    %get3A_82 = vector.load %arg6[%get3A_80, %get3A_81] : memref<128x64xf32, #tpu.memory_space<vmem>>, vector<128x64xf32>
    %dot_general3A_83 = arith.constant dense<0.000000e+00> : vector<512x64xf32>
    %dot_general3A_84 = tpu.matmul %max3A_79, %get3A_82, %dot_general3A_83 {dimension_numbers = #tpu.dot_dimension_numbers<[1], [0], [0], [1], [0, 0, 1, 1], [], []>, transpose_lhs_hint = false} : vector<512x128xf32>, vector<128x64xf32>, vector<512x64xf32> -> vector<512x64xf32>
    %get3A_85 = arith.constant 0 : index
    %get3A_86 = arith.constant 0 : index
    %get3A_87 = vector.load %arg7[%get3A_85, %get3A_86] : memref<1x64xf32, #tpu.memory_space<vmem>>, vector<1x64xf32>
    %add3A_88 = vector.broadcast %get3A_87 : vector<1x64xf32> to vector<512x64xf32>
    %add3A_89 = arith.addf %dot_general3A_84, %add3A_88 : vector<512x64xf32>
    %max3A_90 = arith.constant 0.000000e+00 : f32
    %max3A_91 = vector.broadcast %max3A_90 : f32 to vector<512x64xf32>
    %max3A_92 = arith.maximumf %add3A_89, %max3A_91 : vector<512x64xf32>
    %get3A_93 = arith.constant 0 : index
    %get3A_94 = arith.constant 0 : index
    %get3A_95 = vector.load %arg8[%get3A_93, %get3A_94] : memref<64x32xf32, #tpu.memory_space<vmem>>, vector<64x32xf32>
    %dot_general3A_96 = arith.constant dense<0.000000e+00> : vector<512x32xf32>
    %dot_general3A_97 = tpu.matmul %max3A_92, %get3A_95, %dot_general3A_96 {dimension_numbers = #tpu.dot_dimension_numbers<[1], [0], [0], [1], [0, 0, 1, 1], [], []>, transpose_lhs_hint = false} : vector<512x64xf32>, vector<64x32xf32>, vector<512x32xf32> -> vector<512x32xf32>
    %get3A_98 = arith.constant 0 : index
    %get3A_99 = arith.constant 0 : index
    %get3A_100 = vector.load %arg9[%get3A_98, %get3A_99] : memref<1x32xf32, #tpu.memory_space<vmem>>, vector<1x32xf32>
    %add3A_101 = vector.broadcast %get3A_100 : vector<1x32xf32> to vector<512x32xf32>
    %add3A_102 = arith.addf %dot_general3A_97, %add3A_101 : vector<512x32xf32>
    %max3A_103 = arith.constant 0.000000e+00 : f32
    %max3A_104 = vector.broadcast %max3A_103 : f32 to vector<512x32xf32>
    %max3A_105 = arith.maximumf %add3A_102, %max3A_104 : vector<512x32xf32>
    %get3A_106 = arith.constant 0 : index
    %get3A_107 = arith.constant 0 : index
    %get3A_108 = vector.load %arg10[%get3A_106, %get3A_107] : memref<32x16xf32, #tpu.memory_space<vmem>>, vector<32x16xf32>
    %dot_general3A_109 = arith.constant dense<0.000000e+00> : vector<512x16xf32>
    %dot_general3A_110 = tpu.matmul %max3A_105, %get3A_108, %dot_general3A_109 {dimension_numbers = #tpu.dot_dimension_numbers<[1], [0], [0], [1], [0, 0, 1, 1], [], []>, transpose_lhs_hint = false} : vector<512x32xf32>, vector<32x16xf32>, vector<512x16xf32> -> vector<512x16xf32>
    %get3A_111 = arith.constant 0 : index
    %get3A_112 = arith.constant 0 : index
    %get3A_113 = vector.load %arg11[%get3A_111, %get3A_112] : memref<1x16xf32, #tpu.memory_space<vmem>>, vector<1x16xf32>
    %add3A_114 = vector.broadcast %get3A_113 : vector<1x16xf32> to vector<512x16xf32>
    %add3A_115 = arith.addf %dot_general3A_110, %add3A_114 : vector<512x16xf32>
    %max3A_116 = arith.constant 0.000000e+00 : f32
    %max3A_117 = vector.broadcast %max3A_116 : f32 to vector<512x16xf32>
    %max3A_118 = arith.maximumf %add3A_115, %max3A_117 : vector<512x16xf32>
    %get3A_119 = arith.constant 0 : index
    %get3A_120 = arith.constant 0 : index
    %get3A_121 = vector.load %arg12[%get3A_119, %get3A_120] : memref<16x1xf32, #tpu.memory_space<vmem>>, vector<16x1xf32>
    %dot_general3A_122 = arith.constant dense<0.000000e+00> : vector<512x1xf32>
    %dot_general3A_123 = tpu.matmul %max3A_118, %get3A_121, %dot_general3A_122 {dimension_numbers = #tpu.dot_dimension_numbers<[1], [0], [0], [1], [0, 0, 1, 1], [], []>, transpose_lhs_hint = false} : vector<512x16xf32>, vector<16x1xf32>, vector<512x1xf32> -> vector<512x1xf32>
    %get3A_124 = arith.constant 0 : index
    %get3A_125 = arith.constant 0 : index
    %get3A_126 = vector.load %arg13[%get3A_124, %get3A_125] : memref<1x1xf32, #tpu.memory_space<vmem>>, vector<1x1xf32>
    %add3A_127 = vector.broadcast %get3A_126 : vector<1x1xf32> to vector<512x1xf32>
    %add3A_128 = arith.addf %dot_general3A_123, %add3A_127 : vector<512x1xf32>
    %logistic3A = arith.negf %add3A_128 : vector<512x1xf32>
    %logistic3A_129 = math.exp %logistic3A : vector<512x1xf32>
    %logistic3A_130 = arith.constant 1.000000e+00 : f32
    %logistic3A_131 = vector.broadcast %logistic3A_130 : f32 to vector<512x1xf32>
    %logistic3A_132 = arith.addf %logistic3A_131, %logistic3A_129 : vector<512x1xf32>
    %logistic3A_133 = arith.divf %logistic3A_131, %logistic3A_132 : vector<512x1xf32>
    %swap3A = arith.constant 0 : index
    %swap3A_134 = arith.constant 0 : index
    %swap3A_135 = vector.load %arg14[%swap3A, %swap3A_134] : memref<512x1xf32, #tpu.memory_space<vmem>>, vector<512x1xf32>
    tpu.vector_store %arg14[%swap3A, %swap3A_134], %logistic3A_133 {strides = array<i32>} : memref<512x1xf32, #tpu.memory_space<vmem>>, vector<512x1xf32>,
    return
  }
  func.func @transform_0(%arg0: i32) -> (i32, i32) {
    %c0_i32 = arith.constant 0 : i32
    %c0_i32_0 = arith.constant 0 : i32
    return %arg0, %c0_i32 : i32, i32
  }
  func.func @transform_1(%arg0: i32) -> (i32, i32) {
    %c0_i32 = arith.constant 0 : i32
    %c0_i32_0 = arith.constant 0 : i32
    %c0_i32_1 = arith.constant 0 : i32
    return %c0_i32, %c0_i32_0 : i32, i32
  }
  func.func @transform_2(%arg0: i32) -> (i32, i32) {
    %c0_i32 = arith.constant 0 : i32
    %c0_i32_0 = arith.constant 0 : i32
    %c0_i32_1 = arith.constant 0 : i32
    return %c0_i32, %c0_i32_0 : i32, i32
  }
  func.func @transform_3(%arg0: i32) -> (i32, i32) {
    %c0_i32 = arith.constant 0 : i32
    %c0_i32_0 = arith.constant 0 : i32
    %c0_i32_1 = arith.constant 0 : i32
    return %c0_i32, %c0_i32_0 : i32, i32
  }
  func.func @transform_4(%arg0: i32) -> (i32, i32) {
    %c0_i32 = arith.constant 0 : i32
    %c0_i32_0 = arith.constant 0 : i32
    %c0_i32_1 = arith.constant 0 : i32
    return %c0_i32, %c0_i32_0 : i32, i32
  }
  func.func @transform_5(%arg0: i32) -> (i32, i32) {
    %c0_i32 = arith.constant 0 : i32
    %c0_i32_0 = arith.constant 0 : i32
    %c0_i32_1 = arith.constant 0 : i32
    return %c0_i32, %c0_i32_0 : i32, i32
  }
  func.func @transform_6(%arg0: i32) -> (i32, i32) {
    %c0_i32 = arith.constant 0 : i32
    %c0_i32_0 = arith.constant 0 : i32
    %c0_i32_1 = arith.constant 0 : i32
    return %c0_i32, %c0_i32_0 : i32, i32
  }
  func.func @transform_7(%arg0: i32) -> (i32, i32) {
    %c0_i32 = arith.constant 0 : i32
    %c0_i32_0 = arith.constant 0 : i32
    %c0_i32_1 = arith.constant 0 : i32
    return %c0_i32, %c0_i32_0 : i32, i32
  }
  func.func @transform_8(%arg0: i32) -> (i32, i32) {
    %c0_i32 = arith.constant 0 : i32
    %c0_i32_0 = arith.constant 0 : i32
    %c0_i32_1 = arith.constant 0 : i32
    return %c0_i32, %c0_i32_0 : i32, i32
  }
  func.func @transform_9(%arg0: i32) -> (i32, i32) {
    %c0_i32 = arith.constant 0 : i32
    %c0_i32_0 = arith.constant 0 : i32
    %c0_i32_1 = arith.constant 0 : i32
    return %c0_i32, %c0_i32_0 : i32, i32
  }
  func.func @transform_10(%arg0: i32) -> (i32, i32) {
    %c0_i32 = arith.constant 0 : i32
    %c0_i32_0 = arith.constant 0 : i32
    %c0_i32_1 = arith.constant 0 : i32
    return %c0_i32, %c0_i32_0 : i32, i32
  }
  func.func @transform_11(%arg0: i32) -> (i32, i32) {
    %c0_i32 = arith.constant 0 : i32
    %c0_i32_0 = arith.constant 0 : i32
    %c0_i32_1 = arith.constant 0 : i32
    return %c0_i32, %c0_i32_0 : i32, i32
  }
  func.func @transform_12(%arg0: i32) -> (i32, i32) {
    %c0_i32 = arith.constant 0 : i32
    %c0_i32_0 = arith.constant 0 : i32
    %c0_i32_1 = arith.constant 0 : i32
    return %c0_i32, %c0_i32_0 : i32, i32
  }
  func.func @transform_13(%arg0: i32) -> (i32, i32) {
    %c0_i32 = arith.constant 0 : i32
    %c0_i32_0 = arith.constant 0 : i32
    return %arg0, %c0_i32 : i32, i32
  }
}

</mosaic_0001>

<sc_bundles>
// kernel: kernel.4.cloned.1.call-start
scs
__scs_entry_jumppad:
0x0: {  	(pc) =	sbr.rel $0x88, $3  }
0x1: {  	(tag) =	ssettag $0x0;
	lr =	simm.s32 $0x1  }
0x2: {  	[smem:$0x3F93] =	sst lr;
	_ =	strace $0xD0000000  }
0x3: {  	_ = 	snop  }
0x4: {  	_ = 	snop  }
0x5: {  	_ = 	snop  }
0x6: {  	_ = 	snop  }
0x7: {  	_ = 	snop  }
__scs_overlays_trampoline_lowered:
0x8: {  	[smem:$0x3FA2] =	sst s0  }
0x9: {  	[smem:$0x3FA3] =	sst s1  }
0xa: {  	[smem:$0x3FA4] =	sst s2  }
0xb: {  	[smem:$0x3FA5] =	sst s3  }
0xc: {  	[smem:$0x3FA6] =	sst s4  }
0xd: {  	[smem:$0x3FA7] =	sst s5  }
0xe: {  	[smem:$0x3FA8] =	sst s6  }
0xf: {  	[smem:$0x3FA9] =	sst s7  }
0x10: {  	[smem:$0x3FAA] =	sst s8  }
0x11: {  	[smem:$0x3FAB] =	sst s9;
	s0 =	simm.s32 @!p0 $0x0  }
0x12: {  	s1 =	sld [smem:$0x3F91];
	s0 =	simm.s32 @p0 $0x1  }
0x13: {  	[smem:$0x3FAC] =	sst s0;
	s0 =	simm.s32 @!p1 $0x0  }
0x14: {  	s2 =	sld [smem:$0x3F90];
	s0 =	simm.s32 @p1 $0x1  }
0x15: {  	[smem:$0x3FAD] =	sst s0;
	s0 =	simm.s32 @!p2 $0x0  }
0x16: {  	s3 =	sld [smem:$0x3FDB];
	s0 =	simm.s32 @p2 $0x1  }
0x17: {  	s4 =	simm.s32 $0x1BF5;
	[smem:$0x3FAF] =	sst s0  }
0x18: {  	s0 =	sld [smem:$0x3F92];
	_ =	swait.ge [sflag:s4], $0x0  }
0x19: {  	s7 =	sld [smem:$0x3F93]  }
0x1a: {  	s8 =	sadd.s32 $0xFFFFE003, lr  }
0x1b: {  	s9 =	sadd.s32 $0xFFFFFEF7, lr;
	s5 =	simm.s32 $0xFFFFFFFF;
	p2 =	slt.u32 s8, $0xFFFFF086  }
0x1c: {  	p1 =	slt.u32 s9, $0xF7A;
	s5 =	simm.s32 @!p2 $0x0  }
0x1d: {  	s5 =	simm.s32 @p1 $0x1;
	p0 =	seq.s32 s7, s2  }
0x1e: {  	s7 =	smul.u32 @!p0 $0xF7A, s2;
	p2 =	seq.s32 @!p0 s5, $0x0  }
0x1f: {  	s9 =	smul.u32 $0xF7A, s1;
	s8 =	simm.s32 @!p0 $0x1BF5;
	p2 =	por !p2, p0  }
0x20: {  	[sflag:s8] =	ssyncset.s32 @!p0 $0xFFFFF086;
	s6 =	sadd.s32 @!p0 s3, s7;
	s7 =	simm.s32 @!p0 $0x108  }
0x21: {  	s3 =	sadd.s32 s3, s9;
	s6 =	sadd.s32 @!p0 $0x88, s6;
	s7 =	simm.s32 @p2 $0x1082  }
0x22: {  	[simem:s7], [sflag:s8] =	dma.local @!p0 [hbm:s6], $0xF7A  }
0x23: {  	s9 =	sor.u32 $0xD0000000, s2;
	s6 =	simm.s32 $0x108;
	_ =	swait.ge @!p0 [sflag:s8], $0x0  }
0x24: {  	s3 =	sadd.s32 $0x88, s3;
	s6 =	simm.s32 @!p1 $0x1082;
	[sflag:s4] =	ssyncset.s32 $0xFFFFF086  }
0x25: {  	[simem:s6], [sflag:s4] =	dma.local [hbm:s3], $0xF7A  }
0x26: {  	[smem:$0x3F93] =	sst s1;
	(tag) =	ssettag s2;
	_ =	strace s9  }
0x27: {  	s1 =	sld [smem:$0x3FA3]  }
0x28: {  	s2 =	sld [smem:$0x3FA4]  }
0x29: {  	s4 =	sld [smem:$0x3FA6]  }
0x2a: {  	p0 =	seq.s32 s5, $0x0;
	s5 =	sld [smem:$0x3FA7]  }
0x2b: {  	s6 =	sld [smem:$0x3FA8]  }
0x2c: {  	s7 =	sld [smem:$0x3FA9]  }
0x2d: {  	s3 =	simm.s32 $0x108;
	s8 =	sld [smem:$0x3FAA]  }
0x2e: {  	s3 =	simm.s32 @!p0 $0x1082;
	s9 =	sld [smem:$0x3FAB]  }
0x2f: {  	lr =	sadd.s32 s0, s3;
	s0 =	sld [smem:$0x3FA2]  }
0x30: {  	s3 =	sld [smem:$0x3FA5]  }
0x31: {  	[smem:$0x3FAE] =	sst s10  }
0x32: {  	s10 =	sld [smem:$0x3FAC];
	_ =	sdelay $0x3  }
0x33: {  	p0 =	seq.s32 s10, $0x1;
	s10 =	sld [smem:$0x3FAE];
	_ =	sdelay $0x3  }
0x34: {  	[smem:$0x3FAE] =	sst s10  }
0x35: {  	s10 =	sld [smem:$0x3FAD];
	_ =	sdelay $0x3  }
0x36: {  	p1 =	seq.s32 s10, $0x1;
	s10 =	sld [smem:$0x3FAE];
	_ =	sdelay $0x3  }
0x37: {  	[smem:$0x3FAE] =	sst s10  }
0x38: {  	s10 =	sld [smem:$0x3FAF]  }
0x39: {  	_ = 	snop;
	(pc) =	sbr.ind lr, $3  }
0x3a: {  	_ = 	snop  }
0x3b: {  	_ = 	snop  }
0x3c: {  	p2 =	seq.s32 s10, $0x1;
	s10 =	sld [smem:$0x3FAE]  }
0x3d: {  	_ =	shalt  }
0x3e: {  	_ =	shalt  }
0x3f: {  	_ =	shalt  }
0x40: {  	_ =	shalt  }
0x41: {  	_ =	shalt  }
0x42: {  	_ =	shalt  }
0x43: {  	_ =	shalt  }
0x44: {  	_ =	shalt  }
0x45: {  	_ =	shalt  }
0x46: {  	_ =	shalt  }
0x47: {  	_ =	shalt  }
0x48: {  	_ =	shalt  }
0x49: {  	_ =	shalt  }
0x4a: {  	_ =	shalt  }
0x4b: {  	_ =	shalt  }
0x4c: {  	_ =	shalt  }
0x4d: {  	_ =	shalt  }
0x4e: {  	_ =	shalt  }
0x4f: {  	_ =	shalt  }
0x50: {  	_ =	shalt  }
0x51: {  	_ =	shalt  }
0x52: {  	_ =	shalt  }
0x53: {  	_ =	shalt  }
0x54: {  	_ =	shalt  }
0x55: {  	_ =	shalt  }
0x56: {  	_ =	shalt  }
0x57: {  	_ =	shalt  }
0x58: {  	_ =	shalt  }
0x59: {  	_ =	shalt  }
0x5a: {  	_ =	shalt  }
0x5b: {  	_ =	shalt  }
0x5c: {  	_ =	shalt  }
0x5d: {  	_ =	shalt  }
0x5e: {  	_ =	shalt  }
0x5f: {  	_ =	shalt  }
0x60: {  	_ =	shalt  }
0x61: {  	_ =	shalt  }
0x62: {  	_ =	shalt  }
0x63: {  	_ =	shalt  }
0x64: {  	_ =	shalt  }
0x65: {  	_ =	shalt  }
0x66: {  	_ =	shalt  }
0x67: {  	_ =	shalt  }
0x68: {  	_ =	shalt  }
0x69: {  	_ =	shalt  }
0x6a: {  	_ =	shalt  }
0x6b: {  	_ =	shalt  }
0x6c: {  	_ =	shalt  }
0x6d: {  	_ =	shalt  }
0x6e: {  	_ =	shalt  }
0x6f: {  	_ =	shalt  }
0x70: {  	_ =	shalt  }
0x71: {  	_ =	shalt  }
0x72: {  	_ =	shalt  }
0x73: {  	_ =	shalt  }
0x74: {  	_ =	shalt  }
0x75: {  	_ =	shalt  }
0x76: {  	_ =	shalt  }
0x77: {  	_ =	shalt  }
0x78: {  	_ =	shalt  }
0x79: {  	_ =	shalt  }
0x7a: {  	_ =	shalt  }
0x7b: {  	_ =	shalt  }
0x7c: {  	_ =	shalt  }
0x7d: {  	_ =	shalt  }
0x7e: {  	_ =	shalt  }
0x7f: {  	_ =	shalt  }
0x80: {  	_ =	shalt  }
0x81: {  	_ =	shalt  }
0x82: {  	_ =	shalt  }
0x83: {  	_ =	shalt  }
0x84: {  	_ =	shalt  }
0x85: {  	_ =	shalt  }
0x86: {  	_ =	shalt  }
0x87: {  	_ =	shalt  }
.Lfunc_end0:
.L_simem_size_0:
called_computation_lowered:
.L_overlay_start_0:
0x88: {  	s2 =	sld [smem:$0x3FD9]  }
0x89: {  	s3 =	sld [smem:$0x3FFE];
	_ =	sdelay $0x1  }
0x8a: {  	s1 =	srdreg.scid  }
0x8b: {  	s0 =	sand.u32 $0x1, s1  }
0x8c: {  	s17 =	sshll.u32 s0, $0xA;
	s2 =	sadd.s32 s3, s2  }
0x8d: {  	s2 =	sadd.s32 s2, s17  }
0x8e: {  	[smem:$0x3FBA] =	sst s2  }
0x8f: {  	_ = 	snop  }
0x90: {  	s2 =	sld [smem:$0x3FD0];
	(tm) =	ssettm $0x1  }
0x91: {  	s18 =	sld [smem:$0x3FFB];
	_ =	sdelay $0x3  }
0x92: {  	_ =	strace s18  }
0x93: {  	s3 =	sld [smem:$0x3FFC];
	_ =	sdelay $0x3  }
0x94: {  	_ =	strace s3  }
0x95: {  	s3 =	sld [smem:$0x3FFD];
	_ =	sdelay $0x3  }
0x96: {  	_ =	strace s3  }
0x97: {  	_ =	strace $0x8FFFFFFF  }
0x98: {  	s19 =	sld [smem:$0x3FDB];
	_ =	sdelay $0x1  }
0x99: {  	s4 =	simm.s32 $_scs_section_size  }
0x9a: {  	s5 =	simm.s32 $_size__tile_overlayer_lowered;
	s6 =	simm.s32 $_tile_overlayer_lowered  }
0x9b: {  	s22 =	simm.s32 $0x1BFF;
	s21 =	sshll.u32 s6, $0x1;
	s3 =	sadd.s32 s4, s19  }
0x9c: {  	s7 =	simm.s32 $0x0;
	s20 =	sshll.u32 s5, $0x1;
	s5 =	sadd.s32 s21, s3  }
0x9d: {  	[timem:s7], [sflag:s22] =	dma.local [hbm:s5], s20  }
0x9e: {  	_ =	swait.ge [sflag:s22], s20  }
0x9f: {  	s4 =	ssub.s32 $0x0, s20;
	[sflag:s22] =	ssyncset.done $0x0  }
0xa0: {  	[sflag:s22] =	ssyncadd.s32 s4;
	_ =	sdelay $0x1  }
0xa1: {  	s23 =	simm.s32 $0x1B8B  }
0xa2: {  	_ =	swait.ge [sflag:s23], $0x1  }
0xa3: {  	[sflag:s23] =	ssyncset.done $0x0  }
0xa4: {  	s25 =	simm.s32 $0x1B8E;
	s24 =	sld [smem:$0x3FFE];
	[sflag:s23] =	ssyncadd.s32 $0xFFFFFFFF  }
0xa5: {  	s26 =	simm.s32 $execute0_lowered;
	[smem:$0x3FD2] =	sst s25  }
0xa6: {  	s5 =	sshll.u32 s26, $0x1;
	_ =	strace $0x80000046;
	[dreg:$0x1] =	wrdreg $0xFFFFFFFF  }
0xa7: {  	s28 =	simm.s32 $_size_execute0_lowered;
	s3 =	sadd.s32 s3, s5;
	[dreg:$0x0] =	wrdreg $0x0  }
0xa8: {  	s5 =	sshll.u32 s28, $0x1;
	[dreg:$0x2] =	wrdreg s3  }
0xa9: {  	[dreg:$0x3] =	wrdreg s5  }
0xaa: {  	[dreg:$0x4] =	wrdreg $0xC0  }
0xab: {  	_ =	task [dreg:s7], $0x5FFFF  }
0xac: {  	[dreg:$0x1] =	wrdreg $0xFFFFFFFF  }
0xad: {  	[dreg:$0x0] =	wrdreg $0x60  }
0xae: {  	[dreg:$0x2] =	wrdreg s24  }
0xaf: {  	[dreg:$0x3] =	wrdreg s2  }
0xb0: {  	[dreg:$0x4] =	wrdreg $0x9  }
0xb1: {  	_ =	task.clear_ibuf [dreg:s7], $0x5FFFF;
	_ =	strace $0x90000046  }
0xb2: {  	s29 =	simm.s32 $0x9;
	_ =	strace $0x80000048  }
0xb3: {  	_ =	swait.ge [sflag:s29], $0x1  }
0xb4: {  	[sflag:s29] =	ssyncadd.s32 $0xFFFFFFFF  }
0xb5: {  	_ =	strace $0x90000048  }
0xb6: {  	_ =	sfence  }
0xb7: {  	s30 =	sld [smem:$0x0];
	_ =	sdelay $0x2  }
0xb8: {  	s31 =	sshll.u32 s1, $0xD;
	s1 =	sshrl.u32 s1, $0x2  }
0xb9: {  	s3 =	sand.u32 $0x4000, s31;
	s1 =	sadd.s32 s1, s30  }
0xba: {  	s0 =	sor.u32 s3, s0;
	s1 =	sshll.u32 s1, $0x11  }
0xbb: {  	s0 =	sor.u32 s1, s0  }
0xbc: {  	s0 =	sadd.s32 $0x8F2B, s0  }
0xbd: {  	[sflag:s0] =	ssyncadd.remote.s32 $0x1  }
0xbe: {  	_ =	sfence.sel $0xFFFF  }
0xbf: {  	[dreg:$0x0] =	wrdreg $0xFFFFFFFF;
	(pc) =	sbr.abs _section_cstart, $3  }
0xc0: {  	[dreg:$0x1] =	wrdreg $0xFFFFFFFF  }
0xc1: {  	_ =	task.clear_ibuf [dreg:s7], $0x2FFFF;
	_ =	strace $0x9FFFFFFF  }
0xc2: {  	(tm) =	ssettm $0x7FFFFFFF  }
0xc3: {  	_ =	shalt  }
tec
execute0_lowered:
.L_overlay_start_1:
0x0: {  	(tag) =	ssettag $0x1  }
0x1: {  	s6 =	rddreg [dreg:$0x0];
	s1 =	srdreg.scid  }
0x2: {  	s0 =	stileid.u32;
	s2 =	rddreg [dreg:$0x1];
	s3 =	simm.s32 $0x0  }
0x3: {  	s11 =	simm.s32 $0x1B00;
	s12 =	simm.s32 $0xE00;
	s13 =	simm.s32 $0x2900  }
0x4: {  	s4 =	sand.u32 $0x1, s1;
	s5 =	sshll.u32 s0, $0x1;
	s1 =	rddreg [dreg:$0x2]  }
0x5: {  	s14 =	simm.s32 $0x1;
	[smem:$0x7FF] =	sst s3;
	s5 =	sor.u32 s4, s5  }
0x6: {  	_ =	strace $0x80000047;
	s9 =	ssub.s32 $0x2, s4;
	s7 =	smul.u32 $0x1A0, s5  }
0x7: {  	s4 =	sadd.s32 $0x2200, s6;
	s8 =	smul.u32 $0x3800, s5;
	s10 =	sshrl.u32 s9, $0x1  }
0x8: {  	s5 =	sadd.s32 $0x1EE00, s6;
	s9 =	ssub.s32 s9, s10;
	s7 =	sadd.s32 s7, s6  }
0x9: {  	s10 =	simm.s32 $0xD00;
	s8 =	sadd.s32 s8, s6;
	s6 =	sadd.s32 $0x1BA00, s7  }
0xa: {  	s7 =	sadd.s32 $0x1F000, s8;
	s8 =	smax.u32 s9, $0x1;
	s9 =	simm.s32 $0x2  }
.LBB2_1:
0xb: {  	[tilespmem:s3], [sflag:$0x2] =	stream.linear.gather [hbm4b:s6+s3], $0xD00, $0x38;
	[tilespmem:$0x1E900] =	vst v63  }
0xc: {  	_ =	swait.ge [sflag:s9], $0xD00  }
0xd: {  	[sflag:s9] =	ssyncset.done $0x0  }
0xe: {  	[sflag:s9] =	ssyncadd.s32 $0xFFFFF300  }
0xf: {  	[tilespmem:s10], [sflag:$0x2] =	stream.linear.gather [hbm4b:s2+s3], $0xE00, $0x38;
	[tilespmem:$0x1E900] =	vst v63  }
0x10: {  	_ =	swait.ge [sflag:s9], $0xE00  }
0x11: {  	[sflag:s9] =	ssyncset.done $0x0  }
0x12: {  	[sflag:s9] =	ssyncadd.s32 $0xFFFFF200  }
0x13: {  	[tilespmem:s11], [sflag:$0x2] =	stream.linear.gather [hbm4b:s5+s3], $0xE00, $0x38;
	[tilespmem:$0x1E900] =	vst v63  }
0x14: {  	_ =	swait.ge [sflag:s9], $0xE00  }
0x15: {  	[sflag:s9] =	ssyncset.done $0x0  }
0x16: {  	[sflag:s9] =	ssyncadd.s32 $0xFFFFF200  }
0x17: {  	v0 =	vld [tilespmem:$0xD00];
	_ =	sdelay $0x5  }
0x18: {  	v1 =	vld [tilespmem:$0xD10]  }
0x19: {  	v2 =	vld [tilespmem:$0x1B00]  }
0x1a: {  	v0 =	vld.idx.msk [tilespmem:v0+s3+$0x0], $0xffff;
	_ =	sdelay $0x4  }
0x1b: {  	v40 =	vld [tilespmem:$0xD20];
	v0 =	vadd.s32 v0, v2  }
0x1c: {  	v41 =	vld [tilespmem:$0x1B10];
	[tilespmem:$0xD00] =	vst v0  }
0x1d: {  	v0 =	vld.idx.msk [tilespmem:v1+s3+$0x0], $0xffff;
	_ =	sdelay $0x4  }
0x1e: {  	v42 =	vld [tilespmem:$0xD30];
	v0 =	vadd.s32 v0, v41  }
0x1f: {  	v43 =	vld [tilespmem:$0x1B20];
	[tilespmem:$0xD10] =	vst v0  }
0x20: {  	v0 =	vld.idx.msk [tilespmem:v40+s3+$0x0], $0xffff;
	_ =	sdelay $0x4  }
0x21: {  	v44 =	vld [tilespmem:$0xD40];
	v0 =	vadd.s32 v0, v43  }
0x22: {  	v45 =	vld [tilespmem:$0x1B30];
	[tilespmem:$0xD20] =	vst v0  }
0x23: {  	v0 =	vld.idx.msk [tilespmem:v42+s3+$0x0], $0xffff;
	_ =	sdelay $0x4  }
0x24: {  	v46 =	vld [tilespmem:$0xD50];
	v0 =	vadd.s32 v0, v45  }
0x25: {  	v47 =	vld [tilespmem:$0x1B40];
	[tilespmem:$0xD30] =	vst v0  }
0x26: {  	v0 =	vld.idx.msk [tilespmem:v44+s3+$0x0], $0xffff;
	_ =	sdelay $0x4  }
0x27: {  	v48 =	vld [tilespmem:$0xD60];
	v0 =	vadd.s32 v0, v47  }
0x28: {  	v49 =	vld [tilespmem:$0x1B50];
	[tilespmem:$0xD40] =	vst v0  }
0x29: {  	v0 =	vld.idx.msk [tilespmem:v46+s3+$0x0], $0xffff;
	_ =	sdelay $0x4  }
0x2a: {  	v50 =	vld [tilespmem:$0xD70];
	v0 =	vadd.s32 v0, v49  }
0x2b: {  	v51 =	vld [tilespmem:$0x1B60];
	[tilespmem:$0xD50] =	vst v0  }
0x2c: {  	v0 =	vld.idx.msk [tilespmem:v48+s3+$0x0], $0xffff;
	_ =	sdelay $0x4  }
0x2d: {  	v52 =	vld [tilespmem:$0xD80];
	v0 =	vadd.s32 v0, v51  }
0x2e: {  	v53 =	vld [tilespmem:$0x1B70];
	[tilespmem:$0xD60] =	vst v0  }
0x2f: {  	v0 =	vld.idx.msk [tilespmem:v50+s3+$0x0], $0xffff;
	_ =	sdelay $0x4  }
0x30: {  	v54 =	vld [tilespmem:$0xD90];
	v0 =	vadd.s32 v0, v53  }
0x31: {  	v55 =	vld [tilespmem:$0x1B80];
	[tilespmem:$0xD70] =	vst v0  }
0x32: {  	v0 =	vld.idx.msk [tilespmem:v52+s3+$0x0], $0xffff;
	_ =	sdelay $0x4  }
0x33: {  	v56 =	vld [tilespmem:$0xDA0];
	v0 =	vadd.s32 v0, v55  }
0x34: {  	v57 =	vld [tilespmem:$0x1B90];
	[tilespmem:$0xD80] =	vst v0  }
0x35: {  	v0 =	vld.idx.msk [tilespmem:v54+s3+$0x0], $0xffff;
	_ =	sdelay $0x4  }
0x36: {  	v58 =	vld [tilespmem:$0xDB0];
	v0 =	vadd.s32 v0, v57  }
0x37: {  	v59 =	vld [tilespmem:$0x1BA0];
	[tilespmem:$0xD90] =	vst v0  }
0x38: {  	v0 =	vld.idx.msk [tilespmem:v56+s3+$0x0], $0xffff;
	_ =	sdelay $0x4  }
0x39: {  	v60 =	vld [tilespmem:$0xDC0];
	v0 =	vadd.s32 v0, v59  }
0x3a: {  	v61 =	vld [tilespmem:$0x1BB0];
	[tilespmem:$0xDA0] =	vst v0  }
0x3b: {  	v0 =	vld.idx.msk [tilespmem:v58+s3+$0x0], $0xffff;
	_ =	sdelay $0x4  }
0x3c: {  	v62 =	vld [tilespmem:$0xDD0];
	v0 =	vadd.s32 v0, v61  }
0x3d: {  	v63 =	vld [tilespmem:$0x1BC0];
	[tilespmem:$0xDB0] =	vst v0  }
0x3e: {  	v0 =	vld.idx.msk [tilespmem:v60+s3+$0x0], $0xffff;
	_ =	sdelay $0x4  }
0x3f: {  	v4 =	vld [tilespmem:$0xDE0];
	v0 =	vadd.s32 v0, v63  }
0x40: {  	v5 =	vld [tilespmem:$0x1BD0];
	[tilespmem:$0xDC0] =	vst v0  }
0x41: {  	v0 =	vld.idx.msk [tilespmem:v62+s3+$0x0], $0xffff;
	_ =	sdelay $0x4  }
0x42: {  	v6 =	vld [tilespmem:$0xDF0];
	v0 =	vadd.s32 v0, v5  }
0x43: {  	v7 =	vld [tilespmem:$0x1BE0];
	[tilespmem:$0xDD0] =	vst v0  }
0x44: {  	v0 =	vld.idx.msk [tilespmem:v4+s3+$0x0], $0xffff;
	_ =	sdelay $0x4  }
0x45: {  	v8 =	vld [tilespmem:$0xE00];
	v0 =	vadd.s32 v0, v7  }
0x46: {  	v9 =	vld [tilespmem:$0x1BF0];
	[tilespmem:$0xDE0] =	vst v0  }
0x47: {  	v0 =	vld.idx.msk [tilespmem:v6+s3+$0x0], $0xffff;
	_ =	sdelay $0x4  }
0x48: {  	v10 =	vld [tilespmem:$0xE10];
	v0 =	vadd.s32 v0, v9  }
0x49: {  	v11 =	vld [tilespmem:$0x1C00];
	[tilespmem:$0xDF0] =	vst v0  }
0x4a: {  	v0 =	vld.idx.msk [tilespmem:v8+s3+$0x0], $0xffff;
	_ =	sdelay $0x4  }
0x4b: {  	v12 =	vld [tilespmem:$0xE20];
	v0 =	vadd.s32 v0, v11  }
0x4c: {  	v13 =	vld [tilespmem:$0x1C10];
	[tilespmem:$0xE00] =	vst v0  }
0x4d: {  	v0 =	vld.idx.msk [tilespmem:v10+s3+$0x0], $0xffff;
	_ =	sdelay $0x4  }
0x4e: {  	v14 =	vld [tilespmem:$0xE30];
	v0 =	vadd.s32 v0, v13  }
0x4f: {  	v15 =	vld [tilespmem:$0x1C20];
	[tilespmem:$0xE10] =	vst v0  }
0x50: {  	v0 =	vld.idx.msk [tilespmem:v12+s3+$0x0], $0xffff;
	_ =	sdelay $0x4  }
0x51: {  	v16 =	vld [tilespmem:$0xE40];
	v0 =	vadd.s32 v0, v15  }
0x52: {  	v17 =	vld [tilespmem:$0x1C30];
	[tilespmem:$0xE20] =	vst v0  }
0x53: {  	v0 =	vld.idx.msk [tilespmem:v14+s3+$0x0], $0xffff;
	_ =	sdelay $0x4  }
0x54: {  	v18 =	vld [tilespmem:$0xE50];
	v0 =	vadd.s32 v0, v17  }
0x55: {  	v19 =	vld [tilespmem:$0x1C40];
	[tilespmem:$0xE30] =	vst v0  }
0x56: {  	v0 =	vld.idx.msk [tilespmem:v16+s3+$0x0], $0xffff;
	_ =	sdelay $0x4  }
0x57: {  	v20 =	vld [tilespmem:$0xE60];
	v0 =	vadd.s32 v0, v19  }
0x58: {  	v21 =	vld [tilespmem:$0x1C50];
	[tilespmem:$0xE40] =	vst v0  }
0x59: {  	v0 =	vld.idx.msk [tilespmem:v18+s3+$0x0], $0xffff;
	_ =	sdelay $0x4  }
0x5a: {  	v22 =	vld [tilespmem:$0xE70];
	v0 =	vadd.s32 v0, v21  }
0x5b: {  	v23 =	vld [tilespmem:$0x1C60];
	[tilespmem:$0xE50] =	vst v0  }
0x5c: {  	v0 =	vld.idx.msk [tilespmem:v20+s3+$0x0], $0xffff;
	_ =	sdelay $0x4  }
0x5d: {  	v24 =	vld [tilespmem:$0xE80];
	v0 =	vadd.s32 v0, v23  }
0x5e: {  	v25 =	vld [tilespmem:$0x1C70];
	[tilespmem:$0xE60] =	vst v0  }
0x5f: {  	v0 =	vld.idx.msk [tilespmem:v22+s3+$0x0], $0xffff;
	_ =	sdelay $0x4  }
0x60: {  	v26 =	vld [tilespmem:$0xE90];
	v0 =	vadd.s32 v0, v25  }
0x61: {  	v27 =	vld [tilespmem:$0x1C80];
	[tilespmem:$0xE70] =	vst v0  }
0x62: {  	v0 =	vld.idx.msk [tilespmem:v24+s3+$0x0], $0xffff;
	_ =	sdelay $0x4  }
0x63: {  	v28 =	vld [tilespmem:$0xEA0];
	v0 =	vadd.s32 v0, v27  }
0x64: {  	v29 =	vld [tilespmem:$0x1C90];
	[tilespmem:$0xE80] =	vst v0  }
0x65: {  	v0 =	vld.idx.msk [tilespmem:v26+s3+$0x0], $0xffff;
	_ =	sdelay $0x4  }
0x66: {  	v30 =	vld [tilespmem:$0xEB0];
	v0 =	vadd.s32 v0, v29  }
0x67: {  	v31 =	vld [tilespmem:$0x1CA0];
	[tilespmem:$0xE90] =	vst v0  }
0x68: {  	v0 =	vld.idx.msk [tilespmem:v28+s3+$0x0], $0xffff;
	_ =	sdelay $0x4  }
0x69: {  	v32 =	vld [tilespmem:$0xEC0];
	v0 =	vadd.s32 v0, v31  }
0x6a: {  	v33 =	vld [tilespmem:$0x1CB0];
	[tilespmem:$0xEA0] =	vst v0  }
0x6b: {  	v0 =	vld.idx.msk [tilespmem:v30+s3+$0x0], $0xffff;
	_ =	sdelay $0x4  }
0x6c: {  	v34 =	vld [tilespmem:$0xED0];
	v0 =	vadd.s32 v0, v33  }
0x6d: {  	v35 =	vld [tilespmem:$0x1CC0];
	[tilespmem:$0xEB0] =	vst v0  }
0x6e: {  	v0 =	vld.idx.msk [tilespmem:v32+s3+$0x0], $0xffff;
	_ =	sdelay $0x4  }
0x6f: {  	v36 =	vld [tilespmem:$0xEE0];
	v0 =	vadd.s32 v0, v35  }
0x70: {  	v37 =	vld [tilespmem:$0x1CD0];
	[tilespmem:$0xEC0] =	vst v0  }
0x71: {  	v0 =	vld.idx.msk [tilespmem:v34+s3+$0x0], $0xffff;
	_ =	sdelay $0x4  }
0x72: {  	v38 =	vld [tilespmem:$0xEF0];
	v0 =	vadd.s32 v0, v37  }
0x73: {  	v39 =	vld [tilespmem:$0x1CE0];
	[tilespmem:$0xED0] =	vst v0  }
0x74: {  	v0 =	vld.idx.msk [tilespmem:v36+s3+$0x0], $0xffff;
	_ =	sdelay $0x4  }
0x75: {  	v41 =	vld [tilespmem:$0x1CF0];
	v0 =	vadd.s32 v0, v39  }
0x76: {  	v40 =	vld [tilespmem:$0xF00];
	[tilespmem:$0xEE0] =	vst v0  }
0x77: {  	v0 =	vld.idx.msk [tilespmem:v38+s3+$0x0], $0xffff;
	_ =	sdelay $0x4  }
0x78: {  	v43 =	vld [tilespmem:$0x1D00];
	v0 =	vadd.s32 v0, v41  }
0x79: {  	v42 =	vld [tilespmem:$0xF10];
	[tilespmem:$0xEF0] =	vst v0  }
0x7a: {  	v0 =	vld.idx.msk [tilespmem:v40+s3+$0x0], $0xffff;
	_ =	sdelay $0x4  }
0x7b: {  	v45 =	vld [tilespmem:$0x1D10];
	v0 =	vadd.s32 v0, v43  }
0x7c: {  	v44 =	vld [tilespmem:$0xF20];
	[tilespmem:$0xF00] =	vst v0  }
0x7d: {  	v0 =	vld.idx.msk [tilespmem:v42+s3+$0x0], $0xffff;
	_ =	sdelay $0x4  }
0x7e: {  	v47 =	vld [tilespmem:$0x1D20];
	v0 =	vadd.s32 v0, v45  }
0x7f: {  	v46 =	vld [tilespmem:$0xF30];
	[tilespmem:$0xF10] =	vst v0  }
0x80: {  	v0 =	vld.idx.msk [tilespmem:v44+s3+$0x0], $0xffff;
	_ =	sdelay $0x4  }
0x81: {  	v49 =	vld [tilespmem:$0x1D30];
	v0 =	vadd.s32 v0, v47  }
0x82: {  	v48 =	vld [tilespmem:$0xF40];
	[tilespmem:$0xF20] =	vst v0  }
0x83: {  	v0 =	vld.idx.msk [tilespmem:v46+s3+$0x0], $0xffff;
	_ =	sdelay $0x4  }
0x84: {  	v51 =	vld [tilespmem:$0x1D40];
	v0 =	vadd.s32 v0, v49  }
0x85: {  	v50 =	vld [tilespmem:$0xF50];
	[tilespmem:$0xF30] =	vst v0  }
0x86: {  	v0 =	vld.idx.msk [tilespmem:v48+s3+$0x0], $0xffff;
	_ =	sdelay $0x4  }
0x87: {  	v53 =	vld [tilespmem:$0x1D50];
	v0 =	vadd.s32 v0, v51  }
0x88: {  	v52 =	vld [tilespmem:$0xF60];
	[tilespmem:$0xF40] =	vst v0  }
0x89: {  	v0 =	vld.idx.msk [tilespmem:v50+s3+$0x0], $0xffff;
	_ =	sdelay $0x4  }
0x8a: {  	v55 =	vld [tilespmem:$0x1D60];
	v0 =	vadd.s32 v0, v53  }
0x8b: {  	v54 =	vld [tilespmem:$0xF70];
	[tilespmem:$0xF50] =	vst v0  }
0x8c: {  	v0 =	vld.idx.msk [tilespmem:v52+s3+$0x0], $0xffff;
	_ =	sdelay $0x4  }
0x8d: {  	v57 =	vld [tilespmem:$0x1D70];
	v0 =	vadd.s32 v0, v55  }
0x8e: {  	v56 =	vld [tilespmem:$0xF80];
	[tilespmem:$0xF60] =	vst v0  }
0x8f: {  	v0 =	vld.idx.msk [tilespmem:v54+s3+$0x0], $0xffff;
	_ =	sdelay $0x4  }
0x90: {  	v59 =	vld [tilespmem:$0x1D80];
	v0 =	vadd.s32 v0, v57  }
0x91: {  	v58 =	vld [tilespmem:$0xF90];
	[tilespmem:$0xF70] =	vst v0  }
0x92: {  	v0 =	vld.idx.msk [tilespmem:v56+s3+$0x0], $0xffff;
	_ =	sdelay $0x4  }
0x93: {  	v61 =	vld [tilespmem:$0x1D90];
	v0 =	vadd.s32 v0, v59  }
0x94: {  	v60 =	vld [tilespmem:$0xFA0];
	[tilespmem:$0xF80] =	vst v0  }
0x95: {  	v0 =	vld.idx.msk [tilespmem:v58+s3+$0x0], $0xffff;
	_ =	sdelay $0x4  }
0x96: {  	v63 =	vld [tilespmem:$0x1DA0];
	v0 =	vadd.s32 v0, v61  }
0x97: {  	v62 =	vld [tilespmem:$0xFB0];
	[tilespmem:$0xF90] =	vst v0  }
0x98: {  	v0 =	vld.idx.msk [tilespmem:v60+s3+$0x0], $0xffff;
	_ =	sdelay $0x4  }
0x99: {  	v5 =	vld [tilespmem:$0x1DB0];
	v0 =	vadd.s32 v0, v63  }
0x9a: {  	v4 =	vld [tilespmem:$0xFC0];
	[tilespmem:$0xFA0] =	vst v0  }
0x9b: {  	v0 =	vld.idx.msk [tilespmem:v62+s3+$0x0], $0xffff;
	_ =	sdelay $0x4  }
0x9c: {  	v7 =	vld [tilespmem:$0x1DC0];
	v0 =	vadd.s32 v0, v5  }
0x9d: {  	v6 =	vld [tilespmem:$0xFD0];
	[tilespmem:$0xFB0] =	vst v0  }
0x9e: {  	v0 =	vld.idx.msk [tilespmem:v4+s3+$0x0], $0xffff;
	_ =	sdelay $0x4  }
0x9f: {  	v9 =	vld [tilespmem:$0x1DD0];
	v0 =	vadd.s32 v0, v7  }
0xa0: {  	v8 =	vld [tilespmem:$0xFE0];
	[tilespmem:$0xFC0] =	vst v0  }
0xa1: {  	v0 =	vld.idx.msk [tilespmem:v6+s3+$0x0], $0xffff;
	_ =	sdelay $0x4  }
0xa2: {  	v11 =	vld [tilespmem:$0x1DE0];
	v0 =	vadd.s32 v0, v9  }
0xa3: {  	v10 =	vld [tilespmem:$0xFF0];
	[tilespmem:$0xFD0] =	vst v0  }
0xa4: {  	v0 =	vld.idx.msk [tilespmem:v8+s3+$0x0], $0xffff;
	_ =	sdelay $0x4  }
0xa5: {  	v13 =	vld [tilespmem:$0x1DF0];
	v0 =	vadd.s32 v0, v11  }
0xa6: {  	v12 =	vld [tilespmem:$0x1000];
	[tilespmem:$0xFE0] =	vst v0  }
0xa7: {  	v0 =	vld.idx.msk [tilespmem:v10+s3+$0x0], $0xffff;
	_ =	sdelay $0x4  }
0xa8: {  	v15 =	vld [tilespmem:$0x1E00];
	v0 =	vadd.s32 v0, v13  }
0xa9: {  	v14 =	vld [tilespmem:$0x1010];
	[tilespmem:$0xFF0] =	vst v0  }
0xaa: {  	v0 =	vld.idx.msk [tilespmem:v12+s3+$0x0], $0xffff;
	_ =	sdelay $0x4  }
0xab: {  	v17 =	vld [tilespmem:$0x1E10];
	v0 =	vadd.s32 v0, v15  }
0xac: {  	v16 =	vld [tilespmem:$0x1020];
	[tilespmem:$0x1000] =	vst v0  }
0xad: {  	v0 =	vld.idx.msk [tilespmem:v14+s3+$0x0], $0xffff;
	_ =	sdelay $0x4  }
0xae: {  	v19 =	vld [tilespmem:$0x1E20];
	v0 =	vadd.s32 v0, v17  }
0xaf: {  	v18 =	vld [tilespmem:$0x1030];
	[tilespmem:$0x1010] =	vst v0  }
0xb0: {  	v0 =	vld.idx.msk [tilespmem:v16+s3+$0x0], $0xffff;
	_ =	sdelay $0x4  }
0xb1: {  	v21 =	vld [tilespmem:$0x1E30];
	v0 =	vadd.s32 v0, v19  }
0xb2: {  	v20 =	vld [tilespmem:$0x1040];
	[tilespmem:$0x1020] =	vst v0  }
0xb3: {  	v0 =	vld.idx.msk [tilespmem:v18+s3+$0x0], $0xffff;
	_ =	sdelay $0x4  }
0xb4: {  	v23 =	vld [tilespmem:$0x1E40];
	v0 =	vadd.s32 v0, v21  }
0xb5: {  	v22 =	vld [tilespmem:$0x1050];
	[tilespmem:$0x1030] =	vst v0  }
0xb6: {  	v0 =	vld.idx.msk [tilespmem:v20+s3+$0x0], $0xffff;
	_ =	sdelay $0x4  }
0xb7: {  	v25 =	vld [tilespmem:$0x1E50];
	v0 =	vadd.s32 v0, v23  }
0xb8: {  	v24 =	vld [tilespmem:$0x1060];
	[tilespmem:$0x1040] =	vst v0  }
0xb9: {  	v0 =	vld.idx.msk [tilespmem:v22+s3+$0x0], $0xffff;
	_ =	sdelay $0x4  }
0xba: {  	v27 =	vld [tilespmem:$0x1E60];
	v0 =	vadd.s32 v0, v25  }
0xbb: {  	v26 =	vld [tilespmem:$0x1070];
	[tilespmem:$0x1050] =	vst v0  }
0xbc: {  	v0 =	vld.idx.msk [tilespmem:v24+s3+$0x0], $0xffff;
	_ =	sdelay $0x4  }
0xbd: {  	v29 =	vld [tilespmem:$0x1E70];
	v0 =	vadd.s32 v0, v27  }
0xbe: {  	v28 =	vld [tilespmem:$0x1080];
	[tilespmem:$0x1060] =	vst v0  }
0xbf: {  	v0 =	vld.idx.msk [tilespmem:v26+s3+$0x0], $0xffff;
	_ =	sdelay $0x4  }
0xc0: {  	v31 =	vld [tilespmem:$0x1E80];
	v0 =	vadd.s32 v0, v29  }
0xc1: {  	v30 =	vld [tilespmem:$0x1090];
	[tilespmem:$0x1070] =	vst v0  }
0xc2: {  	v0 =	vld.idx.msk [tilespmem:v28+s3+$0x0], $0xffff;
	_ =	sdelay $0x4  }
0xc3: {  	v33 =	vld [tilespmem:$0x1E90];
	v0 =	vadd.s32 v0, v31  }
0xc4: {  	v32 =	vld [tilespmem:$0x10A0];
	[tilespmem:$0x1080] =	vst v0  }
0xc5: {  	v0 =	vld.idx.msk [tilespmem:v30+s3+$0x0], $0xffff;
	_ =	sdelay $0x4  }
0xc6: {  	v35 =	vld [tilespmem:$0x1EA0];
	v0 =	vadd.s32 v0, v33  }
0xc7: {  	v34 =	vld [tilespmem:$0x10B0];
	[tilespmem:$0x1090] =	vst v0  }
0xc8: {  	v0 =	vld.idx.msk [tilespmem:v32+s3+$0x0], $0xffff;
	_ =	sdelay $0x4  }
0xc9: {  	v37 =	vld [tilespmem:$0x1EB0];
	v0 =	vadd.s32 v0, v35  }
0xca: {  	v36 =	vld [tilespmem:$0x10C0];
	[tilespmem:$0x10A0] =	vst v0  }
0xcb: {  	v0 =	vld.idx.msk [tilespmem:v34+s3+$0x0], $0xffff;
	_ =	sdelay $0x4  }
0xcc: {  	v39 =	vld [tilespmem:$0x1EC0];
	v0 =	vadd.s32 v0, v37  }
0xcd: {  	v38 =	vld [tilespmem:$0x10D0];
	[tilespmem:$0x10B0] =	vst v0  }
0xce: {  	v0 =	vld.idx.msk [tilespmem:v36+s3+$0x0], $0xffff;
	_ =	sdelay $0x4  }
0xcf: {  	v41 =	vld [tilespmem:$0x1ED0];
	v0 =	vadd.s32 v0, v39  }
0xd0: {  	v40 =	vld [tilespmem:$0x10E0];
	[tilespmem:$0x10C0] =	vst v0  }
0xd1: {  	v0 =	vld.idx.msk [tilespmem:v38+s3+$0x0], $0xffff;
	_ =	sdelay $0x4  }
0xd2: {  	v43 =	vld [tilespmem:$0x1EE0];
	v0 =	vadd.s32 v0, v41  }
0xd3: {  	v42 =	vld [tilespmem:$0x10F0];
	[tilespmem:$0x10D0] =	vst v0  }
0xd4: {  	v0 =	vld.idx.msk [tilespmem:v40+s3+$0x0], $0xffff;
	_ =	sdelay $0x4  }
0xd5: {  	v45 =	vld [tilespmem:$0x1EF0];
	v0 =	vadd.s32 v0, v43  }
0xd6: {  	v44 =	vld [tilespmem:$0x1100];
	[tilespmem:$0x10E0] =	vst v0  }
0xd7: {  	v0 =	vld.idx.msk [tilespmem:v42+s3+$0x0], $0xffff;
	_ =	sdelay $0x4  }
0xd8: {  	v47 =	vld [tilespmem:$0x1F00];
	v0 =	vadd.s32 v0, v45  }
0xd9: {  	v46 =	vld [tilespmem:$0x1110];
	[tilespmem:$0x10F0] =	vst v0  }
0xda: {  	v0 =	vld.idx.msk [tilespmem:v44+s3+$0x0], $0xffff;
	_ =	sdelay $0x4  }
0xdb: {  	v49 =	vld [tilespmem:$0x1F10];
	v0 =	vadd.s32 v0, v47  }
0xdc: {  	v48 =	vld [tilespmem:$0x1120];
	[tilespmem:$0x1100] =	vst v0  }
0xdd: {  	v0 =	vld.idx.msk [tilespmem:v46+s3+$0x0], $0xffff;
	_ =	sdelay $0x4  }
0xde: {  	v51 =	vld [tilespmem:$0x1F20];
	v0 =	vadd.s32 v0, v49  }
0xdf: {  	v50 =	vld [tilespmem:$0x1130];
	[tilespmem:$0x1110] =	vst v0  }
0xe0: {  	v0 =	vld.idx.msk [tilespmem:v48+s3+$0x0], $0xffff;
	_ =	sdelay $0x4  }
0xe1: {  	v53 =	vld [tilespmem:$0x1F30];
	v0 =	vadd.s32 v0, v51  }
0xe2: {  	v52 =	vld [tilespmem:$0x1140];
	[tilespmem:$0x1120] =	vst v0  }
0xe3: {  	v0 =	vld.idx.msk [tilespmem:v50+s3+$0x0], $0xffff;
	_ =	sdelay $0x4  }
0xe4: {  	v55 =	vld [tilespmem:$0x1F40];
	v0 =	vadd.s32 v0, v53  }
0xe5: {  	v54 =	vld [tilespmem:$0x1150];
	[tilespmem:$0x1130] =	vst v0  }
0xe6: {  	v0 =	vld.idx.msk [tilespmem:v52+s3+$0x0], $0xffff;
	_ =	sdelay $0x4  }
0xe7: {  	v57 =	vld [tilespmem:$0x1F50];
	v0 =	vadd.s32 v0, v55  }
0xe8: {  	v56 =	vld [tilespmem:$0x1160];
	[tilespmem:$0x1140] =	vst v0  }
0xe9: {  	v0 =	vld.idx.msk [tilespmem:v54+s3+$0x0], $0xffff;
	_ =	sdelay $0x4  }
0xea: {  	v59 =	vld [tilespmem:$0x1F60];
	v0 =	vadd.s32 v0, v57  }
0xeb: {  	v58 =	vld [tilespmem:$0x1170];
	[tilespmem:$0x1150] =	vst v0  }
0xec: {  	v0 =	vld.idx.msk [tilespmem:v56+s3+$0x0], $0xffff;
	_ =	sdelay $0x4  }
0xed: {  	v61 =	vld [tilespmem:$0x1F70];
	v0 =	vadd.s32 v0, v59  }
0xee: {  	v60 =	vld [tilespmem:$0x1180];
	[tilespmem:$0x1160] =	vst v0  }
0xef: {  	v0 =	vld.idx.msk [tilespmem:v58+s3+$0x0], $0xffff;
	_ =	sdelay $0x4  }
0xf0: {  	v63 =	vld [tilespmem:$0x1F80];
	v0 =	vadd.s32 v0, v61  }
0xf1: {  	v62 =	vld [tilespmem:$0x1190];
	[tilespmem:$0x1170] =	vst v0  }
0xf2: {  	v0 =	vld.idx.msk [tilespmem:v60+s3+$0x0], $0xffff;
	_ =	sdelay $0x4  }
0xf3: {  	v5 =	vld [tilespmem:$0x1F90];
	v0 =	vadd.s32 v0, v63  }
0xf4: {  	v4 =	vld [tilespmem:$0x11A0];
	[tilespmem:$0x1180] =	vst v0  }
0xf5: {  	v0 =	vld.idx.msk [tilespmem:v62+s3+$0x0], $0xffff;
	_ =	sdelay $0x4  }
0xf6: {  	v7 =	vld [tilespmem:$0x1FA0];
	v0 =	vadd.s32 v0, v5  }
0xf7: {  	v6 =	vld [tilespmem:$0x11B0];
	[tilespmem:$0x1190] =	vst v0  }
0xf8: {  	v0 =	vld.idx.msk [tilespmem:v4+s3+$0x0], $0xffff;
	_ =	sdelay $0x4  }
0xf9: {  	v9 =	vld [tilespmem:$0x1FB0];
	v0 =	vadd.s32 v0, v7  }
0xfa: {  	v8 =	vld [tilespmem:$0x11C0];
	[tilespmem:$0x11A0] =	vst v0  }
0xfb: {  	v0 =	vld.idx.msk [tilespmem:v6+s3+$0x0], $0xffff;
	_ =	sdelay $0x4  }
0xfc: {  	v11 =	vld [tilespmem:$0x1FC0];
	v0 =	vadd.s32 v0, v9  }
0xfd: {  	v10 =	vld [tilespmem:$0x11D0];
	[tilespmem:$0x11B0] =	vst v0  }
0xfe: {  	v0 =	vld.idx.msk [tilespmem:v8+s3+$0x0], $0xffff;
	_ =	sdelay $0x4  }
0xff: {  	v13 =	vld [tilespmem:$0x1FD0];
	v0 =	vadd.s32 v0, v11  }
0x100: {  	v12 =	vld [tilespmem:$0x11E0];
	[tilespmem:$0x11C0] =	vst v0  }
0x101: {  	v0 =	vld.idx.msk [tilespmem:v10+s3+$0x0], $0xffff;
	_ =	sdelay $0x4  }
0x102: {  	v15 =	vld [tilespmem:$0x1FE0];
	v0 =	vadd.s32 v0, v13  }
0x103: {  	v14 =	vld [tilespmem:$0x11F0];
	[tilespmem:$0x11D0] =	vst v0  }
0x104: {  	v0 =	vld.idx.msk [tilespmem:v12+s3+$0x0], $0xffff;
	_ =	sdelay $0x4  }
0x105: {  	v17 =	vld [tilespmem:$0x1FF0];
	v0 =	vadd.s32 v0, v15  }
0x106: {  	v16 =	vld [tilespmem:$0x1200];
	[tilespmem:$0x11E0] =	vst v0  }
0x107: {  	v0 =	vld.idx.msk [tilespmem:v14+s3+$0x0], $0xffff;
	_ =	sdelay $0x4  }
0x108: {  	v19 =	vld [tilespmem:$0x2000];
	v0 =	vadd.s32 v0, v17  }
0x109: {  	v18 =	vld [tilespmem:$0x1210];
	[tilespmem:$0x11F0] =	vst v0  }
0x10a: {  	v0 =	vld.idx.msk [tilespmem:v16+s3+$0x0], $0xffff;
	_ =	sdelay $0x4  }
0x10b: {  	v21 =	vld [tilespmem:$0x2010];
	v0 =	vadd.s32 v0, v19  }
0x10c: {  	v20 =	vld [tilespmem:$0x1220];
	[tilespmem:$0x1200] =	vst v0  }
0x10d: {  	v0 =	vld.idx.msk [tilespmem:v18+s3+$0x0], $0xffff;
	_ =	sdelay $0x4  }
0x10e: {  	v23 =	vld [tilespmem:$0x2020];
	v0 =	vadd.s32 v0, v21  }
0x10f: {  	v22 =	vld [tilespmem:$0x1230];
	[tilespmem:$0x1210] =	vst v0  }
0x110: {  	v0 =	vld.idx.msk [tilespmem:v20+s3+$0x0], $0xffff;
	_ =	sdelay $0x4  }
0x111: {  	v25 =	vld [tilespmem:$0x2030];
	v0 =	vadd.s32 v0, v23  }
0x112: {  	v24 =	vld [tilespmem:$0x1240];
	[tilespmem:$0x1220] =	vst v0  }
0x113: {  	v0 =	vld.idx.msk [tilespmem:v22+s3+$0x0], $0xffff;
	_ =	sdelay $0x4  }
0x114: {  	v27 =	vld [tilespmem:$0x2040];
	v0 =	vadd.s32 v0, v25  }
0x115: {  	v26 =	vld [tilespmem:$0x1250];
	[tilespmem:$0x1230] =	vst v0  }
0x116: {  	v0 =	vld.idx.msk [tilespmem:v24+s3+$0x0], $0xffff;
	_ =	sdelay $0x4  }
0x117: {  	v29 =	vld [tilespmem:$0x2050];
	v0 =	vadd.s32 v0, v27  }
0x118: {  	v28 =	vld [tilespmem:$0x1260];
	[tilespmem:$0x1240] =	vst v0  }
0x119: {  	v0 =	vld.idx.msk [tilespmem:v26+s3+$0x0], $0xffff;
	_ =	sdelay $0x4  }
0x11a: {  	v31 =	vld [tilespmem:$0x2060];
	v0 =	vadd.s32 v0, v29  }
0x11b: {  	v30 =	vld [tilespmem:$0x1270];
	[tilespmem:$0x1250] =	vst v0  }
0x11c: {  	v0 =	vld.idx.msk [tilespmem:v28+s3+$0x0], $0xffff;
	_ =	sdelay $0x4  }
0x11d: {  	v33 =	vld [tilespmem:$0x2070];
	v0 =	vadd.s32 v0, v31  }
0x11e: {  	v32 =	vld [tilespmem:$0x1280];
	[tilespmem:$0x1260] =	vst v0  }
0x11f: {  	v0 =	vld.idx.msk [tilespmem:v30+s3+$0x0], $0xffff;
	_ =	sdelay $0x4  }
0x120: {  	v35 =	vld [tilespmem:$0x2080];
	v0 =	vadd.s32 v0, v33  }
0x121: {  	v34 =	vld [tilespmem:$0x1290];
	[tilespmem:$0x1270] =	vst v0  }
0x122: {  	v0 =	vld.idx.msk [tilespmem:v32+s3+$0x0], $0xffff;
	_ =	sdelay $0x4  }
0x123: {  	v37 =	vld [tilespmem:$0x2090];
	v0 =	vadd.s32 v0, v35  }
0x124: {  	v36 =	vld [tilespmem:$0x12A0];
	[tilespmem:$0x1280] =	vst v0  }
0x125: {  	v0 =	vld.idx.msk [tilespmem:v34+s3+$0x0], $0xffff;
	_ =	sdelay $0x4  }
0x126: {  	v39 =	vld [tilespmem:$0x20A0];
	v0 =	vadd.s32 v0, v37  }
0x127: {  	v38 =	vld [tilespmem:$0x12B0];
	[tilespmem:$0x1290] =	vst v0  }
0x128: {  	v0 =	vld.idx.msk [tilespmem:v36+s3+$0x0], $0xffff;
	_ =	sdelay $0x4  }
0x129: {  	v41 =	vld [tilespmem:$0x20B0];
	v0 =	vadd.s32 v0, v39  }
0x12a: {  	v40 =	vld [tilespmem:$0x12C0];
	[tilespmem:$0x12A0] =	vst v0  }
0x12b: {  	v0 =	vld.idx.msk [tilespmem:v38+s3+$0x0], $0xffff;
	_ =	sdelay $0x4  }
0x12c: {  	v43 =	vld [tilespmem:$0x20C0];
	v0 =	vadd.s32 v0, v41  }
0x12d: {  	v42 =	vld [tilespmem:$0x12D0];
	[tilespmem:$0x12B0] =	vst v0  }
0x12e: {  	v0 =	vld.idx.msk [tilespmem:v40+s3+$0x0], $0xffff;
	_ =	sdelay $0x4  }
0x12f: {  	v45 =	vld [tilespmem:$0x20D0];
	v0 =	vadd.s32 v0, v43  }
0x130: {  	v44 =	vld [tilespmem:$0x12E0];
	[tilespmem:$0x12C0] =	vst v0  }
0x131: {  	v0 =	vld.idx.msk [tilespmem:v42+s3+$0x0], $0xffff;
	_ =	sdelay $0x4  }
0x132: {  	v47 =	vld [tilespmem:$0x20E0];
	v0 =	vadd.s32 v0, v45  }
0x133: {  	v46 =	vld [tilespmem:$0x12F0];
	[tilespmem:$0x12D0] =	vst v0  }
0x134: {  	v0 =	vld.idx.msk [tilespmem:v44+s3+$0x0], $0xffff;
	_ =	sdelay $0x4  }
0x135: {  	v49 =	vld [tilespmem:$0x20F0];
	v0 =	vadd.s32 v0, v47  }
0x136: {  	v48 =	vld [tilespmem:$0x1300];
	[tilespmem:$0x12E0] =	vst v0  }
0x137: {  	v0 =	vld.idx.msk [tilespmem:v46+s3+$0x0], $0xffff;
	_ =	sdelay $0x4  }
0x138: {  	v51 =	vld [tilespmem:$0x2100];
	v0 =	vadd.s32 v0, v49  }
0x139: {  	v50 =	vld [tilespmem:$0x1310];
	[tilespmem:$0x12F0] =	vst v0  }
0x13a: {  	v0 =	vld.idx.msk [tilespmem:v48+s3+$0x0], $0xffff;
	_ =	sdelay $0x4  }
0x13b: {  	v53 =	vld [tilespmem:$0x2110];
	v0 =	vadd.s32 v0, v51  }
0x13c: {  	v52 =	vld [tilespmem:$0x1320];
	[tilespmem:$0x1300] =	vst v0  }
0x13d: {  	v0 =	vld.idx.msk [tilespmem:v50+s3+$0x0], $0xffff;
	_ =	sdelay $0x4  }
0x13e: {  	v55 =	vld [tilespmem:$0x2120];
	v0 =	vadd.s32 v0, v53  }
0x13f: {  	v54 =	vld [tilespmem:$0x1330];
	[tilespmem:$0x1310] =	vst v0  }
0x140: {  	v0 =	vld.idx.msk [tilespmem:v52+s3+$0x0], $0xffff;
	_ =	sdelay $0x4  }
0x141: {  	v57 =	vld [tilespmem:$0x2130];
	v0 =	vadd.s32 v0, v55  }
0x142: {  	v56 =	vld [tilespmem:$0x1340];
	[tilespmem:$0x1320] =	vst v0  }
0x143: {  	v0 =	vld.idx.msk [tilespmem:v54+s3+$0x0], $0xffff;
	_ =	sdelay $0x4  }
0x144: {  	v0 =	vadd.s32 v0, v57  }
0x145: {  	[tilespmem:$0x1330] =	vst v0  }
0x146: {  	v0 =	vld.idx.msk [tilespmem:v56+s3+$0x0], $0xffff  }
0x147: {  	v1 =	vld [tilespmem:$0x2140]  }
0x148: {  	v58 =	vld [tilespmem:$0x1350];
	_ =	sdelay $0x5  }
0x149: {  	v59 =	vld [tilespmem:$0x1360];
	v0 =	vadd.s32 v0, v1  }
0x14a: {  	v60 =	vld [tilespmem:$0x2150];
	[tilespmem:$0x1340] =	vst v0  }
0x14b: {  	v0 =	vld.idx.msk [tilespmem:v58+s3+$0x0], $0xffff;
	_ =	sdelay $0x4  }
0x14c: {  	v61 =	vld [tilespmem:$0x1370];
	v0 =	vadd.s32 v0, v60  }
0x14d: {  	v62 =	vld [tilespmem:$0x2160];
	[tilespmem:$0x1350] =	vst v0  }
0x14e: {  	v0 =	vld.idx.msk [tilespmem:v59+s3+$0x0], $0xffff;
	_ =	sdelay $0x4  }
0x14f: {  	v63 =	vld [tilespmem:$0x1380];
	v0 =	vadd.s32 v0, v62  }
0x150: {  	v4 =	vld [tilespmem:$0x2170];
	[tilespmem:$0x1360] =	vst v0  }
0x151: {  	v0 =	vld.idx.msk [tilespmem:v61+s3+$0x0], $0xffff;
	_ =	sdelay $0x4  }
0x152: {  	v5 =	vld [tilespmem:$0x1390];
	v0 =	vadd.s32 v0, v4  }
0x153: {  	v6 =	vld [tilespmem:$0x2180];
	[tilespmem:$0x1370] =	vst v0  }
0x154: {  	v0 =	vld.idx.msk [tilespmem:v63+s3+$0x0], $0xffff;
	_ =	sdelay $0x4  }
0x155: {  	v7 =	vld [tilespmem:$0x13A0];
	v0 =	vadd.s32 v0, v6  }
0x156: {  	v8 =	vld [tilespmem:$0x2190];
	[tilespmem:$0x1380] =	vst v0  }
0x157: {  	v0 =	vld.idx.msk [tilespmem:v5+s3+$0x0], $0xffff;
	_ =	sdelay $0x4  }
0x158: {  	v9 =	vld [tilespmem:$0x13B0];
	v0 =	vadd.s32 v0, v8  }
0x159: {  	v10 =	vld [tilespmem:$0x21A0];
	[tilespmem:$0x1390] =	vst v0  }
0x15a: {  	v0 =	vld.idx.msk [tilespmem:v7+s3+$0x0], $0xffff;
	_ =	sdelay $0x4  }
0x15b: {  	v11 =	vld [tilespmem:$0x13C0];
	v0 =	vadd.s32 v0, v10  }
0x15c: {  	v12 =	vld [tilespmem:$0x21B0];
	[tilespmem:$0x13A0] =	vst v0  }
0x15d: {  	v0 =	vld.idx.msk [tilespmem:v9+s3+$0x0], $0xffff;
	_ =	sdelay $0x4  }
0x15e: {  	v13 =	vld [tilespmem:$0x13D0];
	v0 =	vadd.s32 v0, v12  }
0x15f: {  	v14 =	vld [tilespmem:$0x21C0];
	[tilespmem:$0x13B0] =	vst v0  }
0x160: {  	v0 =	vld.idx.msk [tilespmem:v11+s3+$0x0], $0xffff;
	_ =	sdelay $0x4  }
0x161: {  	v15 =	vld [tilespmem:$0x13E0];
	v0 =	vadd.s32 v0, v14  }
0x162: {  	v16 =	vld [tilespmem:$0x21D0];
	[tilespmem:$0x13C0] =	vst v0  }
0x163: {  	v0 =	vld.idx.msk [tilespmem:v13+s3+$0x0], $0xffff;
	_ =	sdelay $0x4  }
0x164: {  	v17 =	vld [tilespmem:$0x13F0];
	v0 =	vadd.s32 v0, v16  }
0x165: {  	v18 =	vld [tilespmem:$0x21E0];
	[tilespmem:$0x13D0] =	vst v0  }
0x166: {  	v0 =	vld.idx.msk [tilespmem:v15+s3+$0x0], $0xffff;
	_ =	sdelay $0x4  }
0x167: {  	v19 =	vld [tilespmem:$0x1400];
	v0 =	vadd.s32 v0, v18  }
0x168: {  	v20 =	vld [tilespmem:$0x21F0];
	[tilespmem:$0x13E0] =	vst v0  }
0x169: {  	v0 =	vld.idx.msk [tilespmem:v17+s3+$0x0], $0xffff;
	_ =	sdelay $0x4  }
0x16a: {  	v21 =	vld [tilespmem:$0x1410];
	v0 =	vadd.s32 v0, v20  }
0x16b: {  	v22 =	vld [tilespmem:$0x2200];
	[tilespmem:$0x13F0] =	vst v0  }
0x16c: {  	v0 =	vld.idx.msk [tilespmem:v19+s3+$0x0], $0xffff;
	_ =	sdelay $0x4  }
0x16d: {  	v23 =	vld [tilespmem:$0x1420];
	v0 =	vadd.s32 v0, v22  }
0x16e: {  	v24 =	vld [tilespmem:$0x2210];
	[tilespmem:$0x1400] =	vst v0  }
0x16f: {  	v0 =	vld.idx.msk [tilespmem:v21+s3+$0x0], $0xffff;
	_ =	sdelay $0x4  }
0x170: {  	v25 =	vld [tilespmem:$0x1430];
	v0 =	vadd.s32 v0, v24  }
0x171: {  	v26 =	vld [tilespmem:$0x2220];
	[tilespmem:$0x1410] =	vst v0  }
0x172: {  	v0 =	vld.idx.msk [tilespmem:v23+s3+$0x0], $0xffff;
	_ =	sdelay $0x4  }
0x173: {  	v27 =	vld [tilespmem:$0x1440];
	v0 =	vadd.s32 v0, v26  }
0x174: {  	v28 =	vld [tilespmem:$0x2230];
	[tilespmem:$0x1420] =	vst v0  }
0x175: {  	v0 =	vld.idx.msk [tilespmem:v25+s3+$0x0], $0xffff;
	_ =	sdelay $0x4  }
0x176: {  	v29 =	vld [tilespmem:$0x1450];
	v0 =	vadd.s32 v0, v28  }
0x177: {  	v30 =	vld [tilespmem:$0x2240];
	[tilespmem:$0x1430] =	vst v0  }
0x178: {  	v0 =	vld.idx.msk [tilespmem:v27+s3+$0x0], $0xffff;
	_ =	sdelay $0x4  }
0x179: {  	v31 =	vld [tilespmem:$0x1460];
	v0 =	vadd.s32 v0, v30  }
0x17a: {  	v32 =	vld [tilespmem:$0x2250];
	[tilespmem:$0x1440] =	vst v0  }
0x17b: {  	v0 =	vld.idx.msk [tilespmem:v29+s3+$0x0], $0xffff;
	_ =	sdelay $0x4  }
0x17c: {  	v33 =	vld [tilespmem:$0x1470];
	v0 =	vadd.s32 v0, v32  }
0x17d: {  	v34 =	vld [tilespmem:$0x2260];
	[tilespmem:$0x1450] =	vst v0  }
0x17e: {  	v0 =	vld.idx.msk [tilespmem:v31+s3+$0x0], $0xffff;
	_ =	sdelay $0x4  }
0x17f: {  	v35 =	vld [tilespmem:$0x1480];
	v0 =	vadd.s32 v0, v34  }
0x180: {  	v36 =	vld [tilespmem:$0x2270];
	[tilespmem:$0x1460] =	vst v0  }
0x181: {  	v0 =	vld.idx.msk [tilespmem:v33+s3+$0x0], $0xffff;
	_ =	sdelay $0x4  }
0x182: {  	v37 =	vld [tilespmem:$0x1490];
	v0 =	vadd.s32 v0, v36  }
0x183: {  	v38 =	vld [tilespmem:$0x2280];
	[tilespmem:$0x1470] =	vst v0  }
0x184: {  	v0 =	vld.idx.msk [tilespmem:v35+s3+$0x0], $0xffff;
	_ =	sdelay $0x4  }
0x185: {  	v39 =	vld [tilespmem:$0x14A0];
	v0 =	vadd.s32 v0, v38  }
0x186: {  	v40 =	vld [tilespmem:$0x2290];
	[tilespmem:$0x1480] =	vst v0  }
0x187: {  	v0 =	vld.idx.msk [tilespmem:v37+s3+$0x0], $0xffff;
	_ =	sdelay $0x4  }
0x188: {  	v41 =	vld [tilespmem:$0x14B0];
	v0 =	vadd.s32 v0, v40  }
0x189: {  	v42 =	vld [tilespmem:$0x22A0];
	[tilespmem:$0x1490] =	vst v0  }
0x18a: {  	v0 =	vld.idx.msk [tilespmem:v39+s3+$0x0], $0xffff;
	_ =	sdelay $0x4  }
0x18b: {  	v43 =	vld [tilespmem:$0x14C0];
	v0 =	vadd.s32 v0, v42  }
0x18c: {  	v44 =	vld [tilespmem:$0x22B0];
	[tilespmem:$0x14A0] =	vst v0  }
0x18d: {  	v0 =	vld.idx.msk [tilespmem:v41+s3+$0x0], $0xffff;
	_ =	sdelay $0x4  }
0x18e: {  	v45 =	vld [tilespmem:$0x14D0];
	v0 =	vadd.s32 v0, v44  }
0x18f: {  	v46 =	vld [tilespmem:$0x22C0];
	[tilespmem:$0x14B0] =	vst v0  }
0x190: {  	v0 =	vld.idx.msk [tilespmem:v43+s3+$0x0], $0xffff;
	_ =	sdelay $0x4  }
0x191: {  	v47 =	vld [tilespmem:$0x14E0];
	v0 =	vadd.s32 v0, v46  }
0x192: {  	v48 =	vld [tilespmem:$0x22D0];
	[tilespmem:$0x14C0] =	vst v0  }
0x193: {  	v0 =	vld.idx.msk [tilespmem:v45+s3+$0x0], $0xffff;
	_ =	sdelay $0x4  }
0x194: {  	v49 =	vld [tilespmem:$0x14F0];
	v0 =	vadd.s32 v0, v48  }
0x195: {  	v50 =	vld [tilespmem:$0x22E0];
	[tilespmem:$0x14D0] =	vst v0  }
0x196: {  	v0 =	vld.idx.msk [tilespmem:v47+s3+$0x0], $0xffff;
	_ =	sdelay $0x4  }
0x197: {  	v51 =	vld [tilespmem:$0x1500];
	v0 =	vadd.s32 v0, v50  }
0x198: {  	v52 =	vld [tilespmem:$0x22F0];
	[tilespmem:$0x14E0] =	vst v0  }
0x199: {  	v0 =	vld.idx.msk [tilespmem:v49+s3+$0x0], $0xffff;
	_ =	sdelay $0x4  }
0x19a: {  	v53 =	vld [tilespmem:$0x1510];
	v0 =	vadd.s32 v0, v52  }
0x19b: {  	v54 =	vld [tilespmem:$0x2300];
	[tilespmem:$0x14F0] =	vst v0  }
0x19c: {  	v0 =	vld.idx.msk [tilespmem:v51+s3+$0x0], $0xffff;
	_ =	sdelay $0x4  }
0x19d: {  	v55 =	vld [tilespmem:$0x1520];
	v0 =	vadd.s32 v0, v54  }
0x19e: {  	v56 =	vld [tilespmem:$0x2310];
	[tilespmem:$0x1500] =	vst v0  }
0x19f: {  	v0 =	vld.idx.msk [tilespmem:v53+s3+$0x0], $0xffff;
	_ =	sdelay $0x4  }
0x1a0: {  	v57 =	vld [tilespmem:$0x1530];
	v0 =	vadd.s32 v0, v56  }
0x1a1: {  	v58 =	vld [tilespmem:$0x2320];
	[tilespmem:$0x1510] =	vst v0  }
0x1a2: {  	v0 =	vld.idx.msk [tilespmem:v55+s3+$0x0], $0xffff;
	_ =	sdelay $0x4  }
0x1a3: {  	v60 =	vld [tilespmem:$0x2330];
	v0 =	vadd.s32 v0, v58  }
0x1a4: {  	v59 =	vld [tilespmem:$0x1540];
	[tilespmem:$0x1520] =	vst v0  }
0x1a5: {  	v0 =	vld.idx.msk [tilespmem:v57+s3+$0x0], $0xffff;
	_ =	sdelay $0x4  }
0x1a6: {  	v62 =	vld [tilespmem:$0x2340];
	v0 =	vadd.s32 v0, v60  }
0x1a7: {  	v61 =	vld [tilespmem:$0x1550];
	[tilespmem:$0x1530] =	vst v0  }
0x1a8: {  	v0 =	vld.idx.msk [tilespmem:v59+s3+$0x0], $0xffff;
	_ =	sdelay $0x4  }
0x1a9: {  	v4 =	vld [tilespmem:$0x2350];
	v0 =	vadd.s32 v0, v62  }
0x1aa: {  	v63 =	vld [tilespmem:$0x1560];
	[tilespmem:$0x1540] =	vst v0  }
0x1ab: {  	v0 =	vld.idx.msk [tilespmem:v61+s3+$0x0], $0xffff;
	_ =	sdelay $0x4  }
0x1ac: {  	v6 =	vld [tilespmem:$0x2360];
	v0 =	vadd.s32 v0, v4  }
0x1ad: {  	v5 =	vld [tilespmem:$0x1570];
	[tilespmem:$0x1550] =	vst v0  }
0x1ae: {  	v0 =	vld.idx.msk [tilespmem:v63+s3+$0x0], $0xffff;
	_ =	sdelay $0x4  }
0x1af: {  	v8 =	vld [tilespmem:$0x2370];
	v0 =	vadd.s32 v0, v6  }
0x1b0: {  	v7 =	vld [tilespmem:$0x1580];
	[tilespmem:$0x1560] =	vst v0  }
0x1b1: {  	v0 =	vld.idx.msk [tilespmem:v5+s3+$0x0], $0xffff;
	_ =	sdelay $0x4  }
0x1b2: {  	v10 =	vld [tilespmem:$0x2380];
	v0 =	vadd.s32 v0, v8  }
0x1b3: {  	v9 =	vld [tilespmem:$0x1590];
	[tilespmem:$0x1570] =	vst v0  }
0x1b4: {  	v0 =	vld.idx.msk [tilespmem:v7+s3+$0x0], $0xffff;
	_ =	sdelay $0x4  }
0x1b5: {  	v12 =	vld [tilespmem:$0x2390];
	v0 =	vadd.s32 v0, v10  }
0x1b6: {  	v11 =	vld [tilespmem:$0x15A0];
	[tilespmem:$0x1580] =	vst v0  }
0x1b7: {  	v0 =	vld.idx.msk [tilespmem:v9+s3+$0x0], $0xffff;
	_ =	sdelay $0x4  }
0x1b8: {  	v14 =	vld [tilespmem:$0x23A0];
	v0 =	vadd.s32 v0, v12  }
0x1b9: {  	v13 =	vld [tilespmem:$0x15B0];
	[tilespmem:$0x1590] =	vst v0  }
0x1ba: {  	v0 =	vld.idx.msk [tilespmem:v11+s3+$0x0], $0xffff;
	_ =	sdelay $0x4  }
0x1bb: {  	v16 =	vld [tilespmem:$0x23B0];
	v0 =	vadd.s32 v0, v14  }
0x1bc: {  	v15 =	vld [tilespmem:$0x15C0];
	[tilespmem:$0x15A0] =	vst v0  }
0x1bd: {  	v0 =	vld.idx.msk [tilespmem:v13+s3+$0x0], $0xffff;
	_ =	sdelay $0x4  }
0x1be: {  	v18 =	vld [tilespmem:$0x23C0];
	v0 =	vadd.s32 v0, v16  }
0x1bf: {  	v17 =	vld [tilespmem:$0x15D0];
	[tilespmem:$0x15B0] =	vst v0  }
0x1c0: {  	v0 =	vld.idx.msk [tilespmem:v15+s3+$0x0], $0xffff;
	_ =	sdelay $0x4  }
0x1c1: {  	v20 =	vld [tilespmem:$0x23D0];
	v0 =	vadd.s32 v0, v18  }
0x1c2: {  	v19 =	vld [tilespmem:$0x15E0];
	[tilespmem:$0x15C0] =	vst v0  }
0x1c3: {  	v0 =	vld.idx.msk [tilespmem:v17+s3+$0x0], $0xffff;
	_ =	sdelay $0x4  }
0x1c4: {  	v22 =	vld [tilespmem:$0x23E0];
	v0 =	vadd.s32 v0, v20  }
0x1c5: {  	v21 =	vld [tilespmem:$0x15F0];
	[tilespmem:$0x15D0] =	vst v0  }
0x1c6: {  	v0 =	vld.idx.msk [tilespmem:v19+s3+$0x0], $0xffff;
	_ =	sdelay $0x4  }
0x1c7: {  	v24 =	vld [tilespmem:$0x23F0];
	v0 =	vadd.s32 v0, v22  }
0x1c8: {  	v23 =	vld [tilespmem:$0x1600];
	[tilespmem:$0x15E0] =	vst v0  }
0x1c9: {  	v0 =	vld.idx.msk [tilespmem:v21+s3+$0x0], $0xffff;
	_ =	sdelay $0x4  }
0x1ca: {  	v26 =	vld [tilespmem:$0x2400];
	v0 =	vadd.s32 v0, v24  }
0x1cb: {  	v25 =	vld [tilespmem:$0x1610];
	[tilespmem:$0x15F0] =	vst v0  }
0x1cc: {  	v0 =	vld.idx.msk [tilespmem:v23+s3+$0x0], $0xffff;
	_ =	sdelay $0x4  }
0x1cd: {  	v28 =	vld [tilespmem:$0x2410];
	v0 =	vadd.s32 v0, v26  }
0x1ce: {  	v27 =	vld [tilespmem:$0x1620];
	[tilespmem:$0x1600] =	vst v0  }
0x1cf: {  	v0 =	vld.idx.msk [tilespmem:v25+s3+$0x0], $0xffff;
	_ =	sdelay $0x4  }
0x1d0: {  	v30 =	vld [tilespmem:$0x2420];
	v0 =	vadd.s32 v0, v28  }
0x1d1: {  	v29 =	vld [tilespmem:$0x1630];
	[tilespmem:$0x1610] =	vst v0  }
0x1d2: {  	v0 =	vld.idx.msk [tilespmem:v27+s3+$0x0], $0xffff;
	_ =	sdelay $0x4  }
0x1d3: {  	v32 =	vld [tilespmem:$0x2430];
	v0 =	vadd.s32 v0, v30  }
0x1d4: {  	v31 =	vld [tilespmem:$0x1640];
	[tilespmem:$0x1620] =	vst v0  }
0x1d5: {  	v0 =	vld.idx.msk [tilespmem:v29+s3+$0x0], $0xffff;
	_ =	sdelay $0x4  }
0x1d6: {  	v34 =	vld [tilespmem:$0x2440];
	v0 =	vadd.s32 v0, v32  }
0x1d7: {  	v33 =	vld [tilespmem:$0x1650];
	[tilespmem:$0x1630] =	vst v0  }
0x1d8: {  	v0 =	vld.idx.msk [tilespmem:v31+s3+$0x0], $0xffff;
	_ =	sdelay $0x4  }
0x1d9: {  	v36 =	vld [tilespmem:$0x2450];
	v0 =	vadd.s32 v0, v34  }
0x1da: {  	v35 =	vld [tilespmem:$0x1660];
	[tilespmem:$0x1640] =	vst v0  }
0x1db: {  	v0 =	vld.idx.msk [tilespmem:v33+s3+$0x0], $0xffff;
	_ =	sdelay $0x4  }
0x1dc: {  	v38 =	vld [tilespmem:$0x2460];
	v0 =	vadd.s32 v0, v36  }
0x1dd: {  	v37 =	vld [tilespmem:$0x1670];
	[tilespmem:$0x1650] =	vst v0  }
0x1de: {  	v0 =	vld.idx.msk [tilespmem:v35+s3+$0x0], $0xffff;
	_ =	sdelay $0x4  }
0x1df: {  	v40 =	vld [tilespmem:$0x2470];
	v0 =	vadd.s32 v0, v38  }
0x1e0: {  	v39 =	vld [tilespmem:$0x1680];
	[tilespmem:$0x1660] =	vst v0  }
0x1e1: {  	v0 =	vld.idx.msk [tilespmem:v37+s3+$0x0], $0xffff;
	_ =	sdelay $0x4  }
0x1e2: {  	v42 =	vld [tilespmem:$0x2480];
	v0 =	vadd.s32 v0, v40  }
0x1e3: {  	v41 =	vld [tilespmem:$0x1690];
	[tilespmem:$0x1670] =	vst v0  }
0x1e4: {  	v0 =	vld.idx.msk [tilespmem:v39+s3+$0x0], $0xffff;
	_ =	sdelay $0x4  }
0x1e5: {  	v44 =	vld [tilespmem:$0x2490];
	v0 =	vadd.s32 v0, v42  }
0x1e6: {  	v43 =	vld [tilespmem:$0x16A0];
	[tilespmem:$0x1680] =	vst v0  }
0x1e7: {  	v0 =	vld.idx.msk [tilespmem:v41+s3+$0x0], $0xffff;
	_ =	sdelay $0x4  }
0x1e8: {  	v46 =	vld [tilespmem:$0x24A0];
	v0 =	vadd.s32 v0, v44  }
0x1e9: {  	v45 =	vld [tilespmem:$0x16B0];
	[tilespmem:$0x1690] =	vst v0  }
0x1ea: {  	v0 =	vld.idx.msk [tilespmem:v43+s3+$0x0], $0xffff;
	_ =	sdelay $0x4  }
0x1eb: {  	v48 =	vld [tilespmem:$0x24B0];
	v0 =	vadd.s32 v0, v46  }
0x1ec: {  	v47 =	vld [tilespmem:$0x16C0];
	[tilespmem:$0x16A0] =	vst v0  }
0x1ed: {  	v0 =	vld.idx.msk [tilespmem:v45+s3+$0x0], $0xffff;
	_ =	sdelay $0x4  }
0x1ee: {  	v50 =	vld [tilespmem:$0x24C0];
	v0 =	vadd.s32 v0, v48  }
0x1ef: {  	v49 =	vld [tilespmem:$0x16D0];
	[tilespmem:$0x16B0] =	vst v0  }
0x1f0: {  	v0 =	vld.idx.msk [tilespmem:v47+s3+$0x0], $0xffff;
	_ =	sdelay $0x4  }
0x1f1: {  	v52 =	vld [tilespmem:$0x24D0];
	v0 =	vadd.s32 v0, v50  }
0x1f2: {  	v51 =	vld [tilespmem:$0x16E0];
	[tilespmem:$0x16C0] =	vst v0  }
0x1f3: {  	v0 =	vld.idx.msk [tilespmem:v49+s3+$0x0], $0xffff;
	_ =	sdelay $0x4  }
0x1f4: {  	v54 =	vld [tilespmem:$0x24E0];
	v0 =	vadd.s32 v0, v52  }
0x1f5: {  	v53 =	vld [tilespmem:$0x16F0];
	[tilespmem:$0x16D0] =	vst v0  }
0x1f6: {  	v0 =	vld.idx.msk [tilespmem:v51+s3+$0x0], $0xffff;
	_ =	sdelay $0x4  }
0x1f7: {  	v56 =	vld [tilespmem:$0x24F0];
	v0 =	vadd.s32 v0, v54  }
0x1f8: {  	v55 =	vld [tilespmem:$0x1700];
	[tilespmem:$0x16E0] =	vst v0  }
0x1f9: {  	v0 =	vld.idx.msk [tilespmem:v53+s3+$0x0], $0xffff;
	_ =	sdelay $0x4  }
0x1fa: {  	v58 =	vld [tilespmem:$0x2500];
	v0 =	vadd.s32 v0, v56  }
0x1fb: {  	v57 =	vld [tilespmem:$0x1710];
	[tilespmem:$0x16F0] =	vst v0  }
0x1fc: {  	v0 =	vld.idx.msk [tilespmem:v55+s3+$0x0], $0xffff;
	_ =	sdelay $0x4  }
0x1fd: {  	v60 =	vld [tilespmem:$0x2510];
	v0 =	vadd.s32 v0, v58  }
0x1fe: {  	v59 =	vld [tilespmem:$0x1720];
	[tilespmem:$0x1700] =	vst v0  }
0x1ff: {  	v0 =	vld.idx.msk [tilespmem:v57+s3+$0x0], $0xffff;
	_ =	sdelay $0x4  }
0x200: {  	v62 =	vld [tilespmem:$0x2520];
	v0 =	vadd.s32 v0, v60  }
0x201: {  	v61 =	vld [tilespmem:$0x1730];
	[tilespmem:$0x1710] =	vst v0  }
0x202: {  	v0 =	vld.idx.msk [tilespmem:v59+s3+$0x0], $0xffff;
	_ =	sdelay $0x4  }
0x203: {  	v4 =	vld [tilespmem:$0x2530];
	v0 =	vadd.s32 v0, v62  }
0x204: {  	v63 =	vld [tilespmem:$0x1740];
	[tilespmem:$0x1720] =	vst v0  }
0x205: {  	v0 =	vld.idx.msk [tilespmem:v61+s3+$0x0], $0xffff;
	_ =	sdelay $0x4  }
0x206: {  	v6 =	vld [tilespmem:$0x2540];
	v0 =	vadd.s32 v0, v4  }
0x207: {  	v5 =	vld [tilespmem:$0x1750];
	[tilespmem:$0x1730] =	vst v0  }
0x208: {  	v0 =	vld.idx.msk [tilespmem:v63+s3+$0x0], $0xffff;
	_ =	sdelay $0x4  }
0x209: {  	v8 =	vld [tilespmem:$0x2550];
	v0 =	vadd.s32 v0, v6  }
0x20a: {  	v7 =	vld [tilespmem:$0x1760];
	[tilespmem:$0x1740] =	vst v0  }
0x20b: {  	v0 =	vld.idx.msk [tilespmem:v5+s3+$0x0], $0xffff;
	_ =	sdelay $0x4  }
0x20c: {  	v10 =	vld [tilespmem:$0x2560];
	v0 =	vadd.s32 v0, v8  }
0x20d: {  	v9 =	vld [tilespmem:$0x1770];
	[tilespmem:$0x1750] =	vst v0  }
0x20e: {  	v0 =	vld.idx.msk [tilespmem:v7+s3+$0x0], $0xffff;
	_ =	sdelay $0x4  }
0x20f: {  	v12 =	vld [tilespmem:$0x2570];
	v0 =	vadd.s32 v0, v10  }
0x210: {  	v11 =	vld [tilespmem:$0x1780];
	[tilespmem:$0x1760] =	vst v0  }
0x211: {  	v0 =	vld.idx.msk [tilespmem:v9+s3+$0x0], $0xffff;
	_ =	sdelay $0x4  }
0x212: {  	v14 =	vld [tilespmem:$0x2580];
	v0 =	vadd.s32 v0, v12  }
0x213: {  	v13 =	vld [tilespmem:$0x1790];
	[tilespmem:$0x1770] =	vst v0  }
0x214: {  	v0 =	vld.idx.msk [tilespmem:v11+s3+$0x0], $0xffff;
	_ =	sdelay $0x4  }
0x215: {  	v16 =	vld [tilespmem:$0x2590];
	v0 =	vadd.s32 v0, v14  }
0x216: {  	v15 =	vld [tilespmem:$0x17A0];
	[tilespmem:$0x1780] =	vst v0  }
0x217: {  	v0 =	vld.idx.msk [tilespmem:v13+s3+$0x0], $0xffff;
	_ =	sdelay $0x4  }
0x218: {  	v18 =	vld [tilespmem:$0x25A0];
	v0 =	vadd.s32 v0, v16  }
0x219: {  	v17 =	vld [tilespmem:$0x17B0];
	[tilespmem:$0x1790] =	vst v0  }
0x21a: {  	v0 =	vld.idx.msk [tilespmem:v15+s3+$0x0], $0xffff;
	_ =	sdelay $0x4  }
0x21b: {  	v20 =	vld [tilespmem:$0x25B0];
	v0 =	vadd.s32 v0, v18  }
0x21c: {  	v19 =	vld [tilespmem:$0x17C0];
	[tilespmem:$0x17A0] =	vst v0  }
0x21d: {  	v0 =	vld.idx.msk [tilespmem:v17+s3+$0x0], $0xffff;
	_ =	sdelay $0x4  }
0x21e: {  	v22 =	vld [tilespmem:$0x25C0];
	v0 =	vadd.s32 v0, v20  }
0x21f: {  	v21 =	vld [tilespmem:$0x17D0];
	[tilespmem:$0x17B0] =	vst v0  }
0x220: {  	v0 =	vld.idx.msk [tilespmem:v19+s3+$0x0], $0xffff;
	_ =	sdelay $0x4  }
0x221: {  	v24 =	vld [tilespmem:$0x25D0];
	v0 =	vadd.s32 v0, v22  }
0x222: {  	v23 =	vld [tilespmem:$0x17E0];
	[tilespmem:$0x17C0] =	vst v0  }
0x223: {  	v0 =	vld.idx.msk [tilespmem:v21+s3+$0x0], $0xffff;
	_ =	sdelay $0x4  }
0x224: {  	v26 =	vld [tilespmem:$0x25E0];
	v0 =	vadd.s32 v0, v24  }
0x225: {  	v25 =	vld [tilespmem:$0x17F0];
	[tilespmem:$0x17D0] =	vst v0  }
0x226: {  	v0 =	vld.idx.msk [tilespmem:v23+s3+$0x0], $0xffff;
	_ =	sdelay $0x4  }
0x227: {  	v28 =	vld [tilespmem:$0x25F0];
	v0 =	vadd.s32 v0, v26  }
0x228: {  	v27 =	vld [tilespmem:$0x1800];
	[tilespmem:$0x17E0] =	vst v0  }
0x229: {  	v0 =	vld.idx.msk [tilespmem:v25+s3+$0x0], $0xffff;
	_ =	sdelay $0x4  }
0x22a: {  	v30 =	vld [tilespmem:$0x2600];
	v0 =	vadd.s32 v0, v28  }
0x22b: {  	v29 =	vld [tilespmem:$0x1810];
	[tilespmem:$0x17F0] =	vst v0  }
0x22c: {  	v0 =	vld.idx.msk [tilespmem:v27+s3+$0x0], $0xffff;
	_ =	sdelay $0x4  }
0x22d: {  	v32 =	vld [tilespmem:$0x2610];
	v0 =	vadd.s32 v0, v30  }
0x22e: {  	v31 =	vld [tilespmem:$0x1820];
	[tilespmem:$0x1800] =	vst v0  }
0x22f: {  	v0 =	vld.idx.msk [tilespmem:v29+s3+$0x0], $0xffff;
	_ =	sdelay $0x4  }
0x230: {  	v34 =	vld [tilespmem:$0x2620];
	v0 =	vadd.s32 v0, v32  }
0x231: {  	v33 =	vld [tilespmem:$0x1830];
	[tilespmem:$0x1810] =	vst v0  }
0x232: {  	v0 =	vld.idx.msk [tilespmem:v31+s3+$0x0], $0xffff;
	_ =	sdelay $0x4  }
0x233: {  	v36 =	vld [tilespmem:$0x2630];
	v0 =	vadd.s32 v0, v34  }
0x234: {  	v35 =	vld [tilespmem:$0x1840];
	[tilespmem:$0x1820] =	vst v0  }
0x235: {  	v0 =	vld.idx.msk [tilespmem:v33+s3+$0x0], $0xffff;
	_ =	sdelay $0x4  }
0x236: {  	v38 =	vld [tilespmem:$0x2640];
	v0 =	vadd.s32 v0, v36  }
0x237: {  	v37 =	vld [tilespmem:$0x1850];
	[tilespmem:$0x1830] =	vst v0  }
0x238: {  	v0 =	vld.idx.msk [tilespmem:v35+s3+$0x0], $0xffff;
	_ =	sdelay $0x4  }
0x239: {  	v40 =	vld [tilespmem:$0x2650];
	v0 =	vadd.s32 v0, v38  }
0x23a: {  	v39 =	vld [tilespmem:$0x1860];
	[tilespmem:$0x1840] =	vst v0  }
0x23b: {  	v0 =	vld.idx.msk [tilespmem:v37+s3+$0x0], $0xffff;
	_ =	sdelay $0x4  }
0x23c: {  	v42 =	vld [tilespmem:$0x2660];
	v0 =	vadd.s32 v0, v40  }
0x23d: {  	v41 =	vld [tilespmem:$0x1870];
	[tilespmem:$0x1850] =	vst v0  }
0x23e: {  	v0 =	vld.idx.msk [tilespmem:v39+s3+$0x0], $0xffff;
	_ =	sdelay $0x4  }
0x23f: {  	v44 =	vld [tilespmem:$0x2670];
	v0 =	vadd.s32 v0, v42  }
0x240: {  	v43 =	vld [tilespmem:$0x1880];
	[tilespmem:$0x1860] =	vst v0  }
0x241: {  	v0 =	vld.idx.msk [tilespmem:v41+s3+$0x0], $0xffff;
	_ =	sdelay $0x4  }
0x242: {  	v46 =	vld [tilespmem:$0x2680];
	v0 =	vadd.s32 v0, v44  }
0x243: {  	v45 =	vld [tilespmem:$0x1890];
	[tilespmem:$0x1870] =	vst v0  }
0x244: {  	v0 =	vld.idx.msk [tilespmem:v43+s3+$0x0], $0xffff;
	_ =	sdelay $0x4  }
0x245: {  	v48 =	vld [tilespmem:$0x2690];
	v0 =	vadd.s32 v0, v46  }
0x246: {  	v47 =	vld [tilespmem:$0x18A0];
	[tilespmem:$0x1880] =	vst v0  }
0x247: {  	v0 =	vld.idx.msk [tilespmem:v45+s3+$0x0], $0xffff;
	_ =	sdelay $0x4  }
0x248: {  	v50 =	vld [tilespmem:$0x26A0];
	v0 =	vadd.s32 v0, v48  }
0x249: {  	v49 =	vld [tilespmem:$0x18B0];
	[tilespmem:$0x1890] =	vst v0  }
0x24a: {  	v0 =	vld.idx.msk [tilespmem:v47+s3+$0x0], $0xffff;
	_ =	sdelay $0x4  }
0x24b: {  	v52 =	vld [tilespmem:$0x26B0];
	v0 =	vadd.s32 v0, v50  }
0x24c: {  	v51 =	vld [tilespmem:$0x18C0];
	[tilespmem:$0x18A0] =	vst v0  }
0x24d: {  	v0 =	vld.idx.msk [tilespmem:v49+s3+$0x0], $0xffff;
	_ =	sdelay $0x4  }
0x24e: {  	v54 =	vld [tilespmem:$0x26C0];
	v0 =	vadd.s32 v0, v52  }
0x24f: {  	v53 =	vld [tilespmem:$0x18D0];
	[tilespmem:$0x18B0] =	vst v0  }
0x250: {  	v0 =	vld.idx.msk [tilespmem:v51+s3+$0x0], $0xffff;
	_ =	sdelay $0x4  }
0x251: {  	v56 =	vld [tilespmem:$0x26D0];
	v0 =	vadd.s32 v0, v54  }
0x252: {  	v55 =	vld [tilespmem:$0x18E0];
	[tilespmem:$0x18C0] =	vst v0  }
0x253: {  	v0 =	vld.idx.msk [tilespmem:v53+s3+$0x0], $0xffff;
	_ =	sdelay $0x4  }
0x254: {  	v58 =	vld [tilespmem:$0x26E0];
	v0 =	vadd.s32 v0, v56  }
0x255: {  	v57 =	vld [tilespmem:$0x18F0];
	[tilespmem:$0x18D0] =	vst v0  }
0x256: {  	v0 =	vld.idx.msk [tilespmem:v55+s3+$0x0], $0xffff;
	_ =	sdelay $0x4  }
0x257: {  	v60 =	vld [tilespmem:$0x26F0];
	v0 =	vadd.s32 v0, v58  }
0x258: {  	v59 =	vld [tilespmem:$0x1900];
	[tilespmem:$0x18E0] =	vst v0  }
0x259: {  	v0 =	vld.idx.msk [tilespmem:v57+s3+$0x0], $0xffff;
	_ =	sdelay $0x4  }
0x25a: {  	v62 =	vld [tilespmem:$0x2700];
	v0 =	vadd.s32 v0, v60  }
0x25b: {  	v61 =	vld [tilespmem:$0x1910];
	[tilespmem:$0x18F0] =	vst v0  }
0x25c: {  	v0 =	vld.idx.msk [tilespmem:v59+s3+$0x0], $0xffff;
	_ =	sdelay $0x4  }
0x25d: {  	v4 =	vld [tilespmem:$0x2710];
	v0 =	vadd.s32 v0, v62  }
0x25e: {  	v63 =	vld [tilespmem:$0x1920];
	[tilespmem:$0x1900] =	vst v0  }
0x25f: {  	v0 =	vld.idx.msk [tilespmem:v61+s3+$0x0], $0xffff;
	_ =	sdelay $0x4  }
0x260: {  	v6 =	vld [tilespmem:$0x2720];
	v0 =	vadd.s32 v0, v4  }
0x261: {  	v5 =	vld [tilespmem:$0x1930];
	[tilespmem:$0x1910] =	vst v0  }
0x262: {  	v0 =	vld.idx.msk [tilespmem:v63+s3+$0x0], $0xffff;
	_ =	sdelay $0x4  }
0x263: {  	v8 =	vld [tilespmem:$0x2730];
	v0 =	vadd.s32 v0, v6  }
0x264: {  	v7 =	vld [tilespmem:$0x1940];
	[tilespmem:$0x1920] =	vst v0  }
0x265: {  	v0 =	vld.idx.msk [tilespmem:v5+s3+$0x0], $0xffff;
	_ =	sdelay $0x4  }
0x266: {  	v10 =	vld [tilespmem:$0x2740];
	v0 =	vadd.s32 v0, v8  }
0x267: {  	v9 =	vld [tilespmem:$0x1950];
	[tilespmem:$0x1930] =	vst v0  }
0x268: {  	v0 =	vld.idx.msk [tilespmem:v7+s3+$0x0], $0xffff;
	_ =	sdelay $0x4  }
0x269: {  	v12 =	vld [tilespmem:$0x2750];
	v0 =	vadd.s32 v0, v10  }
0x26a: {  	v11 =	vld [tilespmem:$0x1960];
	[tilespmem:$0x1940] =	vst v0  }
0x26b: {  	v0 =	vld.idx.msk [tilespmem:v9+s3+$0x0], $0xffff;
	_ =	sdelay $0x4  }
0x26c: {  	v14 =	vld [tilespmem:$0x2760];
	v0 =	vadd.s32 v0, v12  }
0x26d: {  	v13 =	vld [tilespmem:$0x1970];
	[tilespmem:$0x1950] =	vst v0  }
0x26e: {  	v0 =	vld.idx.msk [tilespmem:v11+s3+$0x0], $0xffff;
	_ =	sdelay $0x4  }
0x26f: {  	v16 =	vld [tilespmem:$0x2770];
	v0 =	vadd.s32 v0, v14  }
0x270: {  	v15 =	vld [tilespmem:$0x1980];
	[tilespmem:$0x1960] =	vst v0  }
0x271: {  	v0 =	vld.idx.msk [tilespmem:v13+s3+$0x0], $0xffff;
	_ =	sdelay $0x4  }
0x272: {  	v18 =	vld [tilespmem:$0x2780];
	v0 =	vadd.s32 v0, v16  }
0x273: {  	v17 =	vld [tilespmem:$0x1990];
	[tilespmem:$0x1970] =	vst v0  }
0x274: {  	v0 =	vld.idx.msk [tilespmem:v15+s3+$0x0], $0xffff;
	_ =	sdelay $0x4  }
0x275: {  	v20 =	vld [tilespmem:$0x2790];
	v0 =	vadd.s32 v0, v18  }
0x276: {  	v19 =	vld [tilespmem:$0x19A0];
	[tilespmem:$0x1980] =	vst v0  }
0x277: {  	v0 =	vld.idx.msk [tilespmem:v17+s3+$0x0], $0xffff;
	_ =	sdelay $0x4  }
0x278: {  	v22 =	vld [tilespmem:$0x27A0];
	v0 =	vadd.s32 v0, v20  }
0x279: {  	v21 =	vld [tilespmem:$0x19B0];
	[tilespmem:$0x1990] =	vst v0  }
0x27a: {  	v0 =	vld.idx.msk [tilespmem:v19+s3+$0x0], $0xffff;
	_ =	sdelay $0x4  }
0x27b: {  	v24 =	vld [tilespmem:$0x27B0];
	v0 =	vadd.s32 v0, v22  }
0x27c: {  	v23 =	vld [tilespmem:$0x19C0];
	[tilespmem:$0x19A0] =	vst v0  }
0x27d: {  	v0 =	vld.idx.msk [tilespmem:v21+s3+$0x0], $0xffff;
	_ =	sdelay $0x4  }
0x27e: {  	v26 =	vld [tilespmem:$0x27C0];
	v0 =	vadd.s32 v0, v24  }
0x27f: {  	v25 =	vld [tilespmem:$0x19D0];
	[tilespmem:$0x19B0] =	vst v0  }
0x280: {  	v0 =	vld.idx.msk [tilespmem:v23+s3+$0x0], $0xffff;
	_ =	sdelay $0x4  }
0x281: {  	v28 =	vld [tilespmem:$0x27D0];
	v0 =	vadd.s32 v0, v26  }
0x282: {  	v27 =	vld [tilespmem:$0x19E0];
	[tilespmem:$0x19C0] =	vst v0  }
0x283: {  	v0 =	vld.idx.msk [tilespmem:v25+s3+$0x0], $0xffff;
	_ =	sdelay $0x4  }
0x284: {  	v30 =	vld [tilespmem:$0x27E0];
	v0 =	vadd.s32 v0, v28  }
0x285: {  	v29 =	vld [tilespmem:$0x19F0];
	[tilespmem:$0x19D0] =	vst v0  }
0x286: {  	v0 =	vld.idx.msk [tilespmem:v27+s3+$0x0], $0xffff;
	_ =	sdelay $0x4  }
0x287: {  	v32 =	vld [tilespmem:$0x27F0];
	v0 =	vadd.s32 v0, v30  }
0x288: {  	v31 =	vld [tilespmem:$0x1A00];
	[tilespmem:$0x19E0] =	vst v0  }
0x289: {  	v0 =	vld.idx.msk [tilespmem:v29+s3+$0x0], $0xffff;
	_ =	sdelay $0x4  }
0x28a: {  	v34 =	vld [tilespmem:$0x2800];
	v0 =	vadd.s32 v0, v32  }
0x28b: {  	v33 =	vld [tilespmem:$0x1A10];
	[tilespmem:$0x19F0] =	vst v0  }
0x28c: {  	v0 =	vld.idx.msk [tilespmem:v31+s3+$0x0], $0xffff;
	_ =	sdelay $0x4  }
0x28d: {  	v36 =	vld [tilespmem:$0x2810];
	v0 =	vadd.s32 v0, v34  }
0x28e: {  	v35 =	vld [tilespmem:$0x1A20];
	[tilespmem:$0x1A00] =	vst v0  }
0x28f: {  	v0 =	vld.idx.msk [tilespmem:v33+s3+$0x0], $0xffff;
	_ =	sdelay $0x4  }
0x290: {  	v38 =	vld [tilespmem:$0x2820];
	v0 =	vadd.s32 v0, v36  }
0x291: {  	v37 =	vld [tilespmem:$0x1A30];
	[tilespmem:$0x1A10] =	vst v0  }
0x292: {  	v0 =	vld.idx.msk [tilespmem:v35+s3+$0x0], $0xffff;
	_ =	sdelay $0x4  }
0x293: {  	v40 =	vld [tilespmem:$0x2830];
	v0 =	vadd.s32 v0, v38  }
0x294: {  	v39 =	vld [tilespmem:$0x1A40];
	[tilespmem:$0x1A20] =	vst v0  }
0x295: {  	v0 =	vld.idx.msk [tilespmem:v37+s3+$0x0], $0xffff;
	_ =	sdelay $0x4  }
0x296: {  	v42 =	vld [tilespmem:$0x2840];
	v0 =	vadd.s32 v0, v40  }
0x297: {  	v41 =	vld [tilespmem:$0x1A50];
	[tilespmem:$0x1A30] =	vst v0  }
0x298: {  	v0 =	vld.idx.msk [tilespmem:v39+s3+$0x0], $0xffff;
	_ =	sdelay $0x4  }
0x299: {  	v44 =	vld [tilespmem:$0x2850];
	v0 =	vadd.s32 v0, v42  }
0x29a: {  	v43 =	vld [tilespmem:$0x1A60];
	[tilespmem:$0x1A40] =	vst v0  }
0x29b: {  	v0 =	vld.idx.msk [tilespmem:v41+s3+$0x0], $0xffff;
	_ =	sdelay $0x4  }
0x29c: {  	v46 =	vld [tilespmem:$0x2860];
	v0 =	vadd.s32 v0, v44  }
0x29d: {  	v45 =	vld [tilespmem:$0x1A70];
	[tilespmem:$0x1A50] =	vst v0  }
0x29e: {  	v0 =	vld.idx.msk [tilespmem:v43+s3+$0x0], $0xffff;
	_ =	sdelay $0x4  }
0x29f: {  	v48 =	vld [tilespmem:$0x2870];
	v0 =	vadd.s32 v0, v46  }
0x2a0: {  	v47 =	vld [tilespmem:$0x1A80];
	[tilespmem:$0x1A60] =	vst v0  }
0x2a1: {  	v0 =	vld.idx.msk [tilespmem:v45+s3+$0x0], $0xffff;
	_ =	sdelay $0x4  }
0x2a2: {  	v50 =	vld [tilespmem:$0x2880];
	v0 =	vadd.s32 v0, v48  }
0x2a3: {  	v49 =	vld [tilespmem:$0x1A90];
	[tilespmem:$0x1A70] =	vst v0  }
0x2a4: {  	v0 =	vld.idx.msk [tilespmem:v47+s3+$0x0], $0xffff;
	_ =	sdelay $0x4  }
0x2a5: {  	v52 =	vld [tilespmem:$0x2890];
	v0 =	vadd.s32 v0, v50  }
0x2a6: {  	v51 =	vld [tilespmem:$0x1AA0];
	[tilespmem:$0x1A80] =	vst v0  }
0x2a7: {  	v0 =	vld.idx.msk [tilespmem:v49+s3+$0x0], $0xffff;
	_ =	sdelay $0x4  }
0x2a8: {  	v54 =	vld [tilespmem:$0x28A0];
	v0 =	vadd.s32 v0, v52  }
0x2a9: {  	v53 =	vld [tilespmem:$0x1AB0];
	[tilespmem:$0x1A90] =	vst v0  }
0x2aa: {  	v0 =	vld.idx.msk [tilespmem:v51+s3+$0x0], $0xffff;
	_ =	sdelay $0x4  }
0x2ab: {  	v56 =	vld [tilespmem:$0x28B0];
	v0 =	vadd.s32 v0, v54  }
0x2ac: {  	v55 =	vld [tilespmem:$0x1AC0];
	[tilespmem:$0x1AA0] =	vst v0  }
0x2ad: {  	v0 =	vld.idx.msk [tilespmem:v53+s3+$0x0], $0xffff;
	_ =	sdelay $0x4  }
0x2ae: {  	v58 =	vld [tilespmem:$0x28C0];
	v0 =	vadd.s32 v0, v56  }
0x2af: {  	v57 =	vld [tilespmem:$0x1AD0];
	[tilespmem:$0x1AB0] =	vst v0  }
0x2b0: {  	v0 =	vld.idx.msk [tilespmem:v55+s3+$0x0], $0xffff;
	_ =	sdelay $0x4  }
0x2b1: {  	v60 =	vld [tilespmem:$0x28D0];
	v0 =	vadd.s32 v0, v58  }
0x2b2: {  	v59 =	vld [tilespmem:$0x1AE0];
	[tilespmem:$0x1AC0] =	vst v0  }
0x2b3: {  	v0 =	vld.idx.msk [tilespmem:v57+s3+$0x0], $0xffff;
	_ =	sdelay $0x4  }
0x2b4: {  	v62 =	vld [tilespmem:$0x28E0];
	v0 =	vadd.s32 v0, v60  }
0x2b5: {  	v61 =	vld [tilespmem:$0x1AF0];
	[tilespmem:$0x1AD0] =	vst v0  }
0x2b6: {  	v0 =	vld.idx.msk [tilespmem:v59+s3+$0x0], $0xffff;
	_ =	sdelay $0x4  }
0x2b7: {  	v0 =	vadd.s32 v0, v62  }
0x2b8: {  	v63 =	vld [tilespmem:$0x28F0];
	[tilespmem:$0x1AE0] =	vst v0  }
0x2b9: {  	v0 =	vld.idx.msk [tilespmem:v61+s3+$0x0], $0xffff;
	_ =	sdelay $0x4  }
0x2ba: {  	v0 =	vadd.s32 v0, v63  }
0x2bb: {  	[tilespmem:$0x1AF0] =	vst v0  }
0x2bc: {  	[tilespmem:s13], [sflag:$0x1] =	stream.indirect.gather [hbm4b:s4+s12], $0x20, s10, s12, $0xb8;
	[tilespmem:$0x1E900] =	vst v63  }
0x2bd: {  	_ =	swait.ge [sflag:s14], $0x1C000  }
0x2be: {  	p0 =	sne.s32 s8, $0x1;
	[sflag:s14] =	ssyncset.done $0x0  }
.Ltmp0:
0x2bf: {  	[sflag:s14] =	ssyncadd.s32 $0xFFFE4000;
	(pc) =	sbr.rel @p0 .LBB2_1-.Ltmp0, $4  }
0x2c0: {  	[hbm4b:s7+s3] =	stream.linear.scatter [tilespmem:s13], [sflag:$0x2], $0x1C000, $0x38;
	[tilespmem:$0x1E900] =	vst v63  }
0x2c1: {  	_ =	swait.ge [sflag:s9], $0x1C000  }
0x2c2: {  	[sflag:s9] =	ssyncset.done $0x0  }
0x2c3: {  	s8 =	sadd.s32 $0xFFFFFFFF, s8;
	[sflag:s9] =	ssyncadd.s32 $0xFFFE4000  }
0x2c4: {  	_ =	sfence.sel $0x180000  }
0x2c5: {  	[bflag:$0x0] =	sbarrier.arrive $0xFFFF  }
0x2c6: {  	p0 =	sne.s32 s0, $0x0;
	_ =	strace $0x90000047  }
0x2c7: {  	s0 =	sadd.s32 @!p0 $0x100000, s1;
	[bflag:$0x2] =	sbarrier.arrive $0xFFFF  }
0x2c8: {  	[sflag:s0] =	ssyncadd.tile.s32 @!p0 $0x1;
	_ =	shalt  }
.Lfunc_end2:
_tile_overlayer_lowered:
.L_overlay_start_2:
0x2c9: {  	(tag) =	ssettag $0x2  }
0x2ca: {  	s0 =	rddreg [dreg:$0x0];
	s2 =	stileid.u32  }
0x2cb: {  	s1 =	rddreg [dreg:$0x1];
	p0 =	sne.s32 s2, $0x0  }
0x2cc: {  	s3 =	rddreg [dreg:$0x2];
	[bflag:$0x3] =	sbarrier.arrive $0xFFFF;
	s2 =	simm.s32 @!p0 $0x1C02  }
0x2cd: {  	[timem:s3], [sflag:s2] =	dma.local @!p0 [hbm:s0], s1  }
0x2ce: {  	s0 =	simm.s32 @!p0 $0x2  }
0x2cf: {  	_ =	swait.ge @!p0 [sflag:s0], s1  }
0x2d0: {  	s1 =	ssub.s32 @!p0 $0x0, s1;
	[sflag:s0] =	ssyncset.done @!p0 $0x0  }
0x2d1: {  	[sflag:s0] =	ssyncadd.s32 @!p0 s1  }
0x2d2: {  	[bflag:$0x3] =	sbarrier.arrive $0xFFFF  }
0x2d3: {  	_ =	shalt  }

</sc_bundles>
